<compile_context>
chip_gen: v7x
topology: tpu7x:2x2x1
jax: 0.10.2.dev20260603
libtpu: 0.0.44.dev20260713+nightly
codegen_flags: <defaults>
</compile_context>

<pallas_src>
import functools

import jax
import jax.numpy as jnp
from jax import lax
from jax.experimental import pallas as pl

N_NODES = 10000
WINDOW = 3
NFEAT = 128
NHID = 128
N_TOTAL = N_NODES * WINDOW
N_EDGES = 480000

_BLK = 400
_NBLK = N_NODES // _BLK


def _fused_dense_body(h1t0, h1t1, h1t2, h2t0, h2t1, h2t2, xt0, xt1, xt2,
                      Wih0, Whh0, b0, Wih1, Whh1, b1v,
                      awW, awb, avW, avb, f1W, f1b, f2W, f2b, out):
    def mm(a, w):
        return lax.dot_general(a, w[...], (((1,), (1,)), ((), ())),
                               preferred_element_type=jnp.float32)

    xs = [jnp.concatenate([h1t0[...], h2t0[...]], axis=1),
          jnp.concatenate([h1t1[...], h2t1[...]], axis=1),
          jnp.concatenate([h1t2[...], h2t2[...]], axis=1)]

    def lstm(inputs, Wih, Whh, b):
        h = jnp.zeros((inputs[0].shape[0], NHID), jnp.float32)
        c = h
        ys = []
        for t in range(WINDOW):
            g = mm(inputs[t], Wih) + mm(h, Whh) + b[...]
            i, f, gg, o = jnp.split(g, 4, axis=-1)
            c = jax.nn.sigmoid(f) * c + jax.nn.sigmoid(i) * jnp.tanh(gg)
            h = jax.nn.sigmoid(o) * jnp.tanh(c)
            ys.append(h)
        return ys

    ys0 = lstm(xs, Wih0, Whh0, b0)
    ys1 = lstm(ys0, Wih1, Whh1, b1v)

    scores = []
    for t in range(WINDOW):
        a = jnp.tanh(mm(ys1[t], awW) + awb[...])
        scores.append(jnp.sum(a * avW[...], axis=1, keepdims=True)
                      + avb[0, 0])
    m = jnp.maximum(jnp.maximum(scores[0], scores[1]), scores[2])
    es = [jnp.exp(s - m) for s in scores]
    tot = es[0] + es[1] + es[2]
    h_att = (ys1[0] * (es[0] / tot) + ys1[1] * (es[1] / tot)
             + ys1[2] * (es[2] / tot))

    cat = jnp.concatenate([h_att, xt0[...], xt1[...], xt2[...]], axis=1)
    o1 = jax.nn.relu(mm(cat, f1W) + f1b[...])
    o2 = jax.nn.relu(jnp.sum(o1 * f2W[...], axis=1, keepdims=True)
                     + f2b[0, 0])
    out[...] = o2


def _fused_dense(h1, h2, x, Wih0, Whh0, b0, Wih1, Whh1, b1v,
                 awW, awb, avW, avb, f1W, f1b, f2W, f2b):
    def row_spec(t):
        return pl.BlockSpec((_BLK, NFEAT), lambda i, t=t: (i + t * _NBLK, 0))

    full = lambda s: pl.BlockSpec(s, lambda i: tuple(0 for _ in s))
    in_specs = (
        [row_spec(t) for t in range(3)]
        + [row_spec(t) for t in range(3)]
        + [row_spec(t) for t in range(3)]
        + [full((4 * NHID, 2 * NHID)), full((4 * NHID, NHID)), full((1, 4 * NHID)),
           full((4 * NHID, NHID)), full((4 * NHID, NHID)), full((1, 4 * NHID)),
           full((NHID // 2, NHID)), full((1, NHID // 2)),
           full((1, NHID // 2)), full((1, 1)),
           full((NHID, NHID + WINDOW * NFEAT)), full((1, NHID)),
           full((1, NHID)), full((1, 1))]
    )
    return pl.pallas_call(
        _fused_dense_body,
        grid=(_NBLK,),
        in_specs=in_specs,
        out_specs=pl.BlockSpec((_BLK, 1), lambda i: (i, 0)),
        out_shape=jax.ShapeDtypeStruct((N_NODES, 1), jnp.float32),
    )(h1, h1, h1, h2, h2, h2, x, x, x,
      Wih0, Whh0, b0, Wih1, Whh1, b1v, awW, awb, avW, avb, f1W, f1b, f2W, f2b)


def _gcn_conv(x, edge_index, edge_weight, W, b, dinv):
    row, col = edge_index[0], edge_index[1]
    h = x @ W.T
    hp = dinv[:, None] * h
    s = jax.ops.segment_sum(hp[row] * edge_weight[:, None], col,
                            num_segments=N_TOTAL)
    return dinv[:, None] * s + dinv[:, None] ** 2 * h + b


def _batch_norm(z, g, b):
    m = jnp.mean(z, axis=0)
    v = jnp.var(z, axis=0)
    return (z - m) * lax.rsqrt(v + 1e-5) * g + b


def kernel(x, edge_index, edge_weight, W1, b1, W2, b2, bn1_g, bn1_b, bn2_g,
           bn2_b, Wih0, Whh0, bih0, bhh0, Wih1, Whh1, bih1, bhh1,
           attn_w_W, attn_w_b, attn_v_W, attn_v_b, fc1_W, fc1_b, fc2_W, fc2_b):
    col = edge_index[1]
    deg = jax.ops.segment_sum(edge_weight, col, num_segments=N_TOTAL) + 1.0
    dinv = lax.rsqrt(deg)

    h1 = jax.nn.relu(_gcn_conv(x, edge_index, edge_weight, W1, b1, dinv))
    h1 = _batch_norm(h1, bn1_g, bn1_b)
    h2 = jax.nn.relu(_gcn_conv(h1, edge_index, edge_weight, W2, b2, dinv))
    h2 = _batch_norm(h2, bn2_g, bn2_b)

    out = _fused_dense(
        h1, h2, x,
        Wih0, Whh0, (bih0 + bhh0)[None, :], Wih1, Whh1, (bih1 + bhh1)[None, :],
        attn_w_W, attn_w_b[None, :], attn_v_W, attn_v_b[None, :],
        fc1_W, fc1_b[None, :], fc2_W, fc2_b[None, :])
    return out.reshape(-1)

# --- scband reference (transcript-rebuilt; emitter-appended) ---
"""Pipeline reference for scband-mpnn-lstm-attn3-57183194579540 (READ-ONLY COPY).

The authoritative reference and input builder live on the scoring server;
editing this copy changes nothing except your own understanding.
"""

import jax, jax.numpy as jnp
import numpy as np

N_NODES = 10000
WINDOW = 3
NFEAT = 128
NHID = 128
NOUT = 1
N_TOTAL = N_NODES * WINDOW
N_EDGES = 480000


def setup_inputs(seed: int = 0) -> dict:
    key = jax.random.key(seed)
    ks = jax.random.split(key, 16)
    s = 0.05
    inp = {}
    inp["x"] = jax.random.normal(ks[0], (N_TOTAL, NFEAT), dtype=jnp.float32)
    inp["edge_index"] = jax.random.randint(ks[1], (2, N_EDGES), 0, N_TOTAL, dtype=jnp.int32)
    inp["edge_weight"] = jax.random.uniform(ks[2], (N_EDGES,), dtype=jnp.float32)
    inp["W1"] = jax.random.normal(ks[3], (NHID, NFEAT), dtype=jnp.float32) * s
    inp["b1"] = jnp.zeros((NHID,), dtype=jnp.float32)
    inp["W2"] = jax.random.normal(ks[4], (NHID, NHID), dtype=jnp.float32) * s
    inp["b2"] = jnp.zeros((NHID,), dtype=jnp.float32)
    inp["bn1_g"] = jnp.ones((NHID,), dtype=jnp.float32)
    inp["bn1_b"] = jnp.zeros((NHID,), dtype=jnp.float32)
    inp["bn2_g"] = jnp.ones((NHID,), dtype=jnp.float32)
    inp["bn2_b"] = jnp.zeros((NHID,), dtype=jnp.float32)
    inp["Wih0"] = jax.random.normal(ks[5], (4 * NHID, 2 * NHID), dtype=jnp.float32) * s
    inp["Whh0"] = jax.random.normal(ks[6], (4 * NHID, NHID), dtype=jnp.float32) * s
    inp["bih0"] = jnp.zeros((4 * NHID,), dtype=jnp.float32)
    inp["bhh0"] = jnp.zeros((4 * NHID,), dtype=jnp.float32)
    inp["Wih1"] = jax.random.normal(ks[7], (4 * NHID, NHID), dtype=jnp.float32) * s
    inp["Whh1"] = jax.random.normal(ks[8], (4 * NHID, NHID), dtype=jnp.float32) * s
    inp["bih1"] = jnp.zeros((4 * NHID,), dtype=jnp.float32)
    inp["bhh1"] = jnp.zeros((4 * NHID,), dtype=jnp.float32)
    inp["attn_w_W"] = jax.random.normal(ks[9], (NHID // 2, NHID), dtype=jnp.float32) * s
    inp["attn_w_b"] = jnp.zeros((NHID // 2,), dtype=jnp.float32)
    inp["attn_v_W"] = jax.random.normal(ks[10], (1, NHID // 2), dtype=jnp.float32) * s
    inp["attn_v_b"] = jnp.zeros((1,), dtype=jnp.float32)
    inp["fc1_W"] = jax.random.normal(ks[11], (NHID, NHID + WINDOW * NFEAT), dtype=jnp.float32) * s
    inp["fc1_b"] = jnp.zeros((NHID,), dtype=jnp.float32)
    inp["fc2_W"] = jax.random.normal(ks[12], (NOUT, NHID), dtype=jnp.float32) * s
    inp["fc2_b"] = jnp.zeros((NOUT,), dtype=jnp.float32)
    return inp


def gcn_conv(x, edge_index, edge_weight, W, b):
    n = x.shape[0]
    loop = jnp.arange(n, dtype=edge_index.dtype)
    row = jnp.concatenate([edge_index[0], loop])
    col = jnp.concatenate([edge_index[1], loop])
    ew = jnp.concatenate([edge_weight, jnp.ones((n,), dtype=edge_weight.dtype)])
    deg = jax.ops.segment_sum(ew, col, num_segments=n)
    dinv = jnp.where(deg > 0, jax.lax.rsqrt(jnp.maximum(deg, 1e-12)), 0.0)
    norm = dinv[row] * ew * dinv[col]
    h = x @ W.T
    out = jax.ops.segment_sum(h[row] * norm[:, None], col, num_segments=n)
    return out + b


def batch_norm(x, g, b):
    m = jnp.mean(x, axis=0)
    v = jnp.var(x, axis=0)
    return (x - m) * jax.lax.rsqrt(v + 1e-5) * g + b


def lstm_layer(xs, Wih, Whh, bih, bhh):
    B = xs.shape[1]
    H = Whh.shape[1]
    def step(carry, xt):
        h, c = carry
        gates = xt @ Wih.T + h @ Whh.T + bih + bhh
        i, f, g, o = jnp.split(gates, 4, axis=-1)
        c = jax.nn.sigmoid(f) * c + jax.nn.sigmoid(i) * jnp.tanh(g)
        h = jax.nn.sigmoid(o) * jnp.tanh(c)
        return (h, c), h
    init = (jnp.zeros((B, H), xs.dtype), jnp.zeros((B, H), xs.dtype))
    _, ys = jax.lax.scan(step, init, xs)
    return ys


def reference(x, edge_index, edge_weight, W1, b1, W2, b2, bn1_g, bn1_b, bn2_g, bn2_b,
              Wih0, Whh0, bih0, bhh0, Wih1, Whh1, bih1, bhh1,
              attn_w_W, attn_w_b, attn_v_W, attn_v_b, fc1_W, fc1_b, fc2_W, fc2_b):
    skip = x.reshape(-1, WINDOW, N_NODES, NFEAT)
    skip = jnp.transpose(skip, (0, 2, 1, 3)).reshape(-1, WINDOW, NFEAT)
    h1 = jax.nn.relu(gcn_conv(x, edge_index, edge_weight, W1, b1))
    h1 = batch_norm(h1, bn1_g, bn1_b)
    h2 = jax.nn.relu(gcn_conv(h1, edge_index, edge_weight, W2, b2))
    h2 = batch_norm(h2, bn2_g, bn2_b)
    h = jnp.concatenate([h1, h2], axis=1)
    h = h.reshape(-1, WINDOW, N_NODES, 2 * NHID)
    h = jnp.transpose(h, (1, 0, 2, 3)).reshape(WINDOW, -1, 2 * NHID)
    h = lstm_layer(h, Wih0, Whh0, bih0, bhh0)
    h = lstm_layer(h, Wih1, Whh1, bih1, bhh1)
    a = jnp.tanh(h @ attn_w_W.T + attn_w_b)
    a = a @ attn_v_W.T + attn_v_b
    w = jax.nn.softmax(a, axis=0)
    h = jnp.sum(h * w, axis=0)
    sk = skip.reshape(skip.shape[0], -1)
    out = jnp.concatenate([h, sk], axis=1)
    out = jax.nn.relu(out @ fc1_W.T + fc1_b)
    out = jax.nn.relu(out @ fc2_W.T + fc2_b)
    return out.reshape(-1)

if __name__ == "__main__":
    import jax
    _d = setup_inputs()
    print(jax.jit(kernel)(*tuple(_d.values())))

</pallas_src>

<mosaic_0001>
module attributes {stable_mosaic.version = 14 : i64} {
  func.func @_fused_dense_body(%arg0: i32, %arg1: memref<400x128xf32, #tpu.memory_space<vmem>>, %arg2: memref<400x128xf32, #tpu.memory_space<vmem>>, %arg3: memref<400x128xf32, #tpu.memory_space<vmem>>, %arg4: memref<400x128xf32, #tpu.memory_space<vmem>>, %arg5: memref<400x128xf32, #tpu.memory_space<vmem>>, %arg6: memref<400x128xf32, #tpu.memory_space<vmem>>, %arg7: memref<400x128xf32, #tpu.memory_space<vmem>>, %arg8: memref<400x128xf32, #tpu.memory_space<vmem>>, %arg9: memref<400x128xf32, #tpu.memory_space<vmem>>, %arg10: memref<512x256xf32, #tpu.memory_space<vmem>>, %arg11: memref<512x128xf32, #tpu.memory_space<vmem>>, %arg12: memref<1x512xf32, #tpu.memory_space<vmem>>, %arg13: memref<512x128xf32, #tpu.memory_space<vmem>>, %arg14: memref<512x128xf32, #tpu.memory_space<vmem>>, %arg15: memref<1x512xf32, #tpu.memory_space<vmem>>, %arg16: memref<64x128xf32, #tpu.memory_space<vmem>>, %arg17: memref<1x64xf32, #tpu.memory_space<vmem>>, %arg18: memref<1x64xf32, #tpu.memory_space<vmem>>, %arg19: memref<1x1xf32, #tpu.memory_space<vmem>>, %arg20: memref<128x512xf32, #tpu.memory_space<vmem>>, %arg21: memref<1x128xf32, #tpu.memory_space<vmem>>, %arg22: memref<1x128xf32, #tpu.memory_space<vmem>>, %arg23: memref<1x1xf32, #tpu.memory_space<vmem>>, %arg24: memref<400x1xf32, #tpu.memory_space<vmem>>) attributes {dimension_semantics = [#tpu.dimension_semantics<arbitrary>], iteration_bounds = array<i64: 25>, scalar_prefetch = 0 : i64, scratch_operands = 0 : i64, tpu.core_type = #tpu.core_type<tc>, window_params = [{transform_indices = @transform_0, window_bounds = array<i64: 400, 128>}, {transform_indices = @transform_1, window_bounds = array<i64: 400, 128>}, {transform_indices = @transform_2, window_bounds = array<i64: 400, 128>}, {transform_indices = @transform_3, window_bounds = array<i64: 400, 128>}, {transform_indices = @transform_4, window_bounds = array<i64: 400, 128>}, {transform_indices = @transform_5, window_bounds = array<i64: 400, 128>}, {transform_indices = @transform_6, window_bounds = array<i64: 400, 128>}, {transform_indices = @transform_7, window_bounds = array<i64: 400, 128>}, {transform_indices = @transform_8, window_bounds = array<i64: 400, 128>}, {pipeline_mode = #tpu.pipeline_mode<synchronous>, transform_indices = @transform_9, window_bounds = array<i64: 512, 256>}, {pipeline_mode = #tpu.pipeline_mode<synchronous>, transform_indices = @transform_10, window_bounds = array<i64: 512, 128>}, {pipeline_mode = #tpu.pipeline_mode<synchronous>, transform_indices = @transform_11, window_bounds = array<i64: 1, 512>}, {pipeline_mode = #tpu.pipeline_mode<synchronous>, transform_indices = @transform_12, window_bounds = array<i64: 512, 128>}, {pipeline_mode = #tpu.pipeline_mode<synchronous>, transform_indices = @transform_13, window_bounds = array<i64: 512, 128>}, {pipeline_mode = #tpu.pipeline_mode<synchronous>, transform_indices = @transform_14, window_bounds = array<i64: 1, 512>}, {pipeline_mode = #tpu.pipeline_mode<synchronous>, transform_indices = @transform_15, window_bounds = array<i64: 64, 128>}, {pipeline_mode = #tpu.pipeline_mode<synchronous>, transform_indices = @transform_16, window_bounds = array<i64: 1, 64>}, {pipeline_mode = #tpu.pipeline_mode<synchronous>, transform_indices = @transform_17, window_bounds = array<i64: 1, 64>}, {pipeline_mode = #tpu.pipeline_mode<synchronous>, transform_indices = @transform_18, window_bounds = array<i64: 1, 1>}, {pipeline_mode = #tpu.pipeline_mode<synchronous>, transform_indices = @transform_19, window_bounds = array<i64: 128, 512>}, {pipeline_mode = #tpu.pipeline_mode<synchronous>, transform_indices = @transform_20, window_bounds = array<i64: 1, 128>}, {pipeline_mode = #tpu.pipeline_mode<synchronous>, transform_indices = @transform_21, window_bounds = array<i64: 1, 128>}, {pipeline_mode = #tpu.pipeline_mode<synchronous>, transform_indices = @transform_22, window_bounds = array<i64: 1, 1>}, {transform_indices = @transform_23, window_bounds = array<i64: 400, 1>}]} {
    %get3A = arith.constant 0 : index
    %get3A_0 = arith.constant 0 : index
    %get3A_1 = vector.load %arg1[%get3A, %get3A_0] : memref<400x128xf32, #tpu.memory_space<vmem>>, vector<400x128xf32>
    %get3A_2 = arith.constant 0 : index
    %get3A_3 = arith.constant 0 : index
    %get3A_4 = vector.load %arg4[%get3A_2, %get3A_3] : memref<400x128xf32, #tpu.memory_space<vmem>>, vector<400x128xf32>
    %concatenate3A = tpu.concatenate %get3A_1, %get3A_4 in 1 : vector<400x128xf32>, vector<400x128xf32> -> vector<400x256xf32>
    %get3A_5 = arith.constant 0 : index
    %get3A_6 = arith.constant 0 : index
    %get3A_7 = vector.load %arg2[%get3A_5, %get3A_6] : memref<400x128xf32, #tpu.memory_space<vmem>>, vector<400x128xf32>
    %get3A_8 = arith.constant 0 : index
    %get3A_9 = arith.constant 0 : index
    %get3A_10 = vector.load %arg5[%get3A_8, %get3A_9] : memref<400x128xf32, #tpu.memory_space<vmem>>, vector<400x128xf32>
    %concatenate3A_11 = tpu.concatenate %get3A_7, %get3A_10 in 1 : vector<400x128xf32>, vector<400x128xf32> -> vector<400x256xf32>
    %get3A_12 = arith.constant 0 : index
    %get3A_13 = arith.constant 0 : index
    %get3A_14 = vector.load %arg3[%get3A_12, %get3A_13] : memref<400x128xf32, #tpu.memory_space<vmem>>, vector<400x128xf32>
    %get3A_15 = arith.constant 0 : index
    %get3A_16 = arith.constant 0 : index
    %get3A_17 = vector.load %arg6[%get3A_15, %get3A_16] : memref<400x128xf32, #tpu.memory_space<vmem>>, vector<400x128xf32>
    %concatenate3A_18 = tpu.concatenate %get3A_14, %get3A_17 in 1 : vector<400x128xf32>, vector<400x128xf32> -> vector<400x256xf32>
    %broadcast_in_dim3A = arith.constant 0.000000e+00 : f32
    %broadcast_in_dim3A_19 = vector.broadcast %broadcast_in_dim3A : f32 to vector<400x128xf32>
    %get3A_20 = arith.constant 0 : index
    %get3A_21 = arith.constant 0 : index
    %get3A_22 = vector.load %arg10[%get3A_20, %get3A_21] : memref<512x256xf32, #tpu.memory_space<vmem>>, vector<512x256xf32>
    %dot_general3A = arith.constant dense<0.000000e+00> : vector<400x512xf32>
    %dot_general3A_23 = tpu.matmul %concatenate3A, %get3A_22, %dot_general3A {dimension_numbers = #tpu.dot_dimension_numbers<[1], [1], [0], [0], [0, 0, 1, 0], [], []>, transpose_lhs_hint = false} : vector<400x256xf32>, vector<512x256xf32>, vector<400x512xf32> -> vector<400x512xf32>
    %get3A_24 = arith.constant 0 : index
    %get3A_25 = arith.constant 0 : index
    %get3A_26 = vector.load %arg11[%get3A_24, %get3A_25] : memref<512x128xf32, #tpu.memory_space<vmem>>, vector<512x128xf32>
    %dot_general3A_27 = arith.constant dense<0.000000e+00> : vector<400x512xf32>
    %dot_general3A_28 = tpu.matmul %broadcast_in_dim3A_19, %get3A_26, %dot_general3A_27 {dimension_numbers = #tpu.dot_dimension_numbers<[1], [1], [0], [0], [0, 0, 1, 0], [], []>, transpose_lhs_hint = false} : vector<400x128xf32>, vector<512x128xf32>, vector<400x512xf32> -> vector<400x512xf32>
    %add3A = arith.addf %dot_general3A_23, %dot_general3A_28 : vector<400x512xf32>
    %get3A_29 = arith.constant 0 : index
    %get3A_30 = arith.constant 0 : index
    %get3A_31 = vector.load %arg12[%get3A_29, %get3A_30] : memref<1x512xf32, #tpu.memory_space<vmem>>, vector<1x512xf32>
    %add3A_32 = vector.broadcast %get3A_31 : vector<1x512xf32> to vector<400x512xf32>
    %add3A_33 = arith.addf %add3A, %add3A_32 : vector<400x512xf32>
    %split3A = vector.extract_strided_slice %add3A_33 {offsets = [0, 0], sizes = [400, 128], strides = [1, 1]} : vector<400x512xf32> to vector<400x128xf32>
    %split3A_34 = vector.extract_strided_slice %add3A_33 {offsets = [0, 128], sizes = [400, 128], strides = [1, 1]} : vector<400x512xf32> to vector<400x128xf32>
    %split3A_35 = vector.extract_strided_slice %add3A_33 {offsets = [0, 256], sizes = [400, 128], strides = [1, 1]} : vector<400x512xf32> to vector<400x128xf32>
    %split3A_36 = vector.extract_strided_slice %add3A_33 {offsets = [0, 384], sizes = [400, 128], strides = [1, 1]} : vector<400x512xf32> to vector<400x128xf32>
    %logistic3A = arith.negf %split3A_34 : vector<400x128xf32>
    %logistic3A_37 = math.exp %logistic3A : vector<400x128xf32>
    %logistic3A_38 = arith.constant 1.000000e+00 : f32
    %logistic3A_39 = vector.broadcast %logistic3A_38 : f32 to vector<400x128xf32>
    %logistic3A_40 = arith.addf %logistic3A_39, %logistic3A_37 : vector<400x128xf32>
    %logistic3A_41 = arith.divf %logistic3A_39, %logistic3A_40 : vector<400x128xf32>
    %mul3A = arith.mulf %logistic3A_41, %broadcast_in_dim3A_19 : vector<400x128xf32>
    %logistic3A_42 = arith.negf %split3A : vector<400x128xf32>
    %logistic3A_43 = math.exp %logistic3A_42 : vector<400x128xf32>
    %logistic3A_44 = arith.constant 1.000000e+00 : f32
    %logistic3A_45 = vector.broadcast %logistic3A_44 : f32 to vector<400x128xf32>
    %logistic3A_46 = arith.addf %logistic3A_45, %logistic3A_43 : vector<400x128xf32>
    %logistic3A_47 = arith.divf %logistic3A_45, %logistic3A_46 : vector<400x128xf32>
    %tanh3A = math.tanh %split3A_35 : vector<400x128xf32>
    %mul3A_48 = arith.mulf %logistic3A_47, %tanh3A : vector<400x128xf32>
    %add3A_49 = arith.addf %mul3A, %mul3A_48 : vector<400x128xf32>
    %logistic3A_50 = arith.negf %split3A_36 : vector<400x128xf32>
    %logistic3A_51 = math.exp %logistic3A_50 : vector<400x128xf32>
    %logistic3A_52 = arith.constant 1.000000e+00 : f32
    %logistic3A_53 = vector.broadcast %logistic3A_52 : f32 to vector<400x128xf32>
    %logistic3A_54 = arith.addf %logistic3A_53, %logistic3A_51 : vector<400x128xf32>
    %logistic3A_55 = arith.divf %logistic3A_53, %logistic3A_54 : vector<400x128xf32>
    %tanh3A_56 = math.tanh %add3A_49 : vector<400x128xf32>
    %mul3A_57 = arith.mulf %logistic3A_55, %tanh3A_56 : vector<400x128xf32>
    %get3A_58 = arith.constant 0 : index
    %get3A_59 = arith.constant 0 : index
    %get3A_60 = vector.load %arg10[%get3A_58, %get3A_59] : memref<512x256xf32, #tpu.memory_space<vmem>>, vector<512x256xf32>
    %dot_general3A_61 = arith.constant dense<0.000000e+00> : vector<400x512xf32>
    %dot_general3A_62 = tpu.matmul %concatenate3A_11, %get3A_60, %dot_general3A_61 {dimension_numbers = #tpu.dot_dimension_numbers<[1], [1], [0], [0], [0, 0, 1, 0], [], []>, transpose_lhs_hint = false} : vector<400x256xf32>, vector<512x256xf32>, vector<400x512xf32> -> vector<400x512xf32>
    %get3A_63 = arith.constant 0 : index
    %get3A_64 = arith.constant 0 : index
    %get3A_65 = vector.load %arg11[%get3A_63, %get3A_64] : memref<512x128xf32, #tpu.memory_space<vmem>>, vector<512x128xf32>
    %dot_general3A_66 = arith.constant dense<0.000000e+00> : vector<400x512xf32>
    %dot_general3A_67 = tpu.matmul %mul3A_57, %get3A_65, %dot_general3A_66 {dimension_numbers = #tpu.dot_dimension_numbers<[1], [1], [0], [0], [0, 0, 1, 0], [], []>, transpose_lhs_hint = false} : vector<400x128xf32>, vector<512x128xf32>, vector<400x512xf32> -> vector<400x512xf32>
    %add3A_68 = arith.addf %dot_general3A_62, %dot_general3A_67 : vector<400x512xf32>
    %get3A_69 = arith.constant 0 : index
    %get3A_70 = arith.constant 0 : index
    %get3A_71 = vector.load %arg12[%get3A_69, %get3A_70] : memref<1x512xf32, #tpu.memory_space<vmem>>, vector<1x512xf32>
    %add3A_72 = vector.broadcast %get3A_71 : vector<1x512xf32> to vector<400x512xf32>
    %add3A_73 = arith.addf %add3A_68, %add3A_72 : vector<400x512xf32>
    %split3A_74 = vector.extract_strided_slice %add3A_73 {offsets = [0, 0], sizes = [400, 128], strides = [1, 1]} : vector<400x512xf32> to vector<400x128xf32>
    %split3A_75 = vector.extract_strided_slice %add3A_73 {offsets = [0, 128], sizes = [400, 128], strides = [1, 1]} : vector<400x512xf32> to vector<400x128xf32>
    %split3A_76 = vector.extract_strided_slice %add3A_73 {offsets = [0, 256], sizes = [400, 128], strides = [1, 1]} : vector<400x512xf32> to vector<400x128xf32>
    %split3A_77 = vector.extract_strided_slice %add3A_73 {offsets = [0, 384], sizes = [400, 128], strides = [1, 1]} : vector<400x512xf32> to vector<400x128xf32>
    %logistic3A_78 = arith.negf %split3A_75 : vector<400x128xf32>
    %logistic3A_79 = math.exp %logistic3A_78 : vector<400x128xf32>
    %logistic3A_80 = arith.constant 1.000000e+00 : f32
    %logistic3A_81 = vector.broadcast %logistic3A_80 : f32 to vector<400x128xf32>
    %logistic3A_82 = arith.addf %logistic3A_81, %logistic3A_79 : vector<400x128xf32>
    %logistic3A_83 = arith.divf %logistic3A_81, %logistic3A_82 : vector<400x128xf32>
    %mul3A_84 = arith.mulf %logistic3A_83, %add3A_49 : vector<400x128xf32>
    %logistic3A_85 = arith.negf %split3A_74 : vector<400x128xf32>
    %logistic3A_86 = math.exp %logistic3A_85 : vector<400x128xf32>
    %logistic3A_87 = arith.constant 1.000000e+00 : f32
    %logistic3A_88 = vector.broadcast %logistic3A_87 : f32 to vector<400x128xf32>
    %logistic3A_89 = arith.addf %logistic3A_88, %logistic3A_86 : vector<400x128xf32>
    %logistic3A_90 = arith.divf %logistic3A_88, %logistic3A_89 : vector<400x128xf32>
    %tanh3A_91 = math.tanh %split3A_76 : vector<400x128xf32>
    %mul3A_92 = arith.mulf %logistic3A_90, %tanh3A_91 : vector<400x128xf32>
    %add3A_93 = arith.addf %mul3A_84, %mul3A_92 : vector<400x128xf32>
    %logistic3A_94 = arith.negf %split3A_77 : vector<400x128xf32>
    %logistic3A_95 = math.exp %logistic3A_94 : vector<400x128xf32>
    %logistic3A_96 = arith.constant 1.000000e+00 : f32
    %logistic3A_97 = vector.broadcast %logistic3A_96 : f32 to vector<400x128xf32>
    %logistic3A_98 = arith.addf %logistic3A_97, %logistic3A_95 : vector<400x128xf32>
    %logistic3A_99 = arith.divf %logistic3A_97, %logistic3A_98 : vector<400x128xf32>
    %tanh3A_100 = math.tanh %add3A_93 : vector<400x128xf32>
    %mul3A_101 = arith.mulf %logistic3A_99, %tanh3A_100 : vector<400x128xf32>
    %get3A_102 = arith.constant 0 : index
    %get3A_103 = arith.constant 0 : index
    %get3A_104 = vector.load %arg10[%get3A_102, %get3A_103] : memref<512x256xf32, #tpu.memory_space<vmem>>, vector<512x256xf32>
    %dot_general3A_105 = arith.constant dense<0.000000e+00> : vector<400x512xf32>
    %dot_general3A_106 = tpu.matmul %concatenate3A_18, %get3A_104, %dot_general3A_105 {dimension_numbers = #tpu.dot_dimension_numbers<[1], [1], [0], [0], [0, 0, 1, 0], [], []>, transpose_lhs_hint = false} : vector<400x256xf32>, vector<512x256xf32>, vector<400x512xf32> -> vector<400x512xf32>
    %get3A_107 = arith.constant 0 : index
    %get3A_108 = arith.constant 0 : index
    %get3A_109 = vector.load %arg11[%get3A_107, %get3A_108] : memref<512x128xf32, #tpu.memory_space<vmem>>, vector<512x128xf32>
    %dot_general3A_110 = arith.constant dense<0.000000e+00> : vector<400x512xf32>
    %dot_general3A_111 = tpu.matmul %mul3A_101, %get3A_109, %dot_general3A_110 {dimension_numbers = #tpu.dot_dimension_numbers<[1], [1], [0], [0], [0, 0, 1, 0], [], []>, transpose_lhs_hint = false} : vector<400x128xf32>, vector<512x128xf32>, vector<400x512xf32> -> vector<400x512xf32>
    %add3A_112 = arith.addf %dot_general3A_106, %dot_general3A_111 : vector<400x512xf32>
    %get3A_113 = arith.constant 0 : index
    %get3A_114 = arith.constant 0 : index
    %get3A_115 = vector.load %arg12[%get3A_113, %get3A_114] : memref<1x512xf32, #tpu.memory_space<vmem>>, vector<1x512xf32>
    %add3A_116 = vector.broadcast %get3A_115 : vector<1x512xf32> to vector<400x512xf32>
    %add3A_117 = arith.addf %add3A_112, %add3A_116 : vector<400x512xf32>
    %split3A_118 = vector.extract_strided_slice %add3A_117 {offsets = [0, 0], sizes = [400, 128], strides = [1, 1]} : vector<400x512xf32> to vector<400x128xf32>
    %split3A_119 = vector.extract_strided_slice %add3A_117 {offsets = [0, 128], sizes = [400, 128], strides = [1, 1]} : vector<400x512xf32> to vector<400x128xf32>
    %split3A_120 = vector.extract_strided_slice %add3A_117 {offsets = [0, 256], sizes = [400, 128], strides = [1, 1]} : vector<400x512xf32> to vector<400x128xf32>
    %split3A_121 = vector.extract_strided_slice %add3A_117 {offsets = [0, 384], sizes = [400, 128], strides = [1, 1]} : vector<400x512xf32> to vector<400x128xf32>
    %logistic3A_122 = arith.negf %split3A_119 : vector<400x128xf32>
    %logistic3A_123 = math.exp %logistic3A_122 : vector<400x128xf32>
    %logistic3A_124 = arith.constant 1.000000e+00 : f32
    %logistic3A_125 = vector.broadcast %logistic3A_124 : f32 to vector<400x128xf32>
    %logistic3A_126 = arith.addf %logistic3A_125, %logistic3A_123 : vector<400x128xf32>
    %logistic3A_127 = arith.divf %logistic3A_125, %logistic3A_126 : vector<400x128xf32>
    %mul3A_128 = arith.mulf %logistic3A_127, %add3A_93 : vector<400x128xf32>
    %logistic3A_129 = arith.negf %split3A_118 : vector<400x128xf32>
    %logistic3A_130 = math.exp %logistic3A_129 : vector<400x128xf32>
    %logistic3A_131 = arith.constant 1.000000e+00 : f32
    %logistic3A_132 = vector.broadcast %logistic3A_131 : f32 to vector<400x128xf32>
    %logistic3A_133 = arith.addf %logistic3A_132, %logistic3A_130 : vector<400x128xf32>
    %logistic3A_134 = arith.divf %logistic3A_132, %logistic3A_133 : vector<400x128xf32>
    %tanh3A_135 = math.tanh %split3A_120 : vector<400x128xf32>
    %mul3A_136 = arith.mulf %logistic3A_134, %tanh3A_135 : vector<400x128xf32>
    %add3A_137 = arith.addf %mul3A_128, %mul3A_136 : vector<400x128xf32>
    %logistic3A_138 = arith.negf %split3A_121 : vector<400x128xf32>
    %logistic3A_139 = math.exp %logistic3A_138 : vector<400x128xf32>
    %logistic3A_140 = arith.constant 1.000000e+00 : f32
    %logistic3A_141 = vector.broadcast %logistic3A_140 : f32 to vector<400x128xf32>
    %logistic3A_142 = arith.addf %logistic3A_141, %logistic3A_139 : vector<400x128xf32>
    %logistic3A_143 = arith.divf %logistic3A_141, %logistic3A_142 : vector<400x128xf32>
    %tanh3A_144 = math.tanh %add3A_137 : vector<400x128xf32>
    %mul3A_145 = arith.mulf %logistic3A_143, %tanh3A_144 : vector<400x128xf32>
    %broadcast_in_dim3A_146 = arith.constant 0.000000e+00 : f32
    %broadcast_in_dim3A_147 = vector.broadcast %broadcast_in_dim3A_146 : f32 to vector<400x128xf32>
    %get3A_148 = arith.constant 0 : index
    %get3A_149 = arith.constant 0 : index
    %get3A_150 = vector.load %arg13[%get3A_148, %get3A_149] : memref<512x128xf32, #tpu.memory_space<vmem>>, vector<512x128xf32>
    %dot_general3A_151 = arith.constant dense<0.000000e+00> : vector<400x512xf32>
    %dot_general3A_152 = tpu.matmul %mul3A_57, %get3A_150, %dot_general3A_151 {dimension_numbers = #tpu.dot_dimension_numbers<[1], [1], [0], [0], [0, 0, 1, 0], [], []>, transpose_lhs_hint = false} : vector<400x128xf32>, vector<512x128xf32>, vector<400x512xf32> -> vector<400x512xf32>
    %get3A_153 = arith.constant 0 : index
    %get3A_154 = arith.constant 0 : index
    %get3A_155 = vector.load %arg14[%get3A_153, %get3A_154] : memref<512x128xf32, #tpu.memory_space<vmem>>, vector<512x128xf32>
    %dot_general3A_156 = arith.constant dense<0.000000e+00> : vector<400x512xf32>
    %dot_general3A_157 = tpu.matmul %broadcast_in_dim3A_147, %get3A_155, %dot_general3A_156 {dimension_numbers = #tpu.dot_dimension_numbers<[1], [1], [0], [0], [0, 0, 1, 0], [], []>, transpose_lhs_hint = false} : vector<400x128xf32>, vector<512x128xf32>, vector<400x512xf32> -> vector<400x512xf32>
    %add3A_158 = arith.addf %dot_general3A_152, %dot_general3A_157 : vector<400x512xf32>
    %get3A_159 = arith.constant 0 : index
    %get3A_160 = arith.constant 0 : index
    %get3A_161 = vector.load %arg15[%get3A_159, %get3A_160] : memref<1x512xf32, #tpu.memory_space<vmem>>, vector<1x512xf32>
    %add3A_162 = vector.broadcast %get3A_161 : vector<1x512xf32> to vector<400x512xf32>
    %add3A_163 = arith.addf %add3A_158, %add3A_162 : vector<400x512xf32>
    %split3A_164 = vector.extract_strided_slice %add3A_163 {offsets = [0, 0], sizes = [400, 128], strides = [1, 1]} : vector<400x512xf32> to vector<400x128xf32>
    %split3A_165 = vector.extract_strided_slice %add3A_163 {offsets = [0, 128], sizes = [400, 128], strides = [1, 1]} : vector<400x512xf32> to vector<400x128xf32>
    %split3A_166 = vector.extract_strided_slice %add3A_163 {offsets = [0, 256], sizes = [400, 128], strides = [1, 1]} : vector<400x512xf32> to vector<400x128xf32>
    %split3A_167 = vector.extract_strided_slice %add3A_163 {offsets = [0, 384], sizes = [400, 128], strides = [1, 1]} : vector<400x512xf32> to vector<400x128xf32>
    %logistic3A_168 = arith.negf %split3A_165 : vector<400x128xf32>
    %logistic3A_169 = math.exp %logistic3A_168 : vector<400x128xf32>
    %logistic3A_170 = arith.constant 1.000000e+00 : f32
    %logistic3A_171 = vector.broadcast %logistic3A_170 : f32 to vector<400x128xf32>
    %logistic3A_172 = arith.addf %logistic3A_171, %logistic3A_169 : vector<400x128xf32>
    %logistic3A_173 = arith.divf %logistic3A_171, %logistic3A_172 : vector<400x128xf32>
    %mul3A_174 = arith.mulf %logistic3A_173, %broadcast_in_dim3A_147 : vector<400x128xf32>
    %logistic3A_175 = arith.negf %split3A_164 : vector<400x128xf32>
    %logistic3A_176 = math.exp %logistic3A_175 : vector<400x128xf32>
    %logistic3A_177 = arith.constant 1.000000e+00 : f32
    %logistic3A_178 = vector.broadcast %logistic3A_177 : f32 to vector<400x128xf32>
    %logistic3A_179 = arith.addf %logistic3A_178, %logistic3A_176 : vector<400x128xf32>
    %logistic3A_180 = arith.divf %logistic3A_178, %logistic3A_179 : vector<400x128xf32>
    %tanh3A_181 = math.tanh %split3A_166 : vector<400x128xf32>
    %mul3A_182 = arith.mulf %logistic3A_180, %tanh3A_181 : vector<400x128xf32>
    %add3A_183 = arith.addf %mul3A_174, %mul3A_182 : vector<400x128xf32>
    %logistic3A_184 = arith.negf %split3A_167 : vector<400x128xf32>
    %logistic3A_185 = math.exp %logistic3A_184 : vector<400x128xf32>
    %logistic3A_186 = arith.constant 1.000000e+00 : f32
    %logistic3A_187 = vector.broadcast %logistic3A_186 : f32 to vector<400x128xf32>
    %logistic3A_188 = arith.addf %logistic3A_187, %logistic3A_185 : vector<400x128xf32>
    %logistic3A_189 = arith.divf %logistic3A_187, %logistic3A_188 : vector<400x128xf32>
    %tanh3A_190 = math.tanh %add3A_183 : vector<400x128xf32>
    %mul3A_191 = arith.mulf %logistic3A_189, %tanh3A_190 : vector<400x128xf32>
    %get3A_192 = arith.constant 0 : index
    %get3A_193 = arith.constant 0 : index
    %get3A_194 = vector.load %arg13[%get3A_192, %get3A_193] : memref<512x128xf32, #tpu.memory_space<vmem>>, vector<512x128xf32>
    %dot_general3A_195 = arith.constant dense<0.000000e+00> : vector<400x512xf32>
    %dot_general3A_196 = tpu.matmul %mul3A_101, %get3A_194, %dot_general3A_195 {dimension_numbers = #tpu.dot_dimension_numbers<[1], [1], [0], [0], [0, 0, 1, 0], [], []>, transpose_lhs_hint = false} : vector<400x128xf32>, vector<512x128xf32>, vector<400x512xf32> -> vector<400x512xf32>
    %get3A_197 = arith.constant 0 : index
    %get3A_198 = arith.constant 0 : index
    %get3A_199 = vector.load %arg14[%get3A_197, %get3A_198] : memref<512x128xf32, #tpu.memory_space<vmem>>, vector<512x128xf32>
    %dot_general3A_200 = arith.constant dense<0.000000e+00> : vector<400x512xf32>
    %dot_general3A_201 = tpu.matmul %mul3A_191, %get3A_199, %dot_general3A_200 {dimension_numbers = #tpu.dot_dimension_numbers<[1], [1], [0], [0], [0, 0, 1, 0], [], []>, transpose_lhs_hint = false} : vector<400x128xf32>, vector<512x128xf32>, vector<400x512xf32> -> vector<400x512xf32>
    %add3A_202 = arith.addf %dot_general3A_196, %dot_general3A_201 : vector<400x512xf32>
    %get3A_203 = arith.constant 0 : index
    %get3A_204 = arith.constant 0 : index
    %get3A_205 = vector.load %arg15[%get3A_203, %get3A_204] : memref<1x512xf32, #tpu.memory_space<vmem>>, vector<1x512xf32>
    %add3A_206 = vector.broadcast %get3A_205 : vector<1x512xf32> to vector<400x512xf32>
    %add3A_207 = arith.addf %add3A_202, %add3A_206 : vector<400x512xf32>
    %split3A_208 = vector.extract_strided_slice %add3A_207 {offsets = [0, 0], sizes = [400, 128], strides = [1, 1]} : vector<400x512xf32> to vector<400x128xf32>
    %split3A_209 = vector.extract_strided_slice %add3A_207 {offsets = [0, 128], sizes = [400, 128], strides = [1, 1]} : vector<400x512xf32> to vector<400x128xf32>
    %split3A_210 = vector.extract_strided_slice %add3A_207 {offsets = [0, 256], sizes = [400, 128], strides = [1, 1]} : vector<400x512xf32> to vector<400x128xf32>
    %split3A_211 = vector.extract_strided_slice %add3A_207 {offsets = [0, 384], sizes = [400, 128], strides = [1, 1]} : vector<400x512xf32> to vector<400x128xf32>
    %logistic3A_212 = arith.negf %split3A_209 : vector<400x128xf32>
    %logistic3A_213 = math.exp %logistic3A_212 : vector<400x128xf32>
    %logistic3A_214 = arith.constant 1.000000e+00 : f32
    %logistic3A_215 = vector.broadcast %logistic3A_214 : f32 to vector<400x128xf32>
    %logistic3A_216 = arith.addf %logistic3A_215, %logistic3A_213 : vector<400x128xf32>
    %logistic3A_217 = arith.divf %logistic3A_215, %logistic3A_216 : vector<400x128xf32>
    %mul3A_218 = arith.mulf %logistic3A_217, %add3A_183 : vector<400x128xf32>
    %logistic3A_219 = arith.negf %split3A_208 : vector<400x128xf32>
    %logistic3A_220 = math.exp %logistic3A_219 : vector<400x128xf32>
    %logistic3A_221 = arith.constant 1.000000e+00 : f32
    %logistic3A_222 = vector.broadcast %logistic3A_221 : f32 to vector<400x128xf32>
    %logistic3A_223 = arith.addf %logistic3A_222, %logistic3A_220 : vector<400x128xf32>
    %logistic3A_224 = arith.divf %logistic3A_222, %logistic3A_223 : vector<400x128xf32>
    %tanh3A_225 = math.tanh %split3A_210 : vector<400x128xf32>
    %mul3A_226 = arith.mulf %logistic3A_224, %tanh3A_225 : vector<400x128xf32>
    %add3A_227 = arith.addf %mul3A_218, %mul3A_226 : vector<400x128xf32>
    %logistic3A_228 = arith.negf %split3A_211 : vector<400x128xf32>
    %logistic3A_229 = math.exp %logistic3A_228 : vector<400x128xf32>
    %logistic3A_230 = arith.constant 1.000000e+00 : f32
    %logistic3A_231 = vector.broadcast %logistic3A_230 : f32 to vector<400x128xf32>
    %logistic3A_232 = arith.addf %logistic3A_231, %logistic3A_229 : vector<400x128xf32>
    %logistic3A_233 = arith.divf %logistic3A_231, %logistic3A_232 : vector<400x128xf32>
    %tanh3A_234 = math.tanh %add3A_227 : vector<400x128xf32>
    %mul3A_235 = arith.mulf %logistic3A_233, %tanh3A_234 : vector<400x128xf32>
    %get3A_236 = arith.constant 0 : index
    %get3A_237 = arith.constant 0 : index
    %get3A_238 = vector.load %arg13[%get3A_236, %get3A_237] : memref<512x128xf32, #tpu.memory_space<vmem>>, vector<512x128xf32>
    %dot_general3A_239 = arith.constant dense<0.000000e+00> : vector<400x512xf32>
    %dot_general3A_240 = tpu.matmul %mul3A_145, %get3A_238, %dot_general3A_239 {dimension_numbers = #tpu.dot_dimension_numbers<[1], [1], [0], [0], [0, 0, 1, 0], [], []>, transpose_lhs_hint = false} : vector<400x128xf32>, vector<512x128xf32>, vector<400x512xf32> -> vector<400x512xf32>
    %get3A_241 = arith.constant 0 : index
    %get3A_242 = arith.constant 0 : index
    %get3A_243 = vector.load %arg14[%get3A_241, %get3A_242] : memref<512x128xf32, #tpu.memory_space<vmem>>, vector<512x128xf32>
    %dot_general3A_244 = arith.constant dense<0.000000e+00> : vector<400x512xf32>
    %dot_general3A_245 = tpu.matmul %mul3A_235, %get3A_243, %dot_general3A_244 {dimension_numbers = #tpu.dot_dimension_numbers<[1], [1], [0], [0], [0, 0, 1, 0], [], []>, transpose_lhs_hint = false} : vector<400x128xf32>, vector<512x128xf32>, vector<400x512xf32> -> vector<400x512xf32>
    %add3A_246 = arith.addf %dot_general3A_240, %dot_general3A_245 : vector<400x512xf32>
    %get3A_247 = arith.constant 0 : index
    %get3A_248 = arith.constant 0 : index
    %get3A_249 = vector.load %arg15[%get3A_247, %get3A_248] : memref<1x512xf32, #tpu.memory_space<vmem>>, vector<1x512xf32>
    %add3A_250 = vector.broadcast %get3A_249 : vector<1x512xf32> to vector<400x512xf32>
    %add3A_251 = arith.addf %add3A_246, %add3A_250 : vector<400x512xf32>
    %split3A_252 = vector.extract_strided_slice %add3A_251 {offsets = [0, 0], sizes = [400, 128], strides = [1, 1]} : vector<400x512xf32> to vector<400x128xf32>
    %split3A_253 = vector.extract_strided_slice %add3A_251 {offsets = [0, 128], sizes = [400, 128], strides = [1, 1]} : vector<400x512xf32> to vector<400x128xf32>
    %split3A_254 = vector.extract_strided_slice %add3A_251 {offsets = [0, 256], sizes = [400, 128], strides = [1, 1]} : vector<400x512xf32> to vector<400x128xf32>
    %split3A_255 = vector.extract_strided_slice %add3A_251 {offsets = [0, 384], sizes = [400, 128], strides = [1, 1]} : vector<400x512xf32> to vector<400x128xf32>
    %logistic3A_256 = arith.negf %split3A_253 : vector<400x128xf32>
    %logistic3A_257 = math.exp %logistic3A_256 : vector<400x128xf32>
    %logistic3A_258 = arith.constant 1.000000e+00 : f32
    %logistic3A_259 = vector.broadcast %logistic3A_258 : f32 to vector<400x128xf32>
    %logistic3A_260 = arith.addf %logistic3A_259, %logistic3A_257 : vector<400x128xf32>
    %logistic3A_261 = arith.divf %logistic3A_259, %logistic3A_260 : vector<400x128xf32>
    %mul3A_262 = arith.mulf %logistic3A_261, %add3A_227 : vector<400x128xf32>
    %logistic3A_263 = arith.negf %split3A_252 : vector<400x128xf32>
    %logistic3A_264 = math.exp %logistic3A_263 : vector<400x128xf32>
    %logistic3A_265 = arith.constant 1.000000e+00 : f32
    %logistic3A_266 = vector.broadcast %logistic3A_265 : f32 to vector<400x128xf32>
    %logistic3A_267 = arith.addf %logistic3A_266, %logistic3A_264 : vector<400x128xf32>
    %logistic3A_268 = arith.divf %logistic3A_266, %logistic3A_267 : vector<400x128xf32>
    %tanh3A_269 = math.tanh %split3A_254 : vector<400x128xf32>
    %mul3A_270 = arith.mulf %logistic3A_268, %tanh3A_269 : vector<400x128xf32>
    %add3A_271 = arith.addf %mul3A_262, %mul3A_270 : vector<400x128xf32>
    %logistic3A_272 = arith.negf %split3A_255 : vector<400x128xf32>
    %logistic3A_273 = math.exp %logistic3A_272 : vector<400x128xf32>
    %logistic3A_274 = arith.constant 1.000000e+00 : f32
    %logistic3A_275 = vector.broadcast %logistic3A_274 : f32 to vector<400x128xf32>
    %logistic3A_276 = arith.addf %logistic3A_275, %logistic3A_273 : vector<400x128xf32>
    %logistic3A_277 = arith.divf %logistic3A_275, %logistic3A_276 : vector<400x128xf32>
    %tanh3A_278 = math.tanh %add3A_271 : vector<400x128xf32>
    %mul3A_279 = arith.mulf %logistic3A_277, %tanh3A_278 : vector<400x128xf32>
    %get3A_280 = arith.constant 0 : index
    %get3A_281 = arith.constant 0 : index
    %get3A_282 = vector.load %arg16[%get3A_280, %get3A_281] : memref<64x128xf32, #tpu.memory_space<vmem>>, vector<64x128xf32>
    %dot_general3A_283 = arith.constant dense<0.000000e+00> : vector<400x64xf32>
    %dot_general3A_284 = tpu.matmul %mul3A_191, %get3A_282, %dot_general3A_283 {dimension_numbers = #tpu.dot_dimension_numbers<[1], [1], [0], [0], [0, 0, 1, 0], [], []>, transpose_lhs_hint = false} : vector<400x128xf32>, vector<64x128xf32>, vector<400x64xf32> -> vector<400x64xf32>
    %get3A_285 = arith.constant 0 : index
    %get3A_286 = arith.constant 0 : index
    %get3A_287 = vector.load %arg17[%get3A_285, %get3A_286] : memref<1x64xf32, #tpu.memory_space<vmem>>, vector<1x64xf32>
    %add3A_288 = vector.broadcast %get3A_287 : vector<1x64xf32> to vector<400x64xf32>
    %add3A_289 = arith.addf %dot_general3A_284, %add3A_288 : vector<400x64xf32>
    %tanh3A_290 = math.tanh %add3A_289 : vector<400x64xf32>
    %get3A_291 = arith.constant 0 : index
    %get3A_292 = arith.constant 0 : index
    %get3A_293 = vector.load %arg18[%get3A_291, %get3A_292] : memref<1x64xf32, #tpu.memory_space<vmem>>, vector<1x64xf32>
    %mul3A_294 = vector.broadcast %get3A_293 : vector<1x64xf32> to vector<400x64xf32>
    %mul3A_295 = arith.mulf %tanh3A_290, %mul3A_294 : vector<400x64xf32>
    %reduce_sum3A = arith.constant dense<0.000000e+00> : vector<400xf32>
    %reduce_sum3A_296 = vector.multi_reduction <add>, %mul3A_295, %reduce_sum3A [1] : vector<400x64xf32> to vector<400xf32>
    %broadcast_in_dim3A_297 = vector.shape_cast %reduce_sum3A_296 : vector<400xf32> to vector<400x1xf32>
    %get3A_298 = arith.constant 0 : index
    %get3A_299 = arith.constant 0 : index
    %get3A_300 = vector.load %arg19[%get3A_298, %get3A_299] : memref<1x1xf32, #tpu.memory_space<vmem>>, vector<1x1xf32>
    %get3A_301 = vector.extract %get3A_300[0, 0] : f32 from vector<1x1xf32>
    %add3A_302 = vector.broadcast %get3A_301 : f32 to vector<400x1xf32>
    %add3A_303 = arith.addf %broadcast_in_dim3A_297, %add3A_302 : vector<400x1xf32>
    %get3A_304 = arith.constant 0 : index
    %get3A_305 = arith.constant 0 : index
    %get3A_306 = vector.load %arg16[%get3A_304, %get3A_305] : memref<64x128xf32, #tpu.memory_space<vmem>>, vector<64x128xf32>
    %dot_general3A_307 = arith.constant dense<0.000000e+00> : vector<400x64xf32>
    %dot_general3A_308 = tpu.matmul %mul3A_235, %get3A_306, %dot_general3A_307 {dimension_numbers = #tpu.dot_dimension_numbers<[1], [1], [0], [0], [0, 0, 1, 0], [], []>, transpose_lhs_hint = false} : vector<400x128xf32>, vector<64x128xf32>, vector<400x64xf32> -> vector<400x64xf32>
    %get3A_309 = arith.constant 0 : index
    %get3A_310 = arith.constant 0 : index
    %get3A_311 = vector.load %arg17[%get3A_309, %get3A_310] : memref<1x64xf32, #tpu.memory_space<vmem>>, vector<1x64xf32>
    %add3A_312 = vector.broadcast %get3A_311 : vector<1x64xf32> to vector<400x64xf32>
    %add3A_313 = arith.addf %dot_general3A_308, %add3A_312 : vector<400x64xf32>
    %tanh3A_314 = math.tanh %add3A_313 : vector<400x64xf32>
    %get3A_315 = arith.constant 0 : index
    %get3A_316 = arith.constant 0 : index
    %get3A_317 = vector.load %arg18[%get3A_315, %get3A_316] : memref<1x64xf32, #tpu.memory_space<vmem>>, vector<1x64xf32>
    %mul3A_318 = vector.broadcast %get3A_317 : vector<1x64xf32> to vector<400x64xf32>
    %mul3A_319 = arith.mulf %tanh3A_314, %mul3A_318 : vector<400x64xf32>
    %reduce_sum3A_320 = arith.constant dense<0.000000e+00> : vector<400xf32>
    %reduce_sum3A_321 = vector.multi_reduction <add>, %mul3A_319, %reduce_sum3A_320 [1] : vector<400x64xf32> to vector<400xf32>
    %broadcast_in_dim3A_322 = vector.shape_cast %reduce_sum3A_321 : vector<400xf32> to vector<400x1xf32>
    %get3A_323 = arith.constant 0 : index
    %get3A_324 = arith.constant 0 : index
    %get3A_325 = vector.load %arg19[%get3A_323, %get3A_324] : memref<1x1xf32, #tpu.memory_space<vmem>>, vector<1x1xf32>
    %get3A_326 = vector.extract %get3A_325[0, 0] : f32 from vector<1x1xf32>
    %add3A_327 = vector.broadcast %get3A_326 : f32 to vector<400x1xf32>
    %add3A_328 = arith.addf %broadcast_in_dim3A_322, %add3A_327 : vector<400x1xf32>
    %get3A_329 = arith.constant 0 : index
    %get3A_330 = arith.constant 0 : index
    %get3A_331 = vector.load %arg16[%get3A_329, %get3A_330] : memref<64x128xf32, #tpu.memory_space<vmem>>, vector<64x128xf32>
    %dot_general3A_332 = arith.constant dense<0.000000e+00> : vector<400x64xf32>
    %dot_general3A_333 = tpu.matmul %mul3A_279, %get3A_331, %dot_general3A_332 {dimension_numbers = #tpu.dot_dimension_numbers<[1], [1], [0], [0], [0, 0, 1, 0], [], []>, transpose_lhs_hint = false} : vector<400x128xf32>, vector<64x128xf32>, vector<400x64xf32> -> vector<400x64xf32>
    %get3A_334 = arith.constant 0 : index
    %get3A_335 = arith.constant 0 : index
    %get3A_336 = vector.load %arg17[%get3A_334, %get3A_335] : memref<1x64xf32, #tpu.memory_space<vmem>>, vector<1x64xf32>
    %add3A_337 = vector.broadcast %get3A_336 : vector<1x64xf32> to vector<400x64xf32>
    %add3A_338 = arith.addf %dot_general3A_333, %add3A_337 : vector<400x64xf32>
    %tanh3A_339 = math.tanh %add3A_338 : vector<400x64xf32>
    %get3A_340 = arith.constant 0 : index
    %get3A_341 = arith.constant 0 : index
    %get3A_342 = vector.load %arg18[%get3A_340, %get3A_341] : memref<1x64xf32, #tpu.memory_space<vmem>>, vector<1x64xf32>
    %mul3A_343 = vector.broadcast %get3A_342 : vector<1x64xf32> to vector<400x64xf32>
    %mul3A_344 = arith.mulf %tanh3A_339, %mul3A_343 : vector<400x64xf32>
    %reduce_sum3A_345 = arith.constant dense<0.000000e+00> : vector<400xf32>
    %reduce_sum3A_346 = vector.multi_reduction <add>, %mul3A_344, %reduce_sum3A_345 [1] : vector<400x64xf32> to vector<400xf32>
    %broadcast_in_dim3A_347 = vector.shape_cast %reduce_sum3A_346 : vector<400xf32> to vector<400x1xf32>
    %get3A_348 = arith.constant 0 : index
    %get3A_349 = arith.constant 0 : index
    %get3A_350 = vector.load %arg19[%get3A_348, %get3A_349] : memref<1x1xf32, #tpu.memory_space<vmem>>, vector<1x1xf32>
    %get3A_351 = vector.extract %get3A_350[0, 0] : f32 from vector<1x1xf32>
    %add3A_352 = vector.broadcast %get3A_351 : f32 to vector<400x1xf32>
    %add3A_353 = arith.addf %broadcast_in_dim3A_347, %add3A_352 : vector<400x1xf32>
    %max3A = arith.maximumf %add3A_303, %add3A_328 : vector<400x1xf32>
    %max3A_354 = arith.maximumf %max3A, %add3A_353 : vector<400x1xf32>
    %sub3A = arith.subf %add3A_303, %max3A_354 : vector<400x1xf32>
    %exp3A = math.exp %sub3A : vector<400x1xf32>
    %sub3A_355 = arith.subf %add3A_328, %max3A_354 : vector<400x1xf32>
    %exp3A_356 = math.exp %sub3A_355 : vector<400x1xf32>
    %sub3A_357 = arith.subf %add3A_353, %max3A_354 : vector<400x1xf32>
    %exp3A_358 = math.exp %sub3A_357 : vector<400x1xf32>
    %add3A_359 = arith.addf %exp3A, %exp3A_356 : vector<400x1xf32>
    %add3A_360 = arith.addf %add3A_359, %exp3A_358 : vector<400x1xf32>
    %div3A = arith.divf %exp3A, %add3A_360 : vector<400x1xf32>
    %mul3A_361 = vector.broadcast %div3A : vector<400x1xf32> to vector<400x128xf32>
    %mul3A_362 = arith.mulf %mul3A_191, %mul3A_361 : vector<400x128xf32>
    %div3A_363 = arith.divf %exp3A_356, %add3A_360 : vector<400x1xf32>
    %mul3A_364 = vector.broadcast %div3A_363 : vector<400x1xf32> to vector<400x128xf32>
    %mul3A_365 = arith.mulf %mul3A_235, %mul3A_364 : vector<400x128xf32>
    %add3A_366 = arith.addf %mul3A_362, %mul3A_365 : vector<400x128xf32>
    %div3A_367 = arith.divf %exp3A_358, %add3A_360 : vector<400x1xf32>
    %mul3A_368 = vector.broadcast %div3A_367 : vector<400x1xf32> to vector<400x128xf32>
    %mul3A_369 = arith.mulf %mul3A_279, %mul3A_368 : vector<400x128xf32>
    %add3A_370 = arith.addf %add3A_366, %mul3A_369 : vector<400x128xf32>
    %get3A_371 = arith.constant 0 : index
    %get3A_372 = arith.constant 0 : index
    %get3A_373 = vector.load %arg7[%get3A_371, %get3A_372] : memref<400x128xf32, #tpu.memory_space<vmem>>, vector<400x128xf32>
    %get3A_374 = arith.constant 0 : index
    %get3A_375 = arith.constant 0 : index
    %get3A_376 = vector.load %arg8[%get3A_374, %get3A_375] : memref<400x128xf32, #tpu.memory_space<vmem>>, vector<400x128xf32>
    %get3A_377 = arith.constant 0 : index
    %get3A_378 = arith.constant 0 : index
    %get3A_379 = vector.load %arg9[%get3A_377, %get3A_378] : memref<400x128xf32, #tpu.memory_space<vmem>>, vector<400x128xf32>
    %concatenate3A_380 = tpu.concatenate %add3A_370, %get3A_373, %get3A_376, %get3A_379 in 1 : vector<400x128xf32>, vector<400x128xf32>, vector<400x128xf32>, vector<400x128xf32> -> vector<400x512xf32>
    %get3A_381 = arith.constant 0 : index
    %get3A_382 = arith.constant 0 : index
    %get3A_383 = vector.load %arg20[%get3A_381, %get3A_382] : memref<128x512xf32, #tpu.memory_space<vmem>>, vector<128x512xf32>
    %dot_general3A_384 = arith.constant dense<0.000000e+00> : vector<400x128xf32>
    %dot_general3A_385 = tpu.matmul %concatenate3A_380, %get3A_383, %dot_general3A_384 {dimension_numbers = #tpu.dot_dimension_numbers<[1], [1], [0], [0], [0, 0, 1, 0], [], []>, transpose_lhs_hint = false} : vector<400x512xf32>, vector<128x512xf32>, vector<400x128xf32> -> vector<400x128xf32>
    %get3A_386 = arith.constant 0 : index
    %get3A_387 = arith.constant 0 : index
    %get3A_388 = vector.load %arg21[%get3A_386, %get3A_387] : memref<1x128xf32, #tpu.memory_space<vmem>>, vector<1x128xf32>
    %add3A_389 = vector.broadcast %get3A_388 : vector<1x128xf32> to vector<400x128xf32>
    %add3A_390 = arith.addf %dot_general3A_385, %add3A_389 : vector<400x128xf32>
    %max3A_391 = arith.constant 0.000000e+00 : f32
    %max3A_392 = vector.broadcast %max3A_391 : f32 to vector<400x128xf32>
    %max3A_393 = arith.maximumf %add3A_390, %max3A_392 : vector<400x128xf32>
    %get3A_394 = arith.constant 0 : index
    %get3A_395 = arith.constant 0 : index
    %get3A_396 = vector.load %arg22[%get3A_394, %get3A_395] : memref<1x128xf32, #tpu.memory_space<vmem>>, vector<1x128xf32>
    %mul3A_397 = vector.broadcast %get3A_396 : vector<1x128xf32> to vector<400x128xf32>
    %mul3A_398 = arith.mulf %max3A_393, %mul3A_397 : vector<400x128xf32>
    %reduce_sum3A_399 = arith.constant dense<0.000000e+00> : vector<400xf32>
    %reduce_sum3A_400 = vector.multi_reduction <add>, %mul3A_398, %reduce_sum3A_399 [1] : vector<400x128xf32> to vector<400xf32>
    %broadcast_in_dim3A_401 = vector.shape_cast %reduce_sum3A_400 : vector<400xf32> to vector<400x1xf32>
    %get3A_402 = arith.constant 0 : index
    %get3A_403 = arith.constant 0 : index
    %get3A_404 = vector.load %arg23[%get3A_402, %get3A_403] : memref<1x1xf32, #tpu.memory_space<vmem>>, vector<1x1xf32>
    %get3A_405 = vector.extract %get3A_404[0, 0] : f32 from vector<1x1xf32>
    %add3A_406 = vector.broadcast %get3A_405 : f32 to vector<400x1xf32>
    %add3A_407 = arith.addf %broadcast_in_dim3A_401, %add3A_406 : vector<400x1xf32>
    %max3A_408 = arith.constant 0.000000e+00 : f32
    %max3A_409 = vector.broadcast %max3A_408 : f32 to vector<400x1xf32>
    %max3A_410 = arith.maximumf %add3A_407, %max3A_409 : vector<400x1xf32>
    %swap3A = arith.constant 0 : index
    %swap3A_411 = arith.constant 0 : index
    %swap3A_412 = vector.load %arg24[%swap3A, %swap3A_411] : memref<400x1xf32, #tpu.memory_space<vmem>>, vector<400x1xf32>
    tpu.vector_store %arg24[%swap3A, %swap3A_411], %max3A_410 {strides = array<i32>} : memref<400x1xf32, #tpu.memory_space<vmem>>, vector<400x1xf32>,
    return
  }
  func.func @transform_0(%arg0: i32) -> (i32, i32) {
    %add3A = arith.constant 0 : i32
    %add3A_0 = arith.addi %arg0, %add3A : i32
    %c0_i32 = arith.constant 0 : i32
    %c0_i32_1 = arith.constant 0 : i32
    return %add3A_0, %c0_i32 : i32, i32
  }
  func.func @transform_1(%arg0: i32) -> (i32, i32) {
    %add3A = arith.constant 25 : i32
    %add3A_0 = arith.addi %arg0, %add3A : i32
    %c0_i32 = arith.constant 0 : i32
    %c0_i32_1 = arith.constant 0 : i32
    return %add3A_0, %c0_i32 : i32, i32
  }
  func.func @transform_2(%arg0: i32) -> (i32, i32) {
    %add3A = arith.constant 50 : i32
    %add3A_0 = arith.addi %arg0, %add3A : i32
    %c0_i32 = arith.constant 0 : i32
    %c0_i32_1 = arith.constant 0 : i32
    return %add3A_0, %c0_i32 : i32, i32
  }
  func.func @transform_3(%arg0: i32) -> (i32, i32) {
    %add3A = arith.constant 0 : i32
    %add3A_0 = arith.addi %arg0, %add3A : i32
    %c0_i32 = arith.constant 0 : i32
    %c0_i32_1 = arith.constant 0 : i32
    return %add3A_0, %c0_i32 : i32, i32
  }
  func.func @transform_4(%arg0: i32) -> (i32, i32) {
    %add3A = arith.constant 25 : i32
    %add3A_0 = arith.addi %arg0, %add3A : i32
    %c0_i32 = arith.constant 0 : i32
    %c0_i32_1 = arith.constant 0 : i32
    return %add3A_0, %c0_i32 : i32, i32
  }
  func.func @transform_5(%arg0: i32) -> (i32, i32) {
    %add3A = arith.constant 50 : i32
    %add3A_0 = arith.addi %arg0, %add3A : i32
    %c0_i32 = arith.constant 0 : i32
    %c0_i32_1 = arith.constant 0 : i32
    return %add3A_0, %c0_i32 : i32, i32
  }
  func.func @transform_6(%arg0: i32) -> (i32, i32) {
    %add3A = arith.constant 0 : i32
    %add3A_0 = arith.addi %arg0, %add3A : i32
    %c0_i32 = arith.constant 0 : i32
    %c0_i32_1 = arith.constant 0 : i32
    return %add3A_0, %c0_i32 : i32, i32
  }
  func.func @transform_7(%arg0: i32) -> (i32, i32) {
    %add3A = arith.constant 25 : i32
    %add3A_0 = arith.addi %arg0, %add3A : i32
    %c0_i32 = arith.constant 0 : i32
    %c0_i32_1 = arith.constant 0 : i32
    return %add3A_0, %c0_i32 : i32, i32
  }
  func.func @transform_8(%arg0: i32) -> (i32, i32) {
    %add3A = arith.constant 50 : i32
    %add3A_0 = arith.addi %arg0, %add3A : i32
    %c0_i32 = arith.constant 0 : i32
    %c0_i32_1 = arith.constant 0 : i32
    return %add3A_0, %c0_i32 : i32, i32
  }
  func.func @transform_9(%arg0: i32) -> (i32, i32) {
    %c0_i32 = arith.constant 0 : i32
    %c0_i32_0 = arith.constant 0 : i32
    %c0_i32_1 = arith.constant 0 : i32
    return %c0_i32, %c0_i32_0 : i32, i32
  }
  func.func @transform_10(%arg0: i32) -> (i32, i32) {
    %c0_i32 = arith.constant 0 : i32
    %c0_i32_0 = arith.constant 0 : i32
    %c0_i32_1 = arith.constant 0 : i32
    return %c0_i32, %c0_i32_0 : i32, i32
  }
  func.func @transform_11(%arg0: i32) -> (i32, i32) {
    %c0_i32 = arith.constant 0 : i32
    %c0_i32_0 = arith.constant 0 : i32
    %c0_i32_1 = arith.constant 0 : i32
    return %c0_i32, %c0_i32_0 : i32, i32
  }
  func.func @transform_12(%arg0: i32) -> (i32, i32) {
    %c0_i32 = arith.constant 0 : i32
    %c0_i32_0 = arith.constant 0 : i32
    %c0_i32_1 = arith.constant 0 : i32
    return %c0_i32, %c0_i32_0 : i32, i32
  }
  func.func @transform_13(%arg0: i32) -> (i32, i32) {
    %c0_i32 = arith.constant 0 : i32
    %c0_i32_0 = arith.constant 0 : i32
    %c0_i32_1 = arith.constant 0 : i32
    return %c0_i32, %c0_i32_0 : i32, i32
  }
  func.func @transform_14(%arg0: i32) -> (i32, i32) {
    %c0_i32 = arith.constant 0 : i32
    %c0_i32_0 = arith.constant 0 : i32
    %c0_i32_1 = arith.constant 0 : i32
    return %c0_i32, %c0_i32_0 : i32, i32
  }
  func.func @transform_15(%arg0: i32) -> (i32, i32) {
    %c0_i32 = arith.constant 0 : i32
    %c0_i32_0 = arith.constant 0 : i32
    %c0_i32_1 = arith.constant 0 : i32
    return %c0_i32, %c0_i32_0 : i32, i32
  }
  func.func @transform_16(%arg0: i32) -> (i32, i32) {
    %c0_i32 = arith.constant 0 : i32
    %c0_i32_0 = arith.constant 0 : i32
    %c0_i32_1 = arith.constant 0 : i32
    return %c0_i32, %c0_i32_0 : i32, i32
  }
  func.func @transform_17(%arg0: i32) -> (i32, i32) {
    %c0_i32 = arith.constant 0 : i32
    %c0_i32_0 = arith.constant 0 : i32
    %c0_i32_1 = arith.constant 0 : i32
    return %c0_i32, %c0_i32_0 : i32, i32
  }
  func.func @transform_18(%arg0: i32) -> (i32, i32) {
    %c0_i32 = arith.constant 0 : i32
    %c0_i32_0 = arith.constant 0 : i32
    %c0_i32_1 = arith.constant 0 : i32
    return %c0_i32, %c0_i32_0 : i32, i32
  }
  func.func @transform_19(%arg0: i32) -> (i32, i32) {
    %c0_i32 = arith.constant 0 : i32
    %c0_i32_0 = arith.constant 0 : i32
    %c0_i32_1 = arith.constant 0 : i32
    return %c0_i32, %c0_i32_0 : i32, i32
  }
  func.func @transform_20(%arg0: i32) -> (i32, i32) {
    %c0_i32 = arith.constant 0 : i32
    %c0_i32_0 = arith.constant 0 : i32
    %c0_i32_1 = arith.constant 0 : i32
    return %c0_i32, %c0_i32_0 : i32, i32
  }
  func.func @transform_21(%arg0: i32) -> (i32, i32) {
    %c0_i32 = arith.constant 0 : i32
    %c0_i32_0 = arith.constant 0 : i32
    %c0_i32_1 = arith.constant 0 : i32
    return %c0_i32, %c0_i32_0 : i32, i32
  }
  func.func @transform_22(%arg0: i32) -> (i32, i32) {
    %c0_i32 = arith.constant 0 : i32
    %c0_i32_0 = arith.constant 0 : i32
    %c0_i32_1 = arith.constant 0 : i32
    return %c0_i32, %c0_i32_0 : i32, i32
  }
  func.func @transform_23(%arg0: i32) -> (i32, i32) {
    %c0_i32 = arith.constant 0 : i32
    %c0_i32_0 = arith.constant 0 : i32
    return %arg0, %c0_i32 : i32, i32
  }
}

</mosaic_0001>

<sc_bundles>
// kernel: scatter_offload_async_start.1
scs
__scs_entry_jumppad:
0x0: {  	(pc) =	sbr.rel $0x88, $3  }
0x1: {  	(tag) =	ssettag $0x0;
	lr =	simm.s32 $0x1  }
0x2: {  	[smem:$0x3F86] =	sst lr;
	_ =	strace $0xD0000000  }
0x3: {  	_ = 	snop  }
0x4: {  	_ = 	snop  }
0x5: {  	_ = 	snop  }
0x6: {  	_ = 	snop  }
0x7: {  	_ = 	snop  }
__scs_overlays_trampoline_lowered:
0x8: {  	[smem:$0x3F95] =	sst s0  }
0x9: {  	[smem:$0x3F96] =	sst s1  }
0xa: {  	[smem:$0x3F97] =	sst s2  }
0xb: {  	[smem:$0x3F98] =	sst s3  }
0xc: {  	[smem:$0x3F99] =	sst s4  }
0xd: {  	[smem:$0x3F9A] =	sst s5  }
0xe: {  	[smem:$0x3F9B] =	sst s6  }
0xf: {  	[smem:$0x3F9C] =	sst s7  }
0x10: {  	[smem:$0x3F9D] =	sst s8  }
0x11: {  	[smem:$0x3F9E] =	sst s9;
	s0 =	simm.s32 @!p0 $0x0  }
0x12: {  	s1 =	sld [smem:$0x3F84];
	s0 =	simm.s32 @p0 $0x1  }
0x13: {  	[smem:$0x3F9F] =	sst s0;
	s0 =	simm.s32 @!p1 $0x0  }
0x14: {  	s2 =	sld [smem:$0x3F83];
	s0 =	simm.s32 @p1 $0x1  }
0x15: {  	[smem:$0x3FA0] =	sst s0;
	s0 =	simm.s32 @!p2 $0x0  }
0x16: {  	s3 =	sld [smem:$0x3FDB];
	s0 =	simm.s32 @p2 $0x1  }
0x17: {  	s4 =	simm.s32 $0x1BF5;
	[smem:$0x3FA2] =	sst s0  }
0x18: {  	s0 =	sld [smem:$0x3F85];
	_ =	swait.ge [sflag:s4], $0x0  }
0x19: {  	s7 =	sld [smem:$0x3F86]  }
0x1a: {  	s8 =	sadd.s32 $0xFFFFE003, lr  }
0x1b: {  	s9 =	sadd.s32 $0xFFFFFEF7, lr;
	s5 =	simm.s32 $0xFFFFFFFF;
	p2 =	slt.u32 s8, $0xFFFFF086  }
0x1c: {  	p1 =	slt.u32 s9, $0xF7A;
	s5 =	simm.s32 @!p2 $0x0  }
0x1d: {  	s5 =	simm.s32 @p1 $0x1;
	p0 =	seq.s32 s7, s2  }
0x1e: {  	s7 =	smul.u32 @!p0 $0xF7A, s2;
	p2 =	seq.s32 @!p0 s5, $0x0  }
0x1f: {  	s9 =	smul.u32 $0xF7A, s1;
	s8 =	simm.s32 @!p0 $0x1BF5;
	p2 =	por !p2, p0  }
0x20: {  	[sflag:s8] =	ssyncset.s32 @!p0 $0xFFFFF086;
	s6 =	sadd.s32 @!p0 s3, s7;
	s7 =	simm.s32 @!p0 $0x108  }
0x21: {  	s3 =	sadd.s32 s3, s9;
	s6 =	sadd.s32 @!p0 $0x88, s6;
	s7 =	simm.s32 @p2 $0x1082  }
0x22: {  	[simem:s7], [sflag:s8] =	dma.local @!p0 [hbm:s6], $0xF7A  }
0x23: {  	s9 =	sor.u32 $0xD0000000, s2;
	s6 =	simm.s32 $0x108;
	_ =	swait.ge @!p0 [sflag:s8], $0x0  }
0x24: {  	s3 =	sadd.s32 $0x88, s3;
	s6 =	simm.s32 @!p1 $0x1082;
	[sflag:s4] =	ssyncset.s32 $0xFFFFF086  }
0x25: {  	[simem:s6], [sflag:s4] =	dma.local [hbm:s3], $0xF7A  }
0x26: {  	[smem:$0x3F86] =	sst s1;
	(tag) =	ssettag s2;
	_ =	strace s9  }
0x27: {  	s1 =	sld [smem:$0x3F96]  }
0x28: {  	s2 =	sld [smem:$0x3F97]  }
0x29: {  	s4 =	sld [smem:$0x3F99]  }
0x2a: {  	p0 =	seq.s32 s5, $0x0;
	s5 =	sld [smem:$0x3F9A]  }
0x2b: {  	s6 =	sld [smem:$0x3F9B]  }
0x2c: {  	s7 =	sld [smem:$0x3F9C]  }
0x2d: {  	s3 =	simm.s32 $0x108;
	s8 =	sld [smem:$0x3F9D]  }
0x2e: {  	s3 =	simm.s32 @!p0 $0x1082;
	s9 =	sld [smem:$0x3F9E]  }
0x2f: {  	lr =	sadd.s32 s0, s3;
	s0 =	sld [smem:$0x3F95]  }
0x30: {  	s3 =	sld [smem:$0x3F98]  }
0x31: {  	[smem:$0x3FA1] =	sst s10  }
0x32: {  	s10 =	sld [smem:$0x3F9F];
	_ =	sdelay $0x3  }
0x33: {  	p0 =	seq.s32 s10, $0x1;
	s10 =	sld [smem:$0x3FA1];
	_ =	sdelay $0x3  }
0x34: {  	[smem:$0x3FA1] =	sst s10  }
0x35: {  	s10 =	sld [smem:$0x3FA0];
	_ =	sdelay $0x3  }
0x36: {  	p1 =	seq.s32 s10, $0x1;
	s10 =	sld [smem:$0x3FA1];
	_ =	sdelay $0x3  }
0x37: {  	[smem:$0x3FA1] =	sst s10  }
0x38: {  	s10 =	sld [smem:$0x3FA2]  }
0x39: {  	_ = 	snop;
	(pc) =	sbr.ind lr, $3  }
0x3a: {  	_ = 	snop  }
0x3b: {  	_ = 	snop  }
0x3c: {  	p2 =	seq.s32 s10, $0x1;
	s10 =	sld [smem:$0x3FA1]  }
0x3d: {  	_ =	shalt  }
0x3e: {  	_ =	shalt  }
0x3f: {  	_ =	shalt  }
0x40: {  	_ =	shalt  }
0x41: {  	_ =	shalt  }
0x42: {  	_ =	shalt  }
0x43: {  	_ =	shalt  }
0x44: {  	_ =	shalt  }
0x45: {  	_ =	shalt  }
0x46: {  	_ =	shalt  }
0x47: {  	_ =	shalt  }
0x48: {  	_ =	shalt  }
0x49: {  	_ =	shalt  }
0x4a: {  	_ =	shalt  }
0x4b: {  	_ =	shalt  }
0x4c: {  	_ =	shalt  }
0x4d: {  	_ =	shalt  }
0x4e: {  	_ =	shalt  }
0x4f: {  	_ =	shalt  }
0x50: {  	_ =	shalt  }
0x51: {  	_ =	shalt  }
0x52: {  	_ =	shalt  }
0x53: {  	_ =	shalt  }
0x54: {  	_ =	shalt  }
0x55: {  	_ =	shalt  }
0x56: {  	_ =	shalt  }
0x57: {  	_ =	shalt  }
0x58: {  	_ =	shalt  }
0x59: {  	_ =	shalt  }
0x5a: {  	_ =	shalt  }
0x5b: {  	_ =	shalt  }
0x5c: {  	_ =	shalt  }
0x5d: {  	_ =	shalt  }
0x5e: {  	_ =	shalt  }
0x5f: {  	_ =	shalt  }
0x60: {  	_ =	shalt  }
0x61: {  	_ =	shalt  }
0x62: {  	_ =	shalt  }
0x63: {  	_ =	shalt  }
0x64: {  	_ =	shalt  }
0x65: {  	_ =	shalt  }
0x66: {  	_ =	shalt  }
0x67: {  	_ =	shalt  }
0x68: {  	_ =	shalt  }
0x69: {  	_ =	shalt  }
0x6a: {  	_ =	shalt  }
0x6b: {  	_ =	shalt  }
0x6c: {  	_ =	shalt  }
0x6d: {  	_ =	shalt  }
0x6e: {  	_ =	shalt  }
0x6f: {  	_ =	shalt  }
0x70: {  	_ =	shalt  }
0x71: {  	_ =	shalt  }
0x72: {  	_ =	shalt  }
0x73: {  	_ =	shalt  }
0x74: {  	_ =	shalt  }
0x75: {  	_ =	shalt  }
0x76: {  	_ =	shalt  }
0x77: {  	_ =	shalt  }
0x78: {  	_ =	shalt  }
0x79: {  	_ =	shalt  }
0x7a: {  	_ =	shalt  }
0x7b: {  	_ =	shalt  }
0x7c: {  	_ =	shalt  }
0x7d: {  	_ =	shalt  }
0x7e: {  	_ =	shalt  }
0x7f: {  	_ =	shalt  }
0x80: {  	_ =	shalt  }
0x81: {  	_ =	shalt  }
0x82: {  	_ =	shalt  }
0x83: {  	_ =	shalt  }
0x84: {  	_ =	shalt  }
0x85: {  	_ =	shalt  }
0x86: {  	_ =	shalt  }
0x87: {  	_ =	shalt  }
.Lfunc_end0:
.L_simem_size_0:
called_computation.1_lowered:
.L_overlay_start_0:
0x88: {  	s2 =	sld [smem:$0x3FD9]  }
0x89: {  	s3 =	sld [smem:$0x3FFE];
	_ =	sdelay $0x1  }
0x8a: {  	s1 =	srdreg.scid  }
0x8b: {  	s0 =	sand.u32 $0x1, s1  }
0x8c: {  	s15 =	sshll.u32 s0, $0xA;
	s2 =	sadd.s32 s3, s2  }
0x8d: {  	s2 =	sadd.s32 s2, s15  }
0x8e: {  	[smem:$0x3FAD] =	sst s2  }
0x8f: {  	_ = 	snop  }
0x90: {  	(tm) =	ssettm $0x1  }
0x91: {  	s16 =	sld [smem:$0x3FFB];
	_ =	sdelay $0x3  }
0x92: {  	_ =	strace s16  }
0x93: {  	s2 =	sld [smem:$0x3FFC];
	_ =	sdelay $0x3  }
0x94: {  	_ =	strace s2  }
0x95: {  	s2 =	sld [smem:$0x3FFD];
	_ =	sdelay $0x3  }
0x96: {  	_ =	strace s2  }
0x97: {  	_ =	strace $0x8FFFFFFF  }
0x98: {  	s17 =	sld [smem:$0x3FDB];
	_ =	sdelay $0x1  }
0x99: {  	s18 =	simm.s32 $_scs_section_size  }
0x9a: {  	s4 =	simm.s32 $_size__tile_overlayer_lowered;
	s5 =	simm.s32 $_tile_overlayer_lowered  }
0x9b: {  	s6 =	simm.s32 $0x1BFF;
	s19 =	sshll.u32 s5, $0x1;
	s3 =	sadd.s32 s18, s17  }
0x9c: {  	s20 =	simm.s32 $0x0;
	s4 =	sshll.u32 s4, $0x1;
	s5 =	sadd.s32 s19, s3  }
0x9d: {  	[timem:s20], [sflag:s6] =	dma.local [hbm:s5], s4  }
0x9e: {  	_ =	swait.ge [sflag:s6], s4  }
0x9f: {  	s4 =	ssub.s32 $0x0, s4;
	[sflag:s6] =	ssyncset.done $0x0  }
0xa0: {  	[sflag:s6] =	ssyncadd.s32 s4;
	_ =	sdelay $0x1  }
0xa1: {  	s21 =	simm.s32 $0x1B8B  }
0xa2: {  	_ =	swait.ge [sflag:s21], $0x1  }
0xa3: {  	[sflag:s21] =	ssyncset.done $0x0  }
0xa4: {  	s22 =	sld [smem:$0x3FFE];
	[sflag:s21] =	ssyncadd.s32 $0xFFFFFFFF  }
0xa5: {  	s24 =	simm.s32 $0x1B8E;
	s23 =	sld [smem:$0x0]  }
0xa6: {  	s25 =	simm.s32 $execute0_lowered;
	[smem:$0x3FD2] =	sst s24  }
0xa7: {  	s6 =	sshll.u32 s25, $0x1;
	_ =	strace $0x80000049;
	[dreg:$0x1] =	wrdreg $0xFFFFFFFF  }
0xa8: {  	s7 =	simm.s32 $_size_execute0_lowered;
	s6 =	sadd.s32 s3, s6;
	[dreg:$0x0] =	wrdreg $0x0  }
0xa9: {  	s7 =	sshll.u32 s7, $0x1;
	[dreg:$0x2] =	wrdreg s6  }
0xaa: {  	[dreg:$0x3] =	wrdreg s7  }
0xab: {  	[dreg:$0x4] =	wrdreg $0xC0  }
0xac: {  	s26 =	simm.s32 $execute1_lowered;
	_ =	task [dreg:s20], $0x5FFFF  }
0xad: {  	s6 =	sshll.u32 s26, $0x1;
	[dreg:$0x1] =	wrdreg $0xFFFFFFFF  }
0xae: {  	s3 =	sadd.s32 s3, s6;
	[dreg:$0x0] =	wrdreg $0x60  }
0xaf: {  	[dreg:$0x2] =	wrdreg s3  }
0xb0: {  	[dreg:$0x3] =	wrdreg s22  }
0xb1: {  	[dreg:$0x4] =	wrdreg $0x9  }
0xb2: {  	_ =	task.clear_ibuf [dreg:s20], $0x5FFFF;
	_ =	strace $0x90000049  }
0xb3: {  	s28 =	simm.s32 $0x9;
	_ =	strace $0x8000004B  }
0xb4: {  	_ =	swait.ge [sflag:s28], $0x1  }
0xb5: {  	[sflag:s28] =	ssyncadd.s32 $0xFFFFFFFF  }
0xb6: {  	_ =	strace $0x9000004B  }
0xb7: {  	s3 =	sld [smem:$0x0]  }
0xb8: {  	s6 =	sand.u32 $0xFFFFFFFE, s1  }
0xb9: {  	p0 =	sne.s32 s1, s6  }
0xba: {  	s6 =	sshll.u32 @p0 s6, $0xE  }
0xbb: {  	s6 =	sadd.s32 @p0 $0x11BF3, s6;
	s7 =	sshll.u32 @p0 s3, $0x11  }
0xbc: {  	s6 =	sor.u32 @p0 s7, s6  }
0xbd: {  	[sflag:s6] =	ssyncadd.remote.s32 @p0 $0x1;
	_ =	sdelay $0x1  }
0xbe: {  	s6 =	simm.s32 @p0 $0x1BF3  }
0xbf: {  	_ =	swait.eq @p0 [sflag:s6], $0x1  }
0xc0: {  	[sflag:s6] =	ssyncadd.s32 @p0 $0xFFFFFFFF  }
0xc1: {  	s7 =	sshll.u32 @!p0 s1, $0xE  }
0xc2: {  	s7 =	sor.u32 @!p0 $0x4000, s7;
	s6 =	simm.s32 @!p0 $0x1BF3  }
0xc3: {  	s3 =	sshll.u32 @!p0 s3, $0x11;
	s7 =	sadd.s32 @!p0 $0x11BF3, s7;
	_ =	swait.eq @!p0 [sflag:s6], $0x1  }
0xc4: {  	s3 =	sor.u32 @!p0 s3, s7;
	[sflag:s6] =	ssyncadd.s32 @!p0 $0xFFFFFFFF  }
0xc5: {  	[sflag:s3] =	ssyncadd.remote.s32 @!p0 $0x1  }
0xc6: {  	_ =	strace $0x8000004C;
	[dreg:$0x1] =	wrdreg $0xFFFFFFFF  }
0xc7: {  	[dreg:$0x0] =	wrdreg $0x2030  }
0xc8: {  	[dreg:$0x2] =	wrdreg s22  }
0xc9: {  	[dreg:$0x3] =	wrdreg s1  }
0xca: {  	[dreg:$0x4] =	wrdreg s23  }
0xcb: {  	[dreg:$0x5] =	wrdreg $0xA  }
0xcc: {  	_ =	task.clear_ibuf [dreg:s20], $0x6FFFF;
	_ =	strace $0x9000004C  }
0xcd: {  	s29 =	simm.s32 $0xA;
	_ =	strace $0x8000004E  }
0xce: {  	_ =	swait.ge [sflag:s29], $0x1  }
0xcf: {  	[sflag:s29] =	ssyncadd.s32 $0xFFFFFFFF  }
0xd0: {  	_ =	strace $0x9000004E  }
0xd1: {  	_ =	sfence  }
0xd2: {  	s30 =	sld [smem:$0x0];
	_ =	sdelay $0x2  }
0xd3: {  	s31 =	sshll.u32 s1, $0xD;
	s1 =	sshrl.u32 s1, $0x2  }
0xd4: {  	s4 =	sand.u32 $0x4000, s31;
	s1 =	sadd.s32 s1, s30  }
0xd5: {  	s0 =	sor.u32 s4, s0;
	s1 =	sshll.u32 s1, $0x11  }
0xd6: {  	s0 =	sor.u32 s1, s0  }
0xd7: {  	s0 =	sadd.s32 $0x8F2B, s0  }
0xd8: {  	[sflag:s0] =	ssyncadd.remote.s32 $0x1  }
0xd9: {  	_ =	sfence.sel $0xFFFF  }
0xda: {  	[dreg:$0x0] =	wrdreg $0xFFFFFFFF;
	(pc) =	sbr.abs _section_cstart, $3  }
0xdb: {  	[dreg:$0x1] =	wrdreg $0xFFFFFFFF  }
0xdc: {  	_ =	task.clear_ibuf [dreg:s20], $0x2FFFF;
	_ =	strace $0x9FFFFFFF  }
0xdd: {  	(tm) =	ssettm $0x7FFFFFFF  }
tec
execute0_lowered:
.L_overlay_start_1:
0x0: {  	(tag) =	ssettag $0x1  }
0x1: {  	s2 =	rddreg [dreg:$0x0]  }
0x2: {  	s4 =	rddreg [dreg:$0x1]  }
0x3: {  	s0 =	rddreg [dreg:$0x2];
	s3 =	stileid.u32  }
0x4: {  	[bflag:$0x3] =	sbarrier.arrive $0xFFFF;
	s1 =	simm.s32 $_size_execute1_lowered;
	s29 =	srdreg.scid  }
0x5: {  	s7 =	simm.s32 $0x2;
	s8 =	simm.s32 $0x0;
	p0 =	sne.s32 s3, $0x0  }
0x6: {  	s1 =	sshll.u32 s1, $0x1;
	s5 =	simm.s32 @!p0 $0x1C3F;
	s6 =	simm.s32 @!p0 $0x4060  }
0x7: {  	[timem:s6], [sflag:s5] =	dma.local @!p0 [hbm:s2], s1  }
0x8: {  	s12 =	simm.s32 $0x0;
	s10 =	simm.s32 $0x0;
	s2 =	sshll.u32 s29, $0x7  }
.Ltmp0:
0x9: {  	s3 =	sshll.u32 s3, $0x8;
	s30 =	sand.u32 $0x80, s2;
	(pc) =	sbr.rel .LBB2_1-.Ltmp0, $4  }
0xa: {  	s11 =	simm.s32 $0x0;
	_ =	strace $0x8000004A;
	s3 =	sor.u32 s3, s30  }
0xb: {  	s5 =	simm.s32 $0x1;
	s2 =	sadd.s32 $0x813E00, s4;
	s31 =	ssub.s32 $0x7500, s3  }
0xc: {  	s4 =	sadd.s32 $0x889200, s4;
	[sflag:s5] =	ssyncpa.u1 $0x0;
	s6 =	sshrl.u32 s31, $0xC  }
0xd: {  	[sflag:s7] =	ssyncpa.u1 $0x0;
	s9 =	smov.u32 s3;
	s7 =	sadd.s32 $0x2, s6  }
.LBB2_4:
0xe: {  	_ = 	snop  }
.LBB2_7:
0xf: {  	_ =	sdelay $0x3  }
0x10: {  	[tilespmem:v0+s16+$0x0 ss:$0x1] =	vst.idx.msk @p1 $0xffff, v2  }
0x11: {  	v56 =	vld.idx.msk [tilespmem:v1+s15+$0x0 ss:$0x1], $0xffff;
	s24 =	sor.u32 $0x70, s15;
	[tilespmem:v0+s17+$0x0 ss:$0x1] =	vst.idx.msk @p1 $0xffff, v4  }
0x12: {  	s25 =	sor.u32 $0x10, s15;
	[tilespmem:v0+s18+$0x0 ss:$0x1] =	vst.idx.msk @p1 $0xffff, v3;
	v57 =	vld.idx.msk [tilespmem:v1+s24+$0x0 ss:$0x1], $0xffff  }
0x13: {  	s26 =	sor.u32 $0x20, s15;
	[tilespmem:v0+s19+$0x0 ss:$0x1] =	vst.idx.msk @p1 $0xffff, v5;
	v58 =	vld.idx.msk [tilespmem:v1+s25+$0x0 ss:$0x1], $0xffff  }
0x14: {  	s28 =	sor.u32 $0x30, s15;
	[tilespmem:v0+s20+$0x0 ss:$0x1] =	vst.idx.msk @p1 $0xffff, v6;
	v59 =	vld.idx.msk [tilespmem:v1+s26+$0x0 ss:$0x1], $0xffff  }
0x15: {  	s29 =	sor.u32 $0x40, s15;
	[tilespmem:v0+s21+$0x0 ss:$0x1] =	vst.idx.msk @p1 $0xffff, v7;
	v60 =	vld.idx.msk [tilespmem:v1+s28+$0x0 ss:$0x1], $0xffff  }
0x16: {  	s30 =	sor.u32 $0x50, s15;
	v61 =	vld.idx.msk [tilespmem:v1+s29+$0x0 ss:$0x1], $0xffff;
	[tilespmem:v0+s15+$0x0 ss:$0x1] =	vst.idx.msk $0xffff, v56  }
0x17: {  	s31 =	sor.u32 $0x60, s15;
	v62 =	vld.idx.msk [tilespmem:v1+s30+$0x0 ss:$0x1], $0xffff;
	[tilespmem:v0+s24+$0x0 ss:$0x1] =	vst.idx.msk $0xffff, v57  }
0x18: {  	v63 =	vld.idx.msk [tilespmem:v1+s31+$0x0 ss:$0x1], $0xffff;
	[tilespmem:v0+s25+$0x0 ss:$0x1] =	vst.idx.msk $0xffff, v58  }
0x19: {  	[tilespmem:v0+s26+$0x0 ss:$0x1] =	vst.idx.msk $0xffff, v59  }
0x1a: {  	[tilespmem:v0+s28+$0x0 ss:$0x1] =	vst.idx.msk $0xffff, v60  }
0x1b: {  	[tilespmem:v0+s29+$0x0 ss:$0x1] =	vst.idx.msk $0xffff, v61  }
0x1c: {  	[tilespmem:v0+s30+$0x0 ss:$0x1] =	vst.idx.msk $0xffff, v62  }
0x1d: {  	[tilespmem:v0+s31+$0x0 ss:$0x1] =	vst.idx.msk $0xffff, v63  }
.LBB2_8:
0x1e: {  	s15 =	sand.u32 $0x1FFFFFF, s10  }
0x1f: {  	s16 =	smulhi.u32 $0x8BCF65, s15;
	_ =	sdelay $0x1  }
0x20: {  	s16 =	sshrl.u32 s16, $0x6  }
0x21: {  	s16 =	smul.u32 $0x7530, s16;
	_ =	sdelay $0x1  }
0x22: {  	s15 =	ssub.s32 s15, s16  }
0x23: {  	s15 =	sshll.u32 s15, $0x4  }
0x24: {  	s15 =	sadd.s32 s4, s15  }
0x25: {  	[hbm4b:s15+s8] =	stream.linear.scatter [tilespmem:s14], [sflag:$0x2], s13, $0x38;
	[tilespmem:$0x10000] =	vst v63  }
.LBB2_9:
0x26: {  	p1 =	slt.u32 s11, $0x2  }
0x27: {  	p2 =	sgt.s32 @!p1 s12, $0x74B0  }
0x28: {  	s13 =	smov.u32 s12;
	s14 =	sshra.s32 @!p1 s12, $0x1F;
	p2 =	por !p2, p1  }
0x29: {  	s12 =	sand.u32 @!p1 s14, s12;
	s13 =	simm.s32 @p2 $0x74B0  }
0x2a: {  	s12 =	ssub.s32 @!p1 s13, s12  }
0x2b: {  	s12 =	sadd.s32 @!p1 $0xFFFF8B50, s12  }
0x2c: {  	s13 =	sshll.u32 @!p1 s12, $0x9  }
0x2d: {  	p2 =	sgt.s32 @!p1 s12, $0x7F;
	s12 =	ssub.s32 @!p1 $0x10000, s13  }
0x2e: {  	s14 =	sadd.s32 $0x1000, s9;
	p2 =	por !p2, p1;
	s12 =	sshrl.u32 @!p1 s12, $0x2  }
0x2f: {  	s12 =	simm.s32 @!p2 $0x0;
	p2 =	sgt.s32 s14, $0x752F  }
0x30: {  	s14 =	smov.u32 @p2 s3;
	p2 =	sne.s32 s11, s7  }
.Ltmp1:
0x31: {  	_ = 	snop;
	(pc) =	sbr.rel @!p2 .LBB2_10-.Ltmp1, $4  }
0x32: {  	s13 =	simm.s32 @!p1 $0x2  }
0x33: {  	_ =	swait.ge @!p1 [sflag:s13], s12;
	s15 =	ssub.s32 @!p1 $0x0, s12  }
0x34: {  	s12 =	smov.u32 s10;
	s11 =	sadd.s32 $0x1, s11;
	[sflag:s13] =	ssyncset.done @!p1 $0x0  }
0x35: {  	s10 =	smov.u32 s9;
	s9 =	smov.u32 s14;
	[sflag:s13] =	ssyncadd.s32 @!p1 s15  }
.LBB2_1:
0x36: {  	p1 =	sgt.u32 s11, s6  }
0x37: {  	s13 =	sand.u32 @!p1 $0x1FFFFFF, s9  }
0x38: {  	p2 =	sgt.s32 @!p1 s9, $0x74B0;
	s14 =	smulhi.u32 @!p1 $0x8BCF65, s13  }
0x39: {  	s15 =	smov.u32 s9;
	s16 =	sshra.s32 @!p1 s9, $0x1F;
	p2 =	por !p2, p1  }
0x3a: {  	s16 =	sand.u32 @!p1 s16, s9;
	s15 =	simm.s32 @p2 $0x74B0;
	s14 =	sshrl.u32 @!p1 s14, $0x6  }
0x3b: {  	s15 =	ssub.s32 @!p1 s15, s16;
	s14 =	smul.u32 @!p1 $0x7530, s14  }
0x3c: {  	s16 =	sxor.u32 @!p1 $0xFFFFFFFF, s11;
	s15 =	sadd.s32 @!p1 $0xFFFF8B50, s15  }
0x3d: {  	s16 =	sshll.u32 @!p1 s16, $0xE;
	s13 =	ssub.s32 @!p1 s13, s14;
	s14 =	sshll.u32 @!p1 s15, $0x9  }
0x3e: {  	s16 =	sand.u32 @!p1 $0x4000, s16;
	p2 =	sgt.s32 @!p1 s15, $0x7F;
	s14 =	ssub.s32 @!p1 $0x10000, s14  }
0x3f: {  	p2 =	por !p2, p1;
	s13 =	sshll.u32 @!p1 s13, $0x4;
	s14 =	sshrl.u32 @!p1 s14, $0x2  }
0x40: {  	s15 =	simm.s32 @!p1 $0x0;
	s13 =	sadd.s32 @!p1 s2, s13;
	s14 =	simm.s32 @!p2 $0x0  }
0x41: {  	[tilespmem:s16], [sflag:$0x1] =	stream.linear.gather @!p1 [hbm4b:s13+s15], s14, $0x38;
	[tilespmem:$0x10000] =	vst v63  }
0x42: {  	p1 =	seq.s32 s11, $0x0  }
0x43: {  	p2 =	sge.u32 @!p1 s11, s7  }
0x44: {  	p1 =	por p1, p2  }
.Ltmp2:
0x45: {  	_ = 	snop;
	(pc) =	sbr.rel @p1 .LBB2_9-.Ltmp2, $1  }
0x46: {  	_ =	sdelay $0x3  }
0x47: {  	p1 =	sgt.s32 s10, $0x74B0;
	s13 =	smov.u32 s10;
	s14 =	sshra.s32 s10, $0x1F  }
0x48: {  	s13 =	simm.s32 @!p1 $0x74B0;
	s14 =	sand.u32 s14, s10  }
0x49: {  	s13 =	ssub.s32 s13, s14  }
0x4a: {  	s13 =	sadd.s32 $0xFFFF8B50, s13  }
0x4b: {  	s31 =	sshll.u32 s13, $0x9  }
0x4c: {  	s14 =	ssub.s32 $0x10000, s31  }
0x4d: {  	p1 =	sgt.s32 s13, $0x7F;
	s13 =	sshrl.u32 s14, $0x2;
	s14 =	sadd.s32 $0x80, s10  }
0x4e: {  	s13 =	simm.s32 @p1 $0x0;
	p1 =	slt.s32 s14, $0x7530  }
0x4f: {  	s14 =	simm.s32 @!p1 $0x7530  }
0x50: {  	s16 =	ssub.s32 s14, s10  }
0x51: {  	p1 =	slt.s32 s16, $0x1  }
.Ltmp3:
0x52: {  	_ = 	snop;
	(pc) =	sbr.rel @p1 .LBB2_8-.Ltmp3, $4  }
0x53: {  	_ = 	snop  }
0x54: {  	s15 =	sshll.u32 s11, $0xE;
	_ =	swait.ge [sflag:s5], s13  }
0x55: {  	s15 =	sand.u32 $0x4000, s15;
	s17 =	ssub.s32 $0x0, s13;
	[sflag:s5] =	ssyncset.done $0x0  }
0x56: {  	s14 =	sor.u32 $0x8000, s15;
	[sflag:s5] =	ssyncadd.s32 s17  }
0x57: {  	p2 =	sne.s32 s16, $0x1  }
.Ltmp4:
0x58: {  	v1 =	vmov s15;
	v0 =	vmov s14;
	(pc) =	sbr.rel @!p2 .LBB2_4-.Ltmp4, $3  }
0x59: {  	_ =	sdelay $0x1  }
0x5a: {  	s17 =	simm.s32 $0x0  }
0x5b: {  	s23 =	sadd.s32 $0xFFFFFFFF, s16;
	p1 =	por $0x0, $0x0;
	s15 =	sand.u32 $0x3F80, s17  }
0x5c: {  	_ =	sdelay $0x3  }
0x5d: {  	v6 =	vld.idx.msk [tilespmem:v1+s15+$0x0 ss:$0x1], $0xffff;
	s24 =	sor.u32 $0x70, s15  }
0x5e: {  	s16 =	sor.u32 $0x10, s15;
	v8 =	vld.idx.msk [tilespmem:v1+s24+$0x0 ss:$0x1], $0xffff  }
0x5f: {  	s17 =	sor.u32 $0x20, s15;
	p2 =	sne.s32 s23, $0x1;
	v2 =	vld.idx.msk [tilespmem:v1+s16+$0x0 ss:$0x1], $0xffff  }
.Ltmp5:
0x60: {  	s18 =	sor.u32 $0x30, s15;
	v4 =	vld.idx.msk [tilespmem:v1+s17+$0x0 ss:$0x1], $0xffff;
	(pc) =	sbr.rel @!p2 .LBB2_7-.Ltmp5, $4  }
0x61: {  	s19 =	sor.u32 $0x40, s15;
	v3 =	vld.idx.msk [tilespmem:v1+s18+$0x0 ss:$0x1], $0xffff  }
0x62: {  	s21 =	sor.u32 $0x60, s15;
	v5 =	vld.idx.msk [tilespmem:v1+s19+$0x0 ss:$0x1], $0xffff  }
0x63: {  	s20 =	sor.u32 $0x50, s15;
	s22 =	simm.s32 $0x80;
	v7 =	vld.idx.msk [tilespmem:v1+s21+$0x0 ss:$0x1], $0xffff;
	[tilespmem:v0+s15+$0x0 ss:$0x1] =	vst.idx.msk $0xffff, v6  }
0x64: {  	s23 =	sadd.s32 $0xFFFFFFFF, s23;
	p1 =	por $0x1, $0x1;
	v6 =	vld.idx.msk [tilespmem:v1+s20+$0x0 ss:$0x1], $0xffff;
	s15 =	sand.u32 $0x3F80, s22;
	[tilespmem:v0+s24+$0x0 ss:$0x1] =	vst.idx.msk $0xffff, v8  }
.LBB2_6:
0x65: {  	p2 =	sne.s32 s23, $0x1;
	v8 =	vld.idx.msk [tilespmem:v1+s15+$0x0 ss:$0x1], $0xffff;
	s24 =	sor.u32 $0x70, s15;
	[tilespmem:v0+s16+$0x0 ss:$0x1] =	vst.idx.msk $0xffff, v2;
	s16 =	sor.u32 $0x10, s15  }
0x66: {  	s25 =	sor.u32 $0x30, s15;
	s26 =	sor.u32 $0x40, s15;
	v9 =	vld.idx.msk [tilespmem:v1+s24+$0x0 ss:$0x1], $0xffff;
	[tilespmem:v0+s17+$0x0 ss:$0x1] =	vst.idx.msk $0xffff, v4;
	s17 =	sor.u32 $0x20, s15  }
0x67: {  	s28 =	sor.u32 $0x50, s15;
	s29 =	sor.u32 $0x60, s15;
	v2 =	vld.idx.msk [tilespmem:v1+s16+$0x0 ss:$0x1], $0xffff;
	[tilespmem:v0+s18+$0x0 ss:$0x1] =	vst.idx.msk $0xffff, v3;
	s18 =	smov.u32 s25  }
.Ltmp6:
0x68: {  	v4 =	vld.idx.msk [tilespmem:v1+s17+$0x0 ss:$0x1], $0xffff;
	[tilespmem:v0+s19+$0x0 ss:$0x1] =	vst.idx.msk $0xffff, v5;
	s19 =	smov.u32 s26;
	(pc) =	sbr.rel @p2 .LBB2_6-.Ltmp6, $4  }
0x69: {  	v3 =	vld.idx.msk [tilespmem:v1+s18+$0x0 ss:$0x1], $0xffff;
	[tilespmem:v0+s20+$0x0 ss:$0x1] =	vst.idx.msk $0xffff, v6;
	s20 =	smov.u32 s28  }
0x6a: {  	v5 =	vld.idx.msk [tilespmem:v1+s19+$0x0 ss:$0x1], $0xffff;
	[tilespmem:v0+s21+$0x0 ss:$0x1] =	vst.idx.msk $0xffff, v7;
	s21 =	smov.u32 s29  }
0x6b: {  	s22 =	sadd.s32 $0x80, s22;
	[tilespmem:v0+s15+$0x0 ss:$0x1] =	vst.idx.msk $0xffff, v8;
	v6 =	vld.idx.msk [tilespmem:v1+s20+$0x0 ss:$0x1], $0xffff  }
0x6c: {  	s23 =	sadd.s32 $0xFFFFFFFF, s23;
	s15 =	sand.u32 $0x3F80, s22;
	v7 =	vld.idx.msk [tilespmem:v1+s21+$0x0 ss:$0x1], $0xffff;
	[tilespmem:v0+s24+$0x0 ss:$0x1] =	vst.idx.msk $0xffff, v9  }
.Ltmp7:
0x6d: {  	_ = 	snop;
	(pc) =	sbr.rel .LBB2_7-.Ltmp7, $1  }
0x6e: {  	_ =	sdelay $0x3  }
.LBB2_10:
0x6f: {  	_ =	sfence.sel $0x180000  }
0x70: {  	s2 =	simm.s32 $0x1;
	[bflag:$0x0] =	sbarrier.arrive $0xFFFF  }
0x71: {  	s31 =	simm.s32 $0x2;
	[sflag:s2] =	ssyncpa.u1 $0x1  }
0x72: {  	[sflag:s31] =	ssyncpa.u1 $0x1  }
0x73: {  	_ =	strace $0x9000004A  }
0x74: {  	s0 =	sadd.s32 @!p0 $0x100000, s0;
	[bflag:$0x2] =	sbarrier.arrive $0xFFFF  }
0x75: {  	[sflag:s0] =	ssyncadd.tile.s32 @!p0 $0x1;
	s0 =	simm.s32 @!p0 $0x3F  }
0x76: {  	_ =	swait.ge @!p0 [sflag:s0], s1  }
0x77: {  	s1 =	ssub.s32 @!p0 $0x0, s1;
	[sflag:s0] =	ssyncset.done @!p0 $0x0  }
0x78: {  	[sflag:s0] =	ssyncadd.s32 @!p0 s1  }
0x79: {  	[bflag:$0x3] =	sbarrier.arrive $0xFFFF  }
0x7a: {  	_ =	shalt  }
.Lfunc_end2:
execute1_lowered:
.L_overlay_start_2:
0x7b: {  	(tag) =	ssettag $0x2  }
0x7c: {  	s2 =	rddreg [dreg:$0x0]  }
0x7d: {  	s3 =	rddreg [dreg:$0x1];
	_ =	strace $0x8000004D;
	s0 =	simm.s32 $0x1  }
0x7e: {  	v0 =	vimm.s32 $0x0;
	[sflag:s0] =	ssyncpa.u1 $0x0;
	s0 =	simm.s32 $0x108  }
0x7f: {  	[tilespmem:s0+$0x70] =	vst v0  }
0x80: {  	[tilespmem:s0+$0x60] =	vst v0  }
0x81: {  	[tilespmem:s0+$0x50] =	vst v0  }
0x82: {  	[tilespmem:s0+$0x40] =	vst v0  }
0x83: {  	[tilespmem:s0+$0x30] =	vst v0  }
0x84: {  	s1 =	sadd.s32 $0x889200, s2;
	s15 =	sadd.s32 $0x2E200, s2;
	s6 =	sadd.s32 $0xC0E00, s2;
	[tilespmem:s0+$0x20] =	vst v0  }
0x85: {  	s14 =	sadd.s32 $0x3CE00, s2;
	s5 =	sand.u32 $0x1, s3;
	s3 =	simm.s32 $0x40;
	[tilespmem:s0+$0x10] =	vst v0  }
.LBB3_1:
0x86: {  	s3 =	sadd.s32 $0x40, s3;
	[tilespmem:s0+$0x0] =	vst v0;
	s0 =	sadd.s32 $0x80, s0  }
0x87: {  	p0 =	slt.u32 s3, $0x3C40;
	[tilespmem:s0+$0x70] =	vst v0  }
0x88: {  	[tilespmem:s0+$0x60] =	vst v0  }
.Ltmp8:
0x89: {  	[tilespmem:s0+$0x50] =	vst v0;
	(pc) =	sbr.rel @p0 .LBB3_1-.Ltmp8, $4  }
0x8a: {  	[tilespmem:s0+$0x40] =	vst v0  }
0x8b: {  	[tilespmem:s0+$0x30] =	vst v0  }
0x8c: {  	[tilespmem:s0+$0x20] =	vst v0  }
0x8d: {  	[tilespmem:s0+$0x10] =	vst v0  }
0x8e: {  	s9 =	stileid.u32  }
0x8f: {  	s2 =	smul.u32 $0x3E, s9  }
0x90: {  	s3 =	smin.u32 s9, $0x8  }
0x91: {  	s2 =	sadd.s32 s3, s2  }
0x92: {  	p0 =	slt.u32 s9, $0x8;
	s7 =	smul.u32 $0xF0, s2;
	s2 =	simm.s32 $0x3B10  }
0x93: {  	s2 =	simm.s32 @!p0 $0x3A20  }
0x94: {  	s2 =	sadd.s32 s2, s7  }
0x95: {  	s8 =	smin.u32 s2, $0x3A980  }
0x96: {  	s2 =	ssub.s32 s8, s7  }
0x97: {  	p0 =	sgt.s32 s2, $0x0  }
0x98: {  	s29 =	simm.s32 $0x2;
	s10 =	simm.s32 $0x9;
	s2 =	simm.s32 @!p0 $0x0  }
0x99: {  	s4 =	simm.s32 $0xA;
	s11 =	simm.s32 $0xB;
	s28 =	smulhi.u32 $0x88888889, s2  }
0x9a: {  	[dreg:$0x4] =	wrdreg s5;
	s31 =	smul.u32 $0x7530, s5;
	s12 =	simm.s32 $0x1  }
0x9b: {  	s22 =	simm.s32 $0x0;
	s18 =	simm.s32 $0xC;
	s30 =	sshrl.u32 s28, $0x7  }
0x9c: {  	s20 =	simm.s32 $0x0;
	s21 =	simm.s32 $0x0;
	s3 =	smul.u32 $0xF0, s30  }
.Ltmp9:
0x9d: {  	[tilespmem:s0+$0x0] =	vst v0;
	v0 =	vimm.s32 $0xFFFFFFFF;
	[sflag:s29] =	ssyncpa.u1 $0x0;
	s16 =	sshll.u32 s9, $0x8;
	(pc) =	sbr.rel .LBB3_3-.Ltmp9, $4  }
0x9e: {  	[tilespmem:$0xF208] =	vst v0;
	[sflag:s10] =	ssyncpa.u1 $0x0;
	p0 =	sne.s32 s2, s3;
	s2 =	simm.s32 $0x1  }
0x9f: {  	s14 =	sadd.s32 s31, s14;
	[sflag:s4] =	ssyncpa.u1 $0x0;
	s2 =	simm.s32 @!p0 $0x0  }
0xa0: {  	s15 =	sadd.s32 s31, s15;
	[sflag:s11] =	ssyncpa.u1 $0x0;
	s13 =	sadd.s32 s2, s30  }
0xa1: {  	v0 =	vlaneseq.u32;
	s19 =	smov.u32 s7;
	p0 =	por $0x0, $0x0;
	s17 =	sadd.s32 $0x1, s13  }
.LBB3_18:
0xa2: {  	s0 =	sshrl.u32 s31, $0x2  }
.LBB3_20:
0xa3: {  	_ =	swait.ge [sflag:s18], s0  }
0xa4: {  	s31 =	ssub.s32 $0x0, s0;
	v1 =	vmov s24;
	vm0 =	veq.s32 v0, $0x0;
	[sflag:s18] =	ssyncset.done $0x0  }
0xa5: {  	vm15 =	veq.s32 v0, $0x2;
	v1 =	vsel vm0, s30, v1;
	[sflag:s18] =	ssyncadd.s32 s31  }
0xa6: {  	v1 =	vsel vm15, s22, v1;
	[sflag:s18] =	ssyncpa.u1 $0x1  }
0xa7: {  	[tilespmem:$0xF208] =	vst v1  }
.LBB3_21:
0xa8: {  	s0 =	sadd.s32 $0xF0, s19  }
0xa9: {  	s2 =	smov.u32 s7;
	p1 =	slt.s32 s0, s8  }
0xaa: {  	s2 =	smov.u32 @p1 s0;
	p1 =	sne.s32 s21, s17  }
.Ltmp10:
0xab: {  	_ = 	snop;
	(pc) =	sbr.rel @!p1 .LBB3_22-.Ltmp10, $3  }
0xac: {  	_ =	sdelay $0x1  }
0xad: {  	s22 =	smov.u32 s20;
	s31 =	sadd.s32 $0x1, s21;
	s20 =	smov.u32 s19  }
0xae: {  	p0 =	por !p0, !p0;
	s21 =	smov.u32 s31;
	s19 =	smov.u32 s2  }
.LBB3_3:
0xaf: {  	p1 =	sge.u32 s21, s13  }
0xb0: {  	s0 =	smulhi.u32 @!p1 $0xAAAAAAAB, s21  }
0xb1: {  	s2 =	smov.u32 s19;
	p2 =	sgt.s32 @!p1 s19, $0x3A890  }
0xb2: {  	s3 =	sshra.s32 @!p1 s19, $0x1F;
	p2 =	por !p2, p1;
	s0 =	sshrl.u32 @!p1 s0, $0x1  }
0xb3: {  	s3 =	sand.u32 @!p1 s3, s19;
	s2 =	simm.s32 @p2 $0x3A890;
	s0 =	smul.u32 @!p1 $0x3, s0  }
0xb4: {  	s2 =	ssub.s32 @!p1 s2, s3  }
0xb5: {  	s2 =	sadd.s32 @!p1 $0xFFFC5770, s2;
	s0 =	ssub.s32 @!p1 s21, s0  }
0xb6: {  	s3 =	sshll.u32 @!p1 s2, $0x2;
	p2 =	sgt.s32 @!p1 s2, $0xEF;
	s0 =	smul.u32 @!p1 $0x3C0, s0  }
0xb7: {  	s4 =	sand.u32 @!p1 $0x7, s19;
	s2 =	ssub.s32 @!p1 $0x3C0, s3;
	p2 =	por !p2, p1  }
0xb8: {  	s3 =	sshrl.u32 @!p1 s19, $0x3;
	s2 =	sshrl.u32 @!p1 s2, $0x2;
	s0 =	sshrl.u32 @!p1 s0, $0x2  }
0xb9: {  	s3 =	sadd.s32 @!p1 s3, s14;
	s2 =	simm.s32 @!p2 $0x0;
	s0 =	sadd.s32 @!p1 $0x10248, s0  }
0xba: {  	[tilespmem:s0], [sflag:$0xA] =	stream.linear.gather @!p1 [hbm4b:s3+s4], s2, $0x38;
	[tilespmem:$0x1F6F8] =	vst v63  }
0xbb: {  	s0 =	sadd.s32 $0xFFFFFFFF, s21  }
0xbc: {  	p1 =	sge.u32 s0, s13  }
0xbd: {  	p2 =	sgt.s32 @!p1 s20, $0x3A890  }
0xbe: {  	s2 =	smov.u32 s20;
	s3 =	sshra.s32 @!p1 s20, $0x1F;
	p2 =	por !p2, p1  }
0xbf: {  	s3 =	sand.u32 @!p1 s3, s20;
	s2 =	simm.s32 @p2 $0x3A890  }
0xc0: {  	s2 =	ssub.s32 @!p1 s2, s3  }
0xc1: {  	s2 =	sadd.s32 @!p1 $0xFFFC5770, s2  }
0xc2: {  	s4 =	smulhi.u32 @!p1 $0xAAAAAAAB, s0;
	s5 =	sand.u32 @!p1 $0x1, s0;
	s3 =	sshll.u32 @!p1 s2, $0x2  }
0xc3: {  	s24 =	smul.u32 @!p1 $0x3C0, s5;
	p2 =	sgt.s32 @!p1 s2, $0xEF;
	s2 =	ssub.s32 @!p1 $0x3C0, s3  }
0xc4: {  	p2 =	por !p2, p1;
	s3 =	sshrl.u32 @!p1 s4, $0x1;
	s2 =	sshrl.u32 @!p1 s2, $0x2  }
0xc5: {  	s4 =	simm.s32 @!p1 $0xA;
	s3 =	smul.u32 @!p1 $0x3, s3;
	s2 =	simm.s32 @!p2 $0x0  }
0xc6: {  	s5 =	smul.u32 @!p1 $0x1E000, s5;
	_ =	swait.ge @!p1 [sflag:s4], s2;
	s23 =	ssub.s32 @!p1 $0x0, s2  }
0xc7: {  	s0 =	ssub.s32 @!p1 s0, s3;
	s3 =	sshrl.u32 @!p1 s20, $0x3;
	[sflag:s4] =	ssyncset.done @!p1 $0x0  }
0xc8: {  	s3 =	sadd.s32 @!p1 s3, s15;
	[sflag:s4] =	ssyncadd.s32 @!p1 s23;
	s4 =	sshrl.u32 @!p1 s24, $0x2  }
0xc9: {  	s0 =	smul.u32 @!p1 $0x3C0, s0;
	s23 =	sand.u32 @!p1 $0x7, s20;
	s4 =	sadd.s32 @!p1 $0x10518, s4  }
0xca: {  	[tilespmem:s4], [sflag:$0xB] =	stream.linear.gather @!p1 [hbm4b:s3+s23], s2, $0x38;
	[tilespmem:$0x1F6F8] =	vst v63  }
0xcb: {  	s0 =	sshrl.u32 @!p1 s0, $0x2;
	s2 =	sshrl.u32 @!p1 s5, $0x2  }
0xcc: {  	s0 =	sadd.s32 @!p1 $0x10248, s0;
	s3 =	simm.s32 @!p1 $0xF0;
	s2 =	sor.u32 @!p1 $0x106F8, s2  }
0xcd: {  	[tilespmem:s2], [sflag:$0x9] =	stream.indirect.gather @!p1 [hbm4b:s6+s3], $0x80, s0, s3, $0xb8;
	[tilespmem:$0x1F6F8] =	vst v63  }
0xce: {  	p1 =	slt.u32 s21, $0x2  }
.Ltmp11:
0xcf: {  	_ = 	snop;
	(pc) =	sbr.rel @p1 .LBB3_21-.Ltmp11, $1  }
0xd0: {  	_ =	sdelay $0x3  }
0xd1: {  	p1 =	sgt.s32 s22, $0x3A890;
	s0 =	smov.u32 s22;
	s2 =	sshra.s32 s22, $0x1F  }
0xd2: {  	s0 =	simm.s32 @!p1 $0x3A890;
	s2 =	sand.u32 s2, s22  }
0xd3: {  	s0 =	ssub.s32 s0, s2  }
0xd4: {  	s0 =	sadd.s32 $0xFFFC5770, s0  }
0xd5: {  	s29 =	sshll.u32 s0, $0x2  }
0xd6: {  	_ =	swait.ge [sflag:s10], $0x7800;
	s2 =	ssub.s32 $0x3C0, s29  }
0xd7: {  	[sflag:s10] =	ssyncset.done $0x0;
	p1 =	sgt.s32 s0, $0xEF;
	s0 =	sshrl.u32 s2, $0x2  }
0xd8: {  	[sflag:s10] =	ssyncadd.s32 $0xFFFF8800;
	s0 =	simm.s32 @p1 $0x0  }
0xd9: {  	_ =	swait.ge [sflag:s11], s0  }
0xda: {  	s0 =	ssub.s32 $0x0, s0;
	[sflag:s11] =	ssyncset.done $0x0  }
0xdb: {  	[sflag:s11] =	ssyncadd.s32 s0  }
0xdc: {  	v1 =	vld [tilespmem:$0xF208];
	_ =	sdelay $0x4  }
0xdd: {  	(v2sf) =	vpush v1, $0x0  }
0xde: {  	(v2sf) =	vpush v1, $0x1  }
0xdf: {  	(v2sf) =	vpush v1, $0x2;
	_ =	sdelay $0x3  }
0xe0: {  	s0 =	sadd.s32 $0xF0, s22  }
0xe1: {  	s2 =	ssub.s32 $0x75300, s22;
	p1 =	slt.s32 s8, s0  }
0xe2: {  	s0 =	smov.u32 @p1 s8;
	p1 =	sgt.s32 s2, $0x0  }
0xe3: {  	s26 =	ssub.s32 s0, s22;
	s2 =	simm.s32 @!p1 $0x0  }
0xe4: {  	p1 =	slt.s32 s2, s26  }
0xe5: {  	s26 =	smov.u32 @p1 s2  }
0xe6: {  	s25 =	simm.s32 $0x1;
	p1 =	slt.s32 s26, $0x1  }
.Ltmp12:
0xe7: {  	s25 =	simm.s32 @!p0 $0x0;
	(pc) =	sbr.rel @p1 .LBB3_8-.Ltmp12, $4  }
0xe8: {  	s31 =	smul.u32 $0x3C0, s25  }
0xe9: {  	s28 =	spop (v2sf)  }
0xea: {  	s0 =	sshrl.u32 s31, $0x2;
	s30 =	spop (v2sf)  }
0xeb: {  	s23 =	sadd.s32 $0x10518, s0;
	s22 =	spop (v2sf)  }
0xec: {  	s0 =	smin.u32 s26, $0x10  }
0xed: {  	v1 =	vmov s0  }
0xee: {  	p2 =	sgt.s32 s26, $0x10;
	vm1 =	vgt.u32 v1, v0  }
.Ltmp13:
0xef: {  	_ = 	snop;
	(pc) =	sbr.rel @!p2 .LBB3_7-.Ltmp13, $2  }
0xf0: {  	_ =	sdelay $0x2  }
0xf1: {  	s4 =	simm.s32 $0x10;
	s24 =	sadd.s32 $0xFFFFFFF0, s26;
	s0 =	smov.u32 s23;
	vm0 =	vmmov vm1  }
.LBB3_6:
0xf2: {  	s2 =	smin.u32 s24, $0x10;
	s4 =	sadd.s32 $0x10, s4;
	v1 =	vld.msk [tilespmem:s0+$0x0 ss:$0x1], vm1  }
0xf3: {  	v2 =	vmov s2;
	p2 =	slt.s32 s4, s26  }
0xf4: {  	vm1 =	vgt.u32 v2, v0  }
.Ltmp14:
0xf5: {  	(pc) =	sbr.rel @p2 .LBB3_6-.Ltmp14, $3  }
0xf6: {  	_ =	sdelay $0x1  }
0xf7: {  	v1 =	vshll.u32 v1, $0x4  }
0xf8: {  	s24 =	sadd.s32 $0xFFFFFFF0, s24;
	[tilespmem:s0+$0x0] =	vst.msk vm0, v1;
	s0 =	sadd.s32 $0x10, s0;
	vm0 =	vmmov vm1  }
.LBB3_7:
0xf9: {  	_ =	sdelay $0x4  }
0xfa: {  	v1 =	vld.msk [tilespmem:s0+$0x0 ss:$0x1], vm1;
	_ =	sdelay $0x4  }
0xfb: {  	v1 =	vshll.u32 v1, $0x4  }
0xfc: {  	[tilespmem:s0+$0x0] =	vst.msk vm0, v1  }
.LBB3_8:
0xfd: {  	s0 =	sand.u32 $0x1, s21  }
0xfe: {  	s0 =	smul.u32 $0xF0, s0  }
0xff: {  	p2 =	sne.s32 s30, $0xFFFFFFFF  }
0x100: {  	v1 =	vld.msk @!p2 [tilespmem:s0+$0x10518], $0x1;
	_ =	sdelay $0x4  }
0x101: {  	(v2sf) =	vpush @!p2 v1, $0x0;
	_ =	sdelay $0xc  }
.Ltmp15:
0x102: {  	_ = 	snop;
	(pc) =	sbr.rel @p1 .LBB3_19-.Ltmp15, $4  }
0x103: {  	_ = 	snop  }
0x104: {  	s29 =	spop @!p2 (v2sf)  }
0x105: {  	s22 =	simm.s32 @!p2 $0x0;
	s24 =	smov.u32 s29  }
0x106: {  	[sflag:s18] =	ssyncpa.u1 $0x0;
	s29 =	smov.u32 @p2 s28;
	s24 =	smov.u32 @p2 s30  }
0x107: {  	v1 =	vld.msk [tilespmem:s23+$0x0], $0x1;
	_ =	sdelay $0x4  }
0x108: {  	(v2sf) =	vpush v1, $0x0;
	_ =	sdelay $0xe  }
0x109: {  	s2 =	smul.u32 $0x1E000, s25;
	s0 =	spop (v2sf)  }
0x10a: {  	s26 =	ssub.s32 $0x0, s26;
	p1 =	seq.s32 s29, s0  }
0x10b: {  	s30 =	sadd.s32 $0x1, s26;
	s2 =	sshrl.u32 s2, $0x2;
	p2 =	sgt.s32 @!p1 s29, $0x0  }
0x10c: {  	s25 =	sor.u32 $0x10738, s2;
	s2 =	smov.u32 s29;
	p2 =	por !p2, p1  }
0x10d: {  	s2 =	simm.s32 @p2 $0x0;
	p2 =	seq.s32 s30, $0x0  }
.Ltmp16:
0x10e: {  	_ = 	snop;
	(pc) =	sbr.rel @p2 .LBB3_11-.Ltmp16, $4  }
0x10f: {  	_ = 	snop  }
0x110: {  	s28 =	simm.s32 $0x0;
	s31 =	sadd.s32 $0x1, s23;
	s2 =	smin.u32 @!p1 s2, $0x752F0  }
0x111: {  	s4 =	simm.s32 @!p1 $0x1;
	s5 =	simm.s32 @!p1 $0x7988;
	s3 =	sand.u32 @!p1 $0x7FFF8, s2  }
0x112: {  	s4 =	smov.u32 @p1 s28;
	s2 =	sand.u32 @!p1 $0x7, s2;
	s3 =	sadd.s32 @!p1 s1, s3  }
.LBB3_10:
0x113: {  	s9 =	smov.u32 s4  }
0x114: {  	[tilespmem:s5], [sflag:$0x2] =	stream.linear.gather @!p1 [hbm4b:s3+s2], $0x80, $0x38;
	[tilespmem:$0x1F6F8] =	vst v63  }
0x115: {  	s30 =	sadd.s32 $0x1, s30;
	s2 =	smov.u32 s0;
	v1 =	vld.msk [tilespmem:s31+$0x0], $0x1  }
0x116: {  	p2 =	seq.s32 s30, $0x0;
	_ =	sdelay $0x3  }
0x117: {  	(v2sf) =	vpush v1, $0x0;
	_ =	sdelay $0xe  }
0x118: {  	s0 =	spop (v2sf)  }
0x119: {  	p1 =	seq.s32 s2, s0  }
0x11a: {  	p3 =	sgt.s32 @!p1 s2, $0x0;
	s3 =	sshll.u32 @!p1 s4, $0x9;
	s4 =	sadd.s32 @!p1 $0x1, s4  }
.Ltmp17:
0x11b: {  	p3 =	por !p3, p1;
	s3 =	sshra.s32 @!p1 s3, $0x2;
	(pc) =	sbr.rel @!p2 .LBB3_10-.Ltmp17, $4  }
0x11c: {  	s4 =	smov.u32 @p1 s9;
	s2 =	simm.s32 @p3 $0x0;
	s5 =	sadd.s32 @!p1 $0x7988, s3  }
0x11d: {  	s2 =	smin.u32 @!p1 s2, $0x752F0  }
0x11e: {  	s3 =	sand.u32 @!p1 $0x7FFF8, s2;
	s2 =	sand.u32 @!p1 $0x7, s2  }
0x11f: {  	s31 =	sadd.s32 $0x1, s31;
	s3 =	sadd.s32 @!p1 s1, s3  }
.LBB3_11:
0x120: {  	[tilespmem:s5], [sflag:$0x2] =	stream.linear.gather @!p1 [hbm4b:s3+s2], $0x80, $0x38;
	[tilespmem:$0x1F6F8] =	vst v63  }
.Ltmp18:
0x121: {  	s0 =	sshll.u32 s4, $0x7;
	(pc) =	sbr.rel .LBB3_12-.Ltmp18, $4  }
0x122: {  	s30 =	simm.s32 $0x2;
	s0 =	sand.u32 $0x3FFFFF80, s0  }
0x123: {  	_ =	swait.ge [sflag:s30], s0  }
0x124: {  	s0 =	ssub.s32 $0x0, s0;
	[sflag:s30] =	ssyncset.done $0x0  }
0x125: {  	s31 =	simm.s32 $0x0;
	[sflag:s30] =	ssyncadd.s32 s0  }
.LBB3_13:
0x126: {  	v1 =	vld [tilespmem:s25+$0xFFFFFFC0];
	_ =	sdelay $0x3  }
0x127: {  	s0 =	sshra.s32 s0, $0x2  }
0x128: {  	[tilespmem:s0+$0x108] =	vst.add.f32.msk $0xffff, v1  }
0x129: {  	v1 =	vld [tilespmem:s25+$0xFFFFFFD0];
	_ =	sdelay $0x4  }
0x12a: {  	[tilespmem:s0+$0x118] =	vst.add.f32.msk $0xffff, v1  }
0x12b: {  	v1 =	vld [tilespmem:s25+$0xFFFFFFE0];
	_ =	sdelay $0x4  }
0x12c: {  	[tilespmem:s0+$0x128] =	vst.add.f32.msk $0xffff, v1  }
0x12d: {  	v1 =	vld [tilespmem:s25+$0xFFFFFFF0];
	_ =	sdelay $0x4  }
0x12e: {  	[tilespmem:s0+$0x138] =	vst.add.f32.msk $0xffff, v1  }
0x12f: {  	v1 =	vld [tilespmem:s25+$0x0];
	_ =	sdelay $0x4  }
0x130: {  	[tilespmem:s0+$0x148] =	vst.add.f32.msk $0xffff, v1  }
0x131: {  	v1 =	vld [tilespmem:s25+$0x10];
	_ =	sdelay $0x4  }
0x132: {  	[tilespmem:s0+$0x158] =	vst.add.f32.msk $0xffff, v1  }
0x133: {  	v1 =	vld [tilespmem:s25+$0x20];
	_ =	sdelay $0x4  }
0x134: {  	[tilespmem:s0+$0x168] =	vst.add.f32.msk $0xffff, v1  }
0x135: {  	v1 =	vld [tilespmem:s25+$0x30];
	_ =	sdelay $0x4  }
0x136: {  	[tilespmem:s0+$0x178] =	vst.add.f32.msk $0xffff, v1  }
.LBB3_17:
0x137: {  	s26 =	sadd.s32 $0x1, s26  }
0x138: {  	p1 =	seq.s32 s26, $0x0  }
.Ltmp19:
0x139: {  	_ = 	snop;
	(pc) =	sbr.rel @p1 .LBB3_18-.Ltmp19, $2  }
0x13a: {  	_ =	sdelay $0x2  }
0x13b: {  	s23 =	sadd.s32 $0x1, s23;
	s25 =	sadd.s32 $0x80, s25;
	s29 =	smov.u32 s30  }
.LBB3_12:
0x13c: {  	v1 =	vld.msk [tilespmem:s23+$0x0], $0x1;
	_ =	sdelay $0x4  }
0x13d: {  	(v2sf) =	vpush v1, $0x0;
	_ =	sdelay $0xe  }
0x13e: {  	s30 =	spop (v2sf)  }
0x13f: {  	p1 =	sne.s32 s29, s30  }
.Ltmp20:
0x140: {  	_ = 	snop;
	(pc) =	sbr.rel @!p1 .LBB3_13-.Ltmp20, $2  }
0x141: {  	_ =	sdelay $0x2  }
0x142: {  	s0 =	sshll.u32 s22, $0x9  }
0x143: {  	p1 =	seq.s32 s29, s24  }
.Ltmp21:
0x144: {  	_ = 	snop;
	(pc) =	sbr.rel @!p1 .LBB3_15-.Ltmp21, $1  }
0x145: {  	_ =	sdelay $0x3  }
0x146: {  	s0 =	sshra.s32 s0, $0x2  }
.Ltmp22:
0x147: {  	s0 =	sadd.s32 $0x108, s0;
	(pc) =	sbr.rel .LBB3_16-.Ltmp22, $4  }
0x148: {  	[spmem:s16] =	stream.linear.scatter [tilespmem:s0], [sflag:$0x1], $0x80, $0x38;
	[tilespmem:$0x1F6F8] =	vst v63  }
0x149: {  	_ =	swait.ge [sflag:s12], $0x80  }
0x14a: {  	[sflag:s12] =	ssyncset.done $0x0  }
0x14b: {  	[sflag:s12] =	ssyncadd.s32 $0xFFFFFF80  }
.LBB3_15:
0x14c: {  	s2 =	sshll.u32 s28, $0x9  }
0x14d: {  	s2 =	sshra.s32 s2, $0x2  }
0x14e: {  	v1 =	vld [tilespmem:s2+$0x7988];
	_ =	sdelay $0x3  }
0x14f: {  	s0 =	sshra.s32 s0, $0x2  }
0x150: {  	[tilespmem:s0+$0x108] =	vst.add.f32.msk $0xffff, v1  }
0x151: {  	v1 =	vld [tilespmem:s2+$0x7998];
	_ =	sdelay $0x4  }
0x152: {  	[tilespmem:s0+$0x118] =	vst.add.f32.msk $0xffff, v1  }
0x153: {  	v1 =	vld [tilespmem:s2+$0x79A8];
	_ =	sdelay $0x4  }
0x154: {  	[tilespmem:s0+$0x128] =	vst.add.f32.msk $0xffff, v1  }
0x155: {  	v1 =	vld [tilespmem:s2+$0x79B8];
	_ =	sdelay $0x4  }
0x156: {  	[tilespmem:s0+$0x138] =	vst.add.f32.msk $0xffff, v1  }
0x157: {  	v1 =	vld [tilespmem:s2+$0x79C8];
	_ =	sdelay $0x4  }
0x158: {  	[tilespmem:s0+$0x148] =	vst.add.f32.msk $0xffff, v1  }
0x159: {  	v1 =	vld [tilespmem:s2+$0x79D8];
	_ =	sdelay $0x4  }
0x15a: {  	[tilespmem:s0+$0x158] =	vst.add.f32.msk $0xffff, v1  }
0x15b: {  	v1 =	vld [tilespmem:s2+$0x79E8];
	_ =	sdelay $0x4  }
0x15c: {  	[tilespmem:s0+$0x168] =	vst.add.f32.msk $0xffff, v1  }
0x15d: {  	v1 =	vld [tilespmem:s2+$0x79F8];
	_ =	sdelay $0x2  }
0x15e: {  	p1 =	sgt.u32 s29, $0x752F0  }
0x15f: {  	s2 =	sand.u32 @!p1 $0x7FFF8, s29  }
0x160: {  	s3 =	sadd.s32 $0x108, s0;
	[tilespmem:s0+$0x178] =	vst.add.f32.msk $0xffff, v1;
	s0 =	sadd.s32 @!p1 s1, s2;
	s2 =	sand.u32 @!p1 $0x7, s29  }
0x161: {  	[hbm4b:s0+s2] =	stream.linear.scatter @!p1 [tilespmem:s3], [sflag:$0xC], $0x80, $0x38;
	[tilespmem:$0x1F6F8] =	vst v63  }
0x162: {  	s0 =	simm.s32 $0x0  }
0x163: {  	s0 =	simm.s32 @!p1 $0x200  }
0x164: {  	s31 =	sadd.s32 s0, s31  }
.LBB3_16:
0x165: {  	s0 =	sadd.s32 $0x1, s22  }
0x166: {  	s2 =	smulhi.u32 $0x88888889, s0;
	_ =	sdelay $0x1  }
0x167: {  	v1 =	vld [tilespmem:s25+$0xFFFFFFC0];
	s2 =	sshrl.u32 s2, $0x7  }
0x168: {  	s2 =	smul.u32 $0xF0, s2;
	_ =	sdelay $0x1  }
0x169: {  	s22 =	ssub.s32 s0, s2  }
0x16a: {  	s0 =	sshll.u32 s22, $0x7  }
0x16b: {  	[tilespmem:s0+$0x108] =	vst v1  }
0x16c: {  	v1 =	vld [tilespmem:s25+$0xFFFFFFD0];
	_ =	sdelay $0x4  }
0x16d: {  	[tilespmem:s0+$0x118] =	vst v1  }
0x16e: {  	v1 =	vld [tilespmem:s25+$0xFFFFFFE0];
	_ =	sdelay $0x4  }
0x16f: {  	[tilespmem:s0+$0x128] =	vst v1  }
0x170: {  	v1 =	vld [tilespmem:s25+$0xFFFFFFF0];
	_ =	sdelay $0x4  }
0x171: {  	[tilespmem:s0+$0x138] =	vst v1  }
0x172: {  	v1 =	vld [tilespmem:s25+$0x0];
	_ =	sdelay $0x4  }
0x173: {  	[tilespmem:s0+$0x148] =	vst v1  }
0x174: {  	v1 =	vld [tilespmem:s25+$0x10];
	_ =	sdelay $0x4  }
0x175: {  	[tilespmem:s0+$0x158] =	vst v1  }
0x176: {  	v1 =	vld [tilespmem:s25+$0x20];
	_ =	sdelay $0x4  }
0x177: {  	[tilespmem:s0+$0x168] =	vst v1  }
0x178: {  	v1 =	vld [tilespmem:s25+$0x30]  }
.Ltmp23:
0x179: {  	_ = 	snop;
	(pc) =	sbr.rel .LBB3_17-.Ltmp23, $2  }
0x17a: {  	_ =	sdelay $0x2  }
0x17b: {  	s28 =	sadd.s32 $0x1, s28;
	[tilespmem:s0+$0x178] =	vst v1  }
.LBB3_19:
.Ltmp24:
0x17c: {  	(pc) =	sbr.rel .LBB3_20-.Ltmp24, $4  }
0x17d: {  	_ = 	snop  }
0x17e: {  	s0 =	simm.s32 $0x2  }
0x17f: {  	_ =	swait.ge [sflag:s0], $0x0  }
0x180: {  	s30 =	smov.u32 s29;
	[sflag:s0] =	ssyncset.done $0x0;
	s0 =	simm.s32 $0x0  }
.LBB3_22:
0x181: {  	_ =	sfence.sel $0x180000  }
0x182: {  	s0 =	simm.s32 $0x9;
	[bflag:$0x0] =	sbarrier.arrive $0xFFFF  }
0x183: {  	s24 =	simm.s32 $0xA;
	[sflag:s0] =	ssyncpa.u1 $0x1  }
0x184: {  	s25 =	simm.s32 $0xB;
	[sflag:s24] =	ssyncpa.u1 $0x1  }
0x185: {  	s26 =	simm.s32 $0x2;
	[sflag:s25] =	ssyncpa.u1 $0x1  }
0x186: {  	[sflag:s26] =	ssyncpa.u1 $0x1  }
0x187: {  	v0 =	vld [tilespmem:$0xF208];
	_ =	sdelay $0x4  }
0x188: {  	(v2sf) =	vpush v0, $0x0  }
0x189: {  	(v2sf) =	vpush v0, $0x1;
	_ =	sdelay $0x1  }
0x18a: {  	(v2sf) =	vpush v0, $0x2;
	_ =	sdelay $0xb  }
0x18b: {  	s0 =	spop (v2sf)  }
0x18c: {  	s2 =	spop (v2sf)  }
0x18d: {  	s3 =	smov.u32 s0;
	p0 =	sne.s32 s0, s2  }
0x18e: {  	s4 =	spop (v2sf);
	s3 =	simm.s32 @!p0 $0xFFFFFFFF  }
0x18f: {  	v2 =	vimm.s32 $0x1;
	v3 =	vlaneseq.u32;
	p0 =	seq.s32 s4, $0xFFFFFFFF;
	v1 =	vmov s3  }
0x190: {  	s16 =	stileid.u32;
	v0 =	vperm.xlane v0, v2;
	p1 =	sne.s32 @!p0 s0, s2;
	v1 =	vperm.xlane v1, v3  }
0x191: {  	vm0 =	vcmask $0x3F04;
	s6 =	simm.s32 $0xF208;
	s0 =	simm.s32 @!p0 $0x1;
	p1 =	por !p1, p0  }
0x192: {  	s3 =	sshll.u32 s16, $0x1;
	s2 =	sshll.u32 @!p0 s4, $0x9;
	s0 =	simm.s32 @p1 $0x0;
	v0 =	vsel vm0, v1, v0  }
0x193: {  	s5 =	sor.u32 $0x1000, s3;
	s2 =	sshra.s32 @!p0 s2, $0x2;
	s0 =	sor.u32 @!p0 s0, s3;
	[tilespmem:$0xF208] =	vst v0  }
0x194: {  	[spmem:s5] =	stream.linear.scatter [tilespmem:s6], [sflag:$0x1], $0x2, $0x38;
	[tilespmem:$0x1F6F8] =	vst v63  }
0x195: {  	s2 =	sadd.s32 @!p0 $0x108, s2;
	s0 =	sshll.u32 @!p0 s0, $0x7  }
0x196: {  	[spmem:s0] =	stream.linear.scatter @!p0 [tilespmem:s2], [sflag:$0x1], $0x80, $0x38;
	[tilespmem:$0x1F6F8] =	vst v63  }
0x197: {  	s0 =	simm.s32 @!p0 $0x82  }
0x198: {  	s28 =	simm.s32 $0x1;
	s0 =	simm.s32 @p0 $0x2  }
0x199: {  	_ =	swait.ge [sflag:s28], s0  }
0x19a: {  	s0 =	ssub.s32 $0x0, s0;
	[sflag:s28] =	ssyncset.done $0x0  }
0x19b: {  	p0 =	sne.s32 s16, $0x0;
	[sflag:s28] =	ssyncadd.s32 s0  }
.Ltmp25:
0x19c: {  	_ =	sfence.stream.spmem;
	(pc) =	sbr.rel @p0 .LBB3_39-.Ltmp25, $4  }
0x19d: {  	s29 =	simm.s32 $0x3;
	[bflag:$0x0] =	sbarrier.arrive $0xFFFF  }
0x19e: {  	s30 =	simm.s32 $0x4;
	[sflag:s29] =	ssyncpa.u1 $0x1  }
0x19f: {  	s31 =	simm.s32 $0x3C;
	[sflag:s30] =	ssyncpa.u1 $0x1  }
0x1a0: {  	s15 =	rddreg [dreg:$0x4];
	[sflag:s31] =	ssyncpa.u1 $0x1  }
0x1a1: {  	_ =	sfence.stream.spmem;
	s0 =	simm.s32 $0x5  }
0x1a2: {  	s2 =	simm.s32 $0x1000;
	s3 =	simm.s32 $0xF218;
	[sflag:s0] =	ssyncpa.u1 $0x0  }
0x1a3: {  	[tilespmem:s3], [sflag:$0x5] =	stream.linear.gather [spmem:s2], $0x20, $0x38;
	[tilespmem:$0x1F6F8] =	vst v63  }
0x1a4: {  	s26 =	simm.s32 $0x0;
	s28 =	simm.s32 $0xF238  }
0x1a5: {  	[tilespmem:s28], [sflag:$0x5] =	stream.linear.gather [spmem:s26], $0x1000, $0x38;
	[tilespmem:$0x1F6F8] =	vst v63  }
0x1a6: {  	_ =	swait.ge [sflag:s0], $0x1020  }
0x1a7: {  	[sflag:s0] =	ssyncset.done $0x0  }
0x1a8: {  	s29 =	simm.s32 $0x0;
	[sflag:s0] =	ssyncadd.s32 $0xFFFFEFE0  }
0x1a9: {  	v0 =	vld.msk [tilespmem:s29+$0xF218], $0x1;
	_ =	sdelay $0x1  }
0x1aa: {  	s30 =	simm.s32 $0x1  }
0x1ab: {  	v1 =	vld.msk [tilespmem:s30+$0xF218], $0x1;
	_ =	sdelay $0x1  }
0x1ac: {  	(v2sf) =	vpush v0, $0x0;
	_ =	sdelay $0x2  }
0x1ad: {  	(v2sf) =	vpush v1, $0x0;
	_ =	sdelay $0x2  }
0x1ae: {  	s31 =	simm.s32 $0x2  }
0x1af: {  	v0 =	vld.msk [tilespmem:s31+$0xF218], $0x1;
	_ =	sdelay $0x2  }
0x1b0: {  	s4 =	simm.s32 $0xFFFFFFFF;
	s5 =	simm.s32 $0xFFFFFFFF;
	s0 =	simm.s32 $0xC  }
.LBB3_24:
0x1b1: {  	s2 =	smov.u32 s5;
	s3 =	smov.u32 s4  }
0x1b2: {  	s4 =	sshra.s32 s0, $0x2;
	p1 =	sne.s32 s0, $0x7C;
	s0 =	sadd.s32 $0x4, s0;
	(v2sf) =	vpush v0, $0x0  }
0x1b3: {  	v0 =	vld.msk [tilespmem:s4+$0xF218], $0x1  }
.Ltmp26:
0x1b4: {  	(pc) =	sbr.rel @p1 .LBB3_24-.Ltmp26, $4  }
0x1b5: {  	s5 =	spop (v2sf)  }
0x1b6: {  	p2 =	sne.s32 s3, $0xFFFFFFFF;
	s4 =	smov.u32 s5  }
0x1b7: {  	p3 =	seq.s32 s5, $0xFFFFFFFF;
	s4 =	smov.u32 @p2 s3  }
0x1b8: {  	s5 =	smov.u32 @p3 s2;
	s4 =	smov.u32 @p3 s3  }
0x1b9: {  	(v2sf) =	vpush v0, $0x0;
	_ =	sdelay $0x8  }
0x1ba: {  	s0 =	spop (v2sf)  }
0x1bb: {  	p1 =	sne.s32 s4, $0xFFFFFFFF;
	s2 =	smov.u32 s0  }
0x1bc: {  	s9 =	simm.s32 $0x6;
	p2 =	seq.s32 s0, $0xFFFFFFFF;
	s2 =	smov.u32 @p1 s4  }
0x1bd: {  	s6 =	simm.s32 $0x0;
	s2 =	smov.u32 @p2 s4;
	s3 =	spop (v2sf)  }
0x1be: {  	s0 =	smov.u32 @p2 s5;
	p1 =	sne.s32 s2, $0xFFFFFFFF;
	s4 =	smov.u32 s3  }
.Ltmp27:
0x1bf: {  	p2 =	seq.s32 s3, $0xFFFFFFFF;
	s4 =	smov.u32 @p1 s2;
	(pc) =	sbr.rel .LBB3_26-.Ltmp27, $4  }
0x1c0: {  	s10 =	simm.s32 $0xF188;
	s4 =	smov.u32 @p2 s2;
	s7 =	spop (v2sf)  }
0x1c1: {  	s11 =	simm.s32 $0x0;
	p1 =	sne.s32 s4, $0xFFFFFFFF;
	s8 =	smov.u32 s7  }
0x1c2: {  	s3 =	smov.u32 @p2 s0;
	p2 =	seq.s32 s7, $0xFFFFFFFF;
	s8 =	smov.u32 @p1 s4  }
0x1c3: {  	[sflag:s9] =	ssyncpa.u1 $0x0;
	s7 =	smov.u32 @p2 s3;
	s8 =	smov.u32 @p2 s4  }
.LBB3_32:
0x1c4: {  	p1 =	sgt.u32 s12, $0x752F0  }
0x1c5: {  	p2 =	seq.s32 @!p1 s12, s8  }
0x1c6: {  	p1 =	por p1, p2  }
0x1c7: {  	p2 =	sne.s32 @!p1 s12, s7  }
0x1c8: {  	p1 =	por p1, !p2  }
0x1c9: {  	s0 =	sshll.u32 @p1 s11, $0x9  }
0x1ca: {  	s0 =	sand.u32 @!p1 $0x7FFF8, s12  }
0x1cb: {  	s2 =	sand.u32 @!p1 $0x7, s12;
	s0 =	sadd.s32 @!p1 s1, s0  }
0x1cc: {  	[tilespmem:s10], [sflag:$0x6] =	stream.linear.gather @!p1 [hbm4b:s0+s2], $0x80, $0x38;
	[tilespmem:$0x1F6F8] =	vst v63  }
0x1cd: {  	_ =	swait.ge @!p1 [sflag:s9], $0x80  }
0x1ce: {  	[sflag:s9] =	ssyncset.done @!p1 $0x0  }
0x1cf: {  	[sflag:s9] =	ssyncadd.s32 @!p1 $0xFFFFFF80  }
0x1d0: {  	v1 =	vld @!p1 [tilespmem:$0xF188];
	_ =	sdelay $0x2  }
0x1d1: {  	s0 =	sshll.u32 @!p1 s11, $0x9  }
0x1d2: {  	s2 =	sshrl.u32 @!p1 s0, $0x2  }
0x1d3: {  	[tilespmem:s2+$0xF238] =	vst.add.f32.msk @!p1 $0xffff, v1  }
0x1d4: {  	v1 =	vld @!p1 [tilespmem:$0xF198];
	_ =	sdelay $0x4  }
0x1d5: {  	[tilespmem:s2+$0xF248] =	vst.add.f32.msk @!p1 $0xffff, v1  }
0x1d6: {  	v1 =	vld @!p1 [tilespmem:$0xF1A8];
	_ =	sdelay $0x4  }
0x1d7: {  	[tilespmem:s2+$0xF258] =	vst.add.f32.msk @!p1 $0xffff, v1  }
0x1d8: {  	v1 =	vld @!p1 [tilespmem:$0xF1B8];
	_ =	sdelay $0x4  }
0x1d9: {  	[tilespmem:s2+$0xF268] =	vst.add.f32.msk @!p1 $0xffff, v1  }
0x1da: {  	v1 =	vld @!p1 [tilespmem:$0xF1C8];
	_ =	sdelay $0x4  }
0x1db: {  	[tilespmem:s2+$0xF278] =	vst.add.f32.msk @!p1 $0xffff, v1  }
0x1dc: {  	v1 =	vld @!p1 [tilespmem:$0xF1D8];
	_ =	sdelay $0x4  }
0x1dd: {  	[tilespmem:s2+$0xF288] =	vst.add.f32.msk @!p1 $0xffff, v1  }
0x1de: {  	v1 =	vld @!p1 [tilespmem:$0xF1E8];
	_ =	sdelay $0x4  }
0x1df: {  	[tilespmem:s2+$0xF298] =	vst.add.f32.msk @!p1 $0xffff, v1  }
0x1e0: {  	v1 =	vld @!p1 [tilespmem:$0xF1F8];
	_ =	sdelay $0x4  }
0x1e1: {  	[tilespmem:s2+$0xF2A8] =	vst.add.f32.msk @!p1 $0xffff, v1  }
0x1e2: {  	s0 =	sshrl.u32 s0, $0x2;
	[tilespmem:s6+$0xF218] =	vst.msk $0x1, v0  }
0x1e3: {  	v0 =	vld [tilespmem:s0+$0xF238];
	_ =	sdelay $0x2  }
0x1e4: {  	s31 =	sshll.u32 s6, $0x9  }
0x1e5: {  	s2 =	sshra.s32 s31, $0x2  }
0x1e6: {  	[tilespmem:s2+$0xF238] =	vst v0  }
0x1e7: {  	v0 =	vld [tilespmem:s0+$0xF248];
	_ =	sdelay $0x4  }
0x1e8: {  	[tilespmem:s2+$0xF248] =	vst v0  }
0x1e9: {  	v0 =	vld [tilespmem:s0+$0xF258];
	_ =	sdelay $0x4  }
0x1ea: {  	[tilespmem:s2+$0xF258] =	vst v0  }
0x1eb: {  	v0 =	vld [tilespmem:s0+$0xF268];
	_ =	sdelay $0x4  }
0x1ec: {  	[tilespmem:s2+$0xF268] =	vst v0  }
0x1ed: {  	v0 =	vld [tilespmem:s0+$0xF278];
	_ =	sdelay $0x4  }
0x1ee: {  	[tilespmem:s2+$0xF278] =	vst v0  }
0x1ef: {  	v0 =	vld [tilespmem:s0+$0xF288];
	_ =	sdelay $0x4  }
0x1f0: {  	[tilespmem:s2+$0xF288] =	vst v0  }
0x1f1: {  	v0 =	vld [tilespmem:s0+$0xF298];
	_ =	sdelay $0x4  }
0x1f2: {  	[tilespmem:s2+$0xF298] =	vst v0  }
0x1f3: {  	v0 =	vld [tilespmem:s0+$0xF2A8];
	_ =	sdelay $0x4  }
0x1f4: {  	s6 =	sadd.s32 $0x1, s6;
	[tilespmem:s2+$0xF2A8] =	vst v0  }
.LBB3_33:
0x1f5: {  	s11 =	sadd.s32 $0x1, s11  }
0x1f6: {  	p1 =	sne.s32 s11, $0x20  }
.Ltmp28:
0x1f7: {  	_ = 	snop;
	(pc) =	sbr.rel @!p1 .LBB3_34-.Ltmp28, $1  }
0x1f8: {  	_ =	sdelay $0x3  }
.LBB3_26:
0x1f9: {  	v0 =	vld.msk [tilespmem:s11+$0xF218], $0x1;
	_ =	sdelay $0x4  }
0x1fa: {  	(v2sf) =	vpush v0, $0x0;
	_ =	sdelay $0xe  }
0x1fb: {  	s12 =	spop (v2sf)  }
0x1fc: {  	p1 =	seq.s32 s12, $0xFFFFFFFF  }
.Ltmp29:
0x1fd: {  	_ = 	snop;
	(pc) =	sbr.rel @p1 .LBB3_33-.Ltmp29, $1  }
0x1fe: {  	_ =	sdelay $0x3  }
0x1ff: {  	p1 =	slt.s32 s6, $0x1  }
.Ltmp30:
0x200: {  	_ = 	snop;
	(pc) =	sbr.rel @p1 .LBB3_32-.Ltmp30, $1  }
0x201: {  	_ =	sdelay $0x3  }
0x202: {  	s13 =	simm.s32 $0xF218;
	p1 =	por $0x0, $0x0  }
0x203: {  	v1 =	vld.msk @!p1 [tilespmem:s13+$0x0], $0x1;
	_ =	sdelay $0x4  }
0x204: {  	(v2sf) =	vpush @!p1 v1, $0x0;
	_ =	sdelay $0xd  }
0x205: {  	p3 =	sne.s32 s6, $0x1  }
.Ltmp31:
0x206: {  	s0 =	spop @!p1 (v2sf);
	(pc) =	sbr.rel @!p3 .LBB3_30-.Ltmp31, $4  }
0x207: {  	p2 =	seq.s32 @!p1 s12, s0  }
0x208: {  	s14 =	simm.s32 $0x0;
	p2 =	por !p2, p1  }
0x209: {  	s2 =	simm.s32 $0xFFFFFFFF;
	s14 =	simm.s32 @p2 $0xFFFFFFFF  }
0x20a: {  	s0 =	simm.s32 $0x1;
	s14 =	smov.u32 @p1 s2  }
.LBB3_29:
0x20b: {  	s2 =	smov.u32 s14;
	p1 =	sne.s32 s14, $0xFFFFFFFF  }
0x20c: {  	s13 =	sadd.s32 $0x1, s13;
	s14 =	smov.u32 s0;
	s0 =	sadd.s32 $0x1, s0  }
0x20d: {  	p2 =	sne.s32 s6, s0;
	v1 =	vld.msk @!p1 [tilespmem:s13+$0x0], $0x1;
	_ =	sdelay $0x4  }
0x20e: {  	(v2sf) =	vpush @!p1 v1, $0x0;
	_ =	sdelay $0xe  }
.Ltmp32:
0x20f: {  	s3 =	spop @!p1 (v2sf);
	(pc) =	sbr.rel @p2 .LBB3_29-.Ltmp32, $4  }
0x210: {  	p3 =	seq.s32 @!p1 s12, s3  }
0x211: {  	p3 =	por !p3, p1  }
0x212: {  	s14 =	simm.s32 @p3 $0xFFFFFFFF  }
0x213: {  	s14 =	smov.u32 @p1 s2  }
.LBB3_30:
0x214: {  	p1 =	seq.s32 s14, $0xFFFFFFFF  }
.Ltmp33:
0x215: {  	_ = 	snop;
	(pc) =	sbr.rel @p1 .LBB3_32-.Ltmp33, $1  }
0x216: {  	_ =	sdelay $0x3  }
0x217: {  	s0 =	sshll.u32 s11, $0x7  }
0x218: {  	s0 =	sand.u32 $0x3FFFFF80, s0  }
0x219: {  	v0 =	vld [tilespmem:s0+$0xF238];
	_ =	sdelay $0x2  }
0x21a: {  	s2 =	sshll.u32 s14, $0x9  }
0x21b: {  	s2 =	sshra.s32 s2, $0x2  }
0x21c: {  	[tilespmem:s2+$0xF238] =	vst.add.f32.msk $0xffff, v0  }
0x21d: {  	v0 =	vld [tilespmem:s0+$0xF248];
	_ =	sdelay $0x4  }
0x21e: {  	[tilespmem:s2+$0xF248] =	vst.add.f32.msk $0xffff, v0  }
0x21f: {  	v0 =	vld [tilespmem:s0+$0xF258];
	_ =	sdelay $0x4  }
0x220: {  	[tilespmem:s2+$0xF258] =	vst.add.f32.msk $0xffff, v0  }
0x221: {  	v0 =	vld [tilespmem:s0+$0xF268];
	_ =	sdelay $0x4  }
0x222: {  	[tilespmem:s2+$0xF268] =	vst.add.f32.msk $0xffff, v0  }
0x223: {  	v0 =	vld [tilespmem:s0+$0xF278];
	_ =	sdelay $0x4  }
0x224: {  	[tilespmem:s2+$0xF278] =	vst.add.f32.msk $0xffff, v0  }
0x225: {  	v0 =	vld [tilespmem:s0+$0xF288];
	_ =	sdelay $0x4  }
0x226: {  	[tilespmem:s2+$0xF288] =	vst.add.f32.msk $0xffff, v0  }
0x227: {  	v0 =	vld [tilespmem:s0+$0xF298];
	_ =	sdelay $0x4  }
0x228: {  	[tilespmem:s2+$0xF298] =	vst.add.f32.msk $0xffff, v0  }
0x229: {  	v0 =	vld [tilespmem:s0+$0xF2A8]  }
.Ltmp34:
0x22a: {  	_ = 	snop;
	(pc) =	sbr.rel .LBB3_33-.Ltmp34, $2  }
0x22b: {  	_ =	sdelay $0x2  }
0x22c: {  	[tilespmem:s2+$0xF2A8] =	vst.add.f32.msk $0xffff, v0  }
.LBB3_34:
0x22d: {  	s0 =	simm.s32 $0x6;
	p1 =	seq.s32 s6, $0x0  }
0x22e: {  	[sflag:s0] =	ssyncpa.u1 $0x1;
	v0 =	vimm.s32 @p1 $0xFFFFFFFF  }
0x22f: {  	s9 =	sadd.s32 $0xFFFFFFFF, s6;
	[tilespmem:$0x10238] =	vst @p1 v0  }
0x230: {  	v0 =	vld.msk @!p1 [tilespmem:s9+$0xF218], $0x1;
	_ =	sdelay $0x1  }
0x231: {  	v1 =	vld.msk @!p1 [tilespmem:$0xF218], $0x1;
	_ =	sdelay $0x2  }
0x232: {  	p2 =	seq.s32 @!p1 s9, $0x0;
	v0 =	vbroadcast @!p1 v0, $0x0  }
0x233: {  	vm0 =	vmmov @!p1 $0x1;
	p2 =	por !p2, p1  }
0x234: {  	v1 =	vnsel @!p1 vm0, $0xFFFFFFFF, v1;
	vm0 =	vcmask @!p1 $0x308;
	v0 =	vpsel !p2, $0xFFFFFFFF, v0  }
0x235: {  	p2 =	sne.s32 @!p1 s8, s7;
	v0 =	vsel @!p1 vm0, v1, v0  }
0x236: {  	s0 =	simm.s32 @!p1 $0xF238;
	s2 =	simm.s32 @!p1 $0x0;
	p3 =	por !p2, p1;
	[tilespmem:$0x10238] =	vst @!p1 v0  }
0x237: {  	[spmem:s2] =	stream.linear.scatter @!p1 [tilespmem:s0], [sflag:$0x1], $0x80, $0x38;
	[tilespmem:$0x1F6F8] =	vst v63  }
0x238: {  	s0 =	sshll.u32 @!p3 s9, $0x9  }
0x239: {  	s0 =	sshra.s32 @!p3 s0, $0x2  }
0x23a: {  	s2 =	simm.s32 @!p3 $0x80;
	s0 =	sadd.s32 @!p3 $0xF238, s0  }
0x23b: {  	[spmem:s2] =	stream.linear.scatter @!p3 [tilespmem:s0], [sflag:$0x1], $0x80, $0x38;
	[tilespmem:$0x1F6F8] =	vst v63  }
0x23c: {  	s0 =	simm.s32 @!p3 $0x1  }
0x23d: {  	_ =	swait.ge @!p3 [sflag:s0], $0x100  }
0x23e: {  	p1 =	por p2, p1;
	[sflag:s0] =	ssyncset.done @!p3 $0x0  }
0x23f: {  	[sflag:s0] =	ssyncadd.s32 @!p3 $0xFFFFFF00;
	s0 =	simm.s32 @!p1 $0x1  }
0x240: {  	_ =	swait.ge @!p1 [sflag:s0], $0x80  }
0x241: {  	s29 =	simm.s32 $0x10238;
	[sflag:s0] =	ssyncset.done @!p1 $0x0  }
0x242: {  	s30 =	simm.s32 $0x1000;
	s31 =	simm.s32 $0x1;
	[sflag:s0] =	ssyncadd.s32 @!p1 $0xFFFFFF80  }
0x243: {  	[spmem:s30] =	stream.linear.scatter [tilespmem:s29], [sflag:$0x1], $0x10, $0x38;
	[tilespmem:$0x1F6F8] =	vst v63  }
0x244: {  	_ =	swait.ge [sflag:s31], $0x10  }
0x245: {  	[sflag:s31] =	ssyncset.done $0x0  }
0x246: {  	p1 =	seq.s32 s15, $0x0;
	s8 =	rddreg [dreg:$0x1];
	[sflag:s31] =	ssyncadd.s32 $0xFFFFFFF0  }
0x247: {  	s2 =	sshll.u32 @p1 s8, $0xE;
	s7 =	rddreg [dreg:$0x2]  }
0x248: {  	s0 =	sadd.s32 @p1 $0x15C3C, s2;
	s2 =	sshll.u32 @p1 s7, $0x11  }
0x249: {  	_ =	sfence.stream.spmem;
	s0 =	sor.u32 @p1 s2, s0  }
0x24a: {  	[sflag:s0] =	ssyncadd.remote.s32 @p1 $0x1;
	s0 =	simm.s32 @p1 $0x4  }
0x24b: {  	s3 =	simm.s32 @!p1 $0x3C;
	s2 =	sand.u32 $0xFFFFFFFE, s8;
	_ =	swait.ge @p1 [sflag:s0], $0x22  }
0x24c: {  	s4 =	simm.s32 @!p1 $0x0;
	s2 =	sadd.s32 @!p1 $0x4, s2;
	[sflag:s0] =	ssyncset.done @p1 $0x0  }
0x24d: {  	s5 =	simm.s32 @!p1 $0x100;
	[sflag:s0] =	ssyncadd.s32 @p1 $0xFFFFFFDE;
	s0 =	sshll.u32 @!p1 s2, $0x1A  }
0x24e: {  	s2 =	sshll.u32 @!p1 s2, $0xD;
	s0 =	sor.u32 @!p1 s0, s7;
	_ =	swait.eq @!p1 [sflag:s3], $0x1  }
0x24f: {  	s2 =	sor.u32 @!p1 $0x1C04, s2;
	s3 =	simm.s32 @!p1 $0x1C03;
	s0 =	sor.u32 @!p1 $0x80004000, s0  }
0x250: {  	[spmem:s5], [sflag:s2] =	dma.general @!p1 [spmem:s4], [sflag:s3], length:$0x20, [dreg:$0x0], stride_count:$0x0, ici_dest:s0, dma_misc:DstOpCode:WRITE  }
0x251: {  	p2 =	slt.s32 s9, $0x2;
	s4 =	simm.s32 @!p1 $0x200;
	s5 =	simm.s32 @!p1 $0x202  }
0x252: {  	[spmem:s5], [sflag:s2] =	dma.general @!p1 [spmem:s4], [sflag:s3], length:$0x2, [dreg:$0x0], stride_count:$0x0, ici_dest:s0, dma_misc:DstOpCode:WRITE  }
.Ltmp35:
0x253: {  	s0 =	simm.s32 @!p1 $0x3;
	(pc) =	sbr.rel @p2 .LBB3_38-.Ltmp35, $4  }
0x254: {  	s2 =	sshll.u32 @!p1 s8, $0xE;
	_ =	swait.ge @!p1 [sflag:s0], $0x22  }
0x255: {  	s3 =	sshll.u32 @!p1 s7, $0x11;
	s2 =	sadd.s32 @!p1 $0x11C3C, s2;
	[sflag:s0] =	ssyncset.done @!p1 $0x0  }
0x256: {  	[sflag:s0] =	ssyncadd.s32 @!p1 $0xFFFFFFDE;
	s0 =	sor.u32 @!p1 s3, s2  }
0x257: {  	[sflag:s0] =	ssyncadd.remote.s32 @!p1 $0xFFFFFFFF;
	s0 =	simm.s32 $0x0  }
0x258: {  	s0 =	simm.s32 $0xF219  }
0x259: {  	v0 =	vld.msk [tilespmem:s0+$0x0], $0x1;
	_ =	sdelay $0x4  }
0x25a: {  	(v2sf) =	vpush v0, $0x0;
	_ =	sdelay $0xb  }
0x25b: {  	s31 =	sadd.s32 $0xFFFFFFFE, s6  }
0x25c: {  	s0 =	sadd.s32 $0xFFFFFFFF, s31  }
0x25d: {  	p2 =	sne.s32 s0, $0x0  }
.Ltmp36:
0x25e: {  	s2 =	spop (v2sf);
	(pc) =	sbr.rel @!p2 .LBB3_37-.Ltmp36, $4  }
0x25f: {  	s4 =	simm.s32 $0xF2B8;
	s7 =	simm.s32 $0x0;
	p1 =	sgt.u32 s2, $0x752F0  }
0x260: {  	s5 =	simm.s32 $0x0;
	s6 =	simm.s32 $0xF21A;
	s3 =	sand.u32 @!p1 $0x7FFF8, s2  }
0x261: {  	s2 =	sand.u32 @!p1 $0x7, s2;
	s7 =	simm.s32 @!p1 $0x200;
	s3 =	sadd.s32 @!p1 s1, s3  }
0x262: {  	[hbm4b:s3+s2] =	stream.linear.scatter @!p1 [tilespmem:s4], [sflag:$0x5], $0x80, $0x38;
	[tilespmem:$0x1F6F8] =	vst v63  }
.LBB3_36:
0x263: {  	v0 =	vld.msk [tilespmem:s6+$0x0], $0x1;
	s0 =	sadd.s32 $0xFFFFFFFF, s0;
	s5 =	sadd.s32 s5, s7  }
0x264: {  	p1 =	sne.s32 s0, $0x0;
	_ =	sdelay $0x3  }
0x265: {  	(v2sf) =	vpush v0, $0x0;
	_ =	sdelay $0xe  }
.Ltmp37:
0x266: {  	s2 =	spop (v2sf);
	(pc) =	sbr.rel @p1 .LBB3_36-.Ltmp37, $4  }
0x267: {  	s7 =	simm.s32 $0x0;
	p2 =	sgt.u32 s2, $0x752F0  }
0x268: {  	s4 =	sadd.s32 $0x80, s4;
	s7 =	simm.s32 @!p2 $0x200;
	s3 =	sand.u32 @!p2 $0x7FFF8, s2  }
0x269: {  	s6 =	sadd.s32 $0x1, s6;
	s2 =	sand.u32 @!p2 $0x7, s2;
	s3 =	sadd.s32 @!p2 s1, s3  }
0x26a: {  	[hbm4b:s3+s2] =	stream.linear.scatter @!p2 [tilespmem:s4], [sflag:$0x5], $0x80, $0x38;
	[tilespmem:$0x1F6F8] =	vst v63  }
.LBB3_37:
0x26b: {  	s0 =	sadd.s32 s5, s7  }
0x26c: {  	s0 =	sshrl.u32 s0, $0x2  }
.LBB3_38:
0x26d: {  	s2 =	simm.s32 $0x5  }
0x26e: {  	_ =	swait.ge [sflag:s2], s0  }
0x26f: {  	s31 =	ssub.s32 $0x0, s0;
	[sflag:s2] =	ssyncset.done $0x0  }
0x270: {  	[sflag:s2] =	ssyncadd.s32 s31  }
0x271: {  	[sflag:s2] =	ssyncpa.u1 $0x1  }
.LBB3_39:
0x272: {  	s0 =	sor.u32 s15, s16  }
0x273: {  	p1 =	sne.s32 s0, $0x0  }
.Ltmp38:
0x274: {  	_ = 	snop;
	(pc) =	sbr.rel @p1 .LBB3_54-.Ltmp38, $3  }
0x275: {  	_ =	sdelay $0x1  }
0x276: {  	[bflag:$0x0] =	sbarrier.arrive $0xFFFF  }
0x277: {  	_ =	sfence  }
0x278: {  	s0 =	simm.s32 $0x7  }
0x279: {  	s2 =	simm.s32 $0x1000;
	s3 =	simm.s32 $0xF218;
	[sflag:s0] =	ssyncpa.u1 $0x0  }
0x27a: {  	[tilespmem:s3], [sflag:$0x7] =	stream.linear.gather [spmem:s2], $0x20, $0x38;
	[tilespmem:$0x1F6F8] =	vst v63  }
0x27b: {  	s30 =	simm.s32 $0xF238;
	s2 =	simm.s32 $0x0  }
0x27c: {  	[tilespmem:s30], [sflag:$0x7] =	stream.linear.gather [spmem:s2], $0x1000, $0x38;
	[tilespmem:$0x1F6F8] =	vst v63  }
.Ltmp39:
0x27d: {  	_ = 	snop;
	(pc) =	sbr.rel .LBB3_41-.Ltmp39, $4  }
0x27e: {  	_ =	swait.ge [sflag:s0], $0x1020  }
0x27f: {  	[sflag:s0] =	ssyncset.done $0x0  }
0x280: {  	s31 =	simm.s32 $0x8;
	[sflag:s0] =	ssyncadd.s32 $0xFFFFEFE0  }
0x281: {  	s3 =	simm.s32 $0x0;
	[sflag:s31] =	ssyncpa.u1 $0x0  }
.LBB3_47:
0x282: {  	p1 =	slt.u32 s4, $0x752F1  }
0x283: {  	s0 =	sand.u32 @p1 $0x7FFF8, s4  }
0x284: {  	s4 =	sand.u32 @p1 $0x7, s4;
	s5 =	simm.s32 @p1 $0xF188;
	s0 =	sadd.s32 @p1 s1, s0  }
0x285: {  	[tilespmem:s5], [sflag:$0x8] =	stream.linear.gather @p1 [hbm4b:s0+s4], $0x80, $0x38;
	[tilespmem:$0x1F6F8] =	vst v63  }
0x286: {  	s0 =	simm.s32 @p1 $0x8  }
0x287: {  	_ =	swait.ge @p1 [sflag:s0], $0x80  }
0x288: {  	[sflag:s0] =	ssyncset.done @p1 $0x0  }
0x289: {  	[sflag:s0] =	ssyncadd.s32 @p1 $0xFFFFFF80  }
0x28a: {  	v1 =	vld @p1 [tilespmem:$0xF188];
	_ =	sdelay $0x2  }
0x28b: {  	s0 =	sshll.u32 @p1 s3, $0x9  }
0x28c: {  	s4 =	sshrl.u32 @p1 s0, $0x2  }
0x28d: {  	[tilespmem:s4+$0xF238] =	vst.add.f32.msk @p1 $0xffff, v1  }
0x28e: {  	v1 =	vld @p1 [tilespmem:$0xF198];
	_ =	sdelay $0x4  }
0x28f: {  	[tilespmem:s4+$0xF248] =	vst.add.f32.msk @p1 $0xffff, v1  }
0x290: {  	v1 =	vld @p1 [tilespmem:$0xF1A8];
	_ =	sdelay $0x4  }
0x291: {  	[tilespmem:s4+$0xF258] =	vst.add.f32.msk @p1 $0xffff, v1  }
0x292: {  	v1 =	vld @p1 [tilespmem:$0xF1B8];
	_ =	sdelay $0x4  }
0x293: {  	[tilespmem:s4+$0xF268] =	vst.add.f32.msk @p1 $0xffff, v1  }
0x294: {  	v1 =	vld @p1 [tilespmem:$0xF1C8];
	_ =	sdelay $0x4  }
0x295: {  	[tilespmem:s4+$0xF278] =	vst.add.f32.msk @p1 $0xffff, v1  }
0x296: {  	v1 =	vld @p1 [tilespmem:$0xF1D8];
	_ =	sdelay $0x4  }
0x297: {  	[tilespmem:s4+$0xF288] =	vst.add.f32.msk @p1 $0xffff, v1  }
0x298: {  	v1 =	vld @p1 [tilespmem:$0xF1E8];
	_ =	sdelay $0x4  }
0x299: {  	[tilespmem:s4+$0xF298] =	vst.add.f32.msk @p1 $0xffff, v1  }
0x29a: {  	v1 =	vld @p1 [tilespmem:$0xF1F8];
	_ =	sdelay $0x3  }
0x29b: {  	s5 =	sshll.u32 @!p1 s3, $0x9  }
0x29c: {  	s5 =	smov.u32 @p1 s0;
	[tilespmem:s4+$0xF2A8] =	vst.add.f32.msk @p1 $0xffff, v1  }
0x29d: {  	s0 =	sshrl.u32 s5, $0x2;
	[tilespmem:s2+$0xF218] =	vst.msk $0x1, v0  }
0x29e: {  	v0 =	vld [tilespmem:s0+$0xF238];
	_ =	sdelay $0x2  }
0x29f: {  	s31 =	sshll.u32 s2, $0x9  }
0x2a0: {  	s4 =	sshra.s32 s31, $0x2  }
0x2a1: {  	[tilespmem:s4+$0xF238] =	vst v0  }
0x2a2: {  	v0 =	vld [tilespmem:s0+$0xF248];
	_ =	sdelay $0x4  }
0x2a3: {  	[tilespmem:s4+$0xF248] =	vst v0  }
0x2a4: {  	v0 =	vld [tilespmem:s0+$0xF258];
	_ =	sdelay $0x4  }
0x2a5: {  	[tilespmem:s4+$0xF258] =	vst v0  }
0x2a6: {  	v0 =	vld [tilespmem:s0+$0xF268];
	_ =	sdelay $0x4  }
0x2a7: {  	[tilespmem:s4+$0xF268] =	vst v0  }
0x2a8: {  	v0 =	vld [tilespmem:s0+$0xF278];
	_ =	sdelay $0x4  }
0x2a9: {  	[tilespmem:s4+$0xF278] =	vst v0  }
0x2aa: {  	v0 =	vld [tilespmem:s0+$0xF288];
	_ =	sdelay $0x4  }
0x2ab: {  	[tilespmem:s4+$0xF288] =	vst v0  }
0x2ac: {  	v0 =	vld [tilespmem:s0+$0xF298];
	_ =	sdelay $0x4  }
0x2ad: {  	[tilespmem:s4+$0xF298] =	vst v0  }
0x2ae: {  	v0 =	vld [tilespmem:s0+$0xF2A8];
	_ =	sdelay $0x4  }
0x2af: {  	s2 =	sadd.s32 $0x1, s2;
	[tilespmem:s4+$0xF2A8] =	vst v0  }
.LBB3_48:
0x2b0: {  	s3 =	sadd.s32 $0x1, s3  }
0x2b1: {  	p1 =	sne.s32 s3, $0x20  }
.Ltmp40:
0x2b2: {  	_ = 	snop;
	(pc) =	sbr.rel @!p1 .LBB3_49-.Ltmp40, $1  }
0x2b3: {  	_ =	sdelay $0x3  }
.LBB3_41:
0x2b4: {  	v0 =	vld.msk [tilespmem:s3+$0xF218], $0x1;
	_ =	sdelay $0x4  }
0x2b5: {  	(v2sf) =	vpush v0, $0x0;
	_ =	sdelay $0xe  }
0x2b6: {  	s4 =	spop (v2sf)  }
0x2b7: {  	p1 =	seq.s32 s4, $0xFFFFFFFF  }
.Ltmp41:
0x2b8: {  	_ = 	snop;
	(pc) =	sbr.rel @p1 .LBB3_48-.Ltmp41, $1  }
0x2b9: {  	_ =	sdelay $0x3  }
0x2ba: {  	p1 =	slt.s32 s2, $0x1  }
.Ltmp42:
0x2bb: {  	_ = 	snop;
	(pc) =	sbr.rel @p1 .LBB3_47-.Ltmp42, $1  }
0x2bc: {  	_ =	sdelay $0x3  }
0x2bd: {  	s5 =	simm.s32 $0xF218;
	p1 =	por $0x0, $0x0  }
0x2be: {  	v1 =	vld.msk @!p1 [tilespmem:s5+$0x0], $0x1;
	_ =	sdelay $0x4  }
0x2bf: {  	(v2sf) =	vpush @!p1 v1, $0x0;
	_ =	sdelay $0xd  }
0x2c0: {  	p3 =	sne.s32 s2, $0x1  }
.Ltmp43:
0x2c1: {  	s0 =	spop @!p1 (v2sf);
	(pc) =	sbr.rel @!p3 .LBB3_45-.Ltmp43, $4  }
0x2c2: {  	p2 =	seq.s32 @!p1 s4, s0  }
0x2c3: {  	s6 =	simm.s32 $0x0;
	p2 =	por !p2, p1  }
0x2c4: {  	s7 =	simm.s32 $0xFFFFFFFF;
	s6 =	simm.s32 @p2 $0xFFFFFFFF  }
0x2c5: {  	s0 =	simm.s32 $0x1;
	s6 =	smov.u32 @p1 s7  }
.LBB3_44:
0x2c6: {  	s7 =	smov.u32 s6;
	p1 =	sne.s32 s6, $0xFFFFFFFF  }
0x2c7: {  	s5 =	sadd.s32 $0x1, s5;
	s6 =	smov.u32 s0;
	s0 =	sadd.s32 $0x1, s0  }
0x2c8: {  	p2 =	sne.s32 s2, s0;
	v1 =	vld.msk @!p1 [tilespmem:s5+$0x0], $0x1;
	_ =	sdelay $0x4  }
0x2c9: {  	(v2sf) =	vpush @!p1 v1, $0x0;
	_ =	sdelay $0xe  }
.Ltmp44:
0x2ca: {  	s8 =	spop @!p1 (v2sf);
	(pc) =	sbr.rel @p2 .LBB3_44-.Ltmp44, $4  }
0x2cb: {  	p3 =	seq.s32 @!p1 s4, s8  }
0x2cc: {  	p3 =	por !p3, p1  }
0x2cd: {  	s6 =	simm.s32 @p3 $0xFFFFFFFF  }
0x2ce: {  	s6 =	smov.u32 @p1 s7  }
.LBB3_45:
0x2cf: {  	p1 =	seq.s32 s6, $0xFFFFFFFF  }
.Ltmp45:
0x2d0: {  	_ = 	snop;
	(pc) =	sbr.rel @p1 .LBB3_47-.Ltmp45, $1  }
0x2d1: {  	_ =	sdelay $0x3  }
0x2d2: {  	s0 =	sshll.u32 s3, $0x7  }
0x2d3: {  	s0 =	sand.u32 $0x3FFFFF80, s0  }
0x2d4: {  	v0 =	vld [tilespmem:s0+$0xF238];
	_ =	sdelay $0x2  }
0x2d5: {  	s4 =	sshll.u32 s6, $0x9  }
0x2d6: {  	s4 =	sshra.s32 s4, $0x2  }
0x2d7: {  	[tilespmem:s4+$0xF238] =	vst.add.f32.msk $0xffff, v0  }
0x2d8: {  	v0 =	vld [tilespmem:s0+$0xF248];
	_ =	sdelay $0x4  }
0x2d9: {  	[tilespmem:s4+$0xF248] =	vst.add.f32.msk $0xffff, v0  }
0x2da: {  	v0 =	vld [tilespmem:s0+$0xF258];
	_ =	sdelay $0x4  }
0x2db: {  	[tilespmem:s4+$0xF258] =	vst.add.f32.msk $0xffff, v0  }
0x2dc: {  	v0 =	vld [tilespmem:s0+$0xF268];
	_ =	sdelay $0x4  }
0x2dd: {  	[tilespmem:s4+$0xF268] =	vst.add.f32.msk $0xffff, v0  }
0x2de: {  	v0 =	vld [tilespmem:s0+$0xF278];
	_ =	sdelay $0x4  }
0x2df: {  	[tilespmem:s4+$0xF278] =	vst.add.f32.msk $0xffff, v0  }
0x2e0: {  	v0 =	vld [tilespmem:s0+$0xF288];
	_ =	sdelay $0x4  }
0x2e1: {  	[tilespmem:s4+$0xF288] =	vst.add.f32.msk $0xffff, v0  }
0x2e2: {  	v0 =	vld [tilespmem:s0+$0xF298];
	_ =	sdelay $0x4  }
0x2e3: {  	[tilespmem:s4+$0xF298] =	vst.add.f32.msk $0xffff, v0  }
0x2e4: {  	v0 =	vld [tilespmem:s0+$0xF2A8]  }
.Ltmp46:
0x2e5: {  	_ = 	snop;
	(pc) =	sbr.rel .LBB3_48-.Ltmp46, $2  }
0x2e6: {  	_ =	sdelay $0x2  }
0x2e7: {  	[tilespmem:s4+$0xF2A8] =	vst.add.f32.msk $0xffff, v0  }
.LBB3_49:
0x2e8: {  	p1 =	slt.s32 s2, $0x1  }
.Ltmp47:
0x2e9: {  	_ = 	snop;
	(pc) =	sbr.rel @p1 .LBB3_53-.Ltmp47, $3  }
0x2ea: {  	_ =	sdelay $0x1  }
0x2eb: {  	s0 =	simm.s32 $0x8  }
0x2ec: {  	s3 =	simm.s32 $0x0;
	[sflag:s0] =	ssyncpa.u1 $0x1  }
0x2ed: {  	s0 =	simm.s32 $0xF218  }
0x2ee: {  	v0 =	vld.msk [tilespmem:s0+$0x0], $0x1;
	_ =	sdelay $0x4  }
0x2ef: {  	(v2sf) =	vpush v0, $0x0;
	_ =	sdelay $0xe  }
0x2f0: {  	s0 =	sadd.s32 $0xFFFFFFFF, s2;
	s5 =	spop (v2sf)  }
0x2f1: {  	p2 =	sne.s32 s0, $0x0;
	p1 =	sgt.u32 s5, $0x752F0  }
.Ltmp48:
0x2f2: {  	s6 =	sand.u32 @!p1 $0x7FFF8, s5;
	(pc) =	sbr.rel @!p2 .LBB3_52-.Ltmp48, $4  }
0x2f3: {  	s4 =	simm.s32 $0xF238;
	s5 =	sand.u32 @!p1 $0x7, s5;
	s2 =	sadd.s32 @!p1 s1, s6  }
0x2f4: {  	[hbm4b:s2+s5] =	stream.linear.scatter @!p1 [tilespmem:s4], [sflag:$0x7], $0x80, $0x38;
	[tilespmem:$0x1F6F8] =	vst v63  }
0x2f5: {  	s5 =	simm.s32 $0x0  }
0x2f6: {  	s2 =	simm.s32 $0xF219;
	s5 =	simm.s32 @!p1 $0x200  }
.LBB3_51:
0x2f7: {  	v0 =	vld.msk [tilespmem:s2+$0x0], $0x1;
	s0 =	sadd.s32 $0xFFFFFFFF, s0;
	s3 =	sadd.s32 s3, s5  }
0x2f8: {  	p1 =	sne.s32 s0, $0x0;
	_ =	sdelay $0x3  }
0x2f9: {  	(v2sf) =	vpush v0, $0x0;
	_ =	sdelay $0xe  }
.Ltmp49:
0x2fa: {  	s6 =	spop (v2sf);
	(pc) =	sbr.rel @p1 .LBB3_51-.Ltmp49, $4  }
0x2fb: {  	s5 =	simm.s32 $0x0;
	p2 =	sgt.u32 s6, $0x752F0  }
0x2fc: {  	s4 =	sadd.s32 $0x80, s4;
	s5 =	simm.s32 @!p2 $0x200;
	s7 =	sand.u32 @!p2 $0x7FFF8, s6  }
0x2fd: {  	s2 =	sadd.s32 $0x1, s2;
	s6 =	sand.u32 @!p2 $0x7, s6;
	s7 =	sadd.s32 @!p2 s1, s7  }
0x2fe: {  	[hbm4b:s7+s6] =	stream.linear.scatter @!p2 [tilespmem:s4], [sflag:$0x7], $0x80, $0x38;
	[tilespmem:$0x1F6F8] =	vst v63  }
.LBB3_52:
0x2ff: {  	s0 =	sadd.s32 s3, s5  }
0x300: {  	s3 =	sshrl.u32 s0, $0x2  }
.LBB3_53:
0x301: {  	s0 =	simm.s32 $0x7  }
0x302: {  	_ =	swait.ge [sflag:s0], s3  }
0x303: {  	s1 =	ssub.s32 $0x0, s3;
	[sflag:s0] =	ssyncset.done $0x0  }
0x304: {  	[sflag:s0] =	ssyncadd.s32 s1  }
0x305: {  	[sflag:s0] =	ssyncpa.u1 $0x1  }
.LBB3_54:
0x306: {  	_ =	sfence;
	s0 =	simm.s32 $0x1  }
0x307: {  	[sflag:s0] =	ssyncpa.u1 $0x1  }
0x308: {  	_ =	strace $0x9000004D  }
0x309: {  	[bflag:$0x2] =	sbarrier.arrive $0xFFFF  }
0x30a: {  	s0 =	rddreg [dreg:$0x3]  }
0x30b: {  	s0 =	sadd.s32 @!p0 $0x100000, s0  }
0x30c: {  	[sflag:s0] =	ssyncadd.tile.s32 @!p0 $0x1;
	_ =	shalt  }
.Lfunc_end3:
_tile_overlayer_lowered:
.L_overlay_start_3:
0x30d: {  	(tag) =	ssettag $0x3  }
0x30e: {  	s0 =	rddreg [dreg:$0x0];
	s2 =	stileid.u32  }
0x30f: {  	s1 =	rddreg [dreg:$0x1];
	p0 =	sne.s32 s2, $0x0  }
0x310: {  	s3 =	rddreg [dreg:$0x2];
	[bflag:$0x3] =	sbarrier.arrive $0xFFFF;
	s2 =	simm.s32 @!p0 $0x1C01  }
0x311: {  	[timem:s3], [sflag:s2] =	dma.local @!p0 [hbm:s0], s1  }
0x312: {  	s0 =	simm.s32 @!p0 $0x1  }
0x313: {  	_ =	swait.ge @!p0 [sflag:s0], s1  }
0x314: {  	s1 =	ssub.s32 @!p0 $0x0, s1;
	[sflag:s0] =	ssyncset.done @!p0 $0x0  }
0x315: {  	[sflag:s0] =	ssyncadd.s32 @!p0 s1  }
0x316: {  	[bflag:$0x3] =	sbarrier.arrive $0xFFFF  }
0x317: {  	_ =	shalt  }

// kernel: scatter_offload_async_start.2
scs
__scs_entry_jumppad:
0x0: {  	(pc) =	sbr.rel $0x88, $3  }
0x1: {  	(tag) =	ssettag $0x0;
	lr =	simm.s32 $0x1  }
0x2: {  	[smem:$0x3F86] =	sst lr;
	_ =	strace $0xD0000000  }
0x3: {  	_ = 	snop  }
0x4: {  	_ = 	snop  }
0x5: {  	_ = 	snop  }
0x6: {  	_ = 	snop  }
0x7: {  	_ = 	snop  }
__scs_overlays_trampoline_lowered:
0x8: {  	[smem:$0x3F95] =	sst s0  }
0x9: {  	[smem:$0x3F96] =	sst s1  }
0xa: {  	[smem:$0x3F97] =	sst s2  }
0xb: {  	[smem:$0x3F98] =	sst s3  }
0xc: {  	[smem:$0x3F99] =	sst s4  }
0xd: {  	[smem:$0x3F9A] =	sst s5  }
0xe: {  	[smem:$0x3F9B] =	sst s6  }
0xf: {  	[smem:$0x3F9C] =	sst s7  }
0x10: {  	[smem:$0x3F9D] =	sst s8  }
0x11: {  	[smem:$0x3F9E] =	sst s9;
	s0 =	simm.s32 @!p0 $0x0  }
0x12: {  	s1 =	sld [smem:$0x3F84];
	s0 =	simm.s32 @p0 $0x1  }
0x13: {  	[smem:$0x3F9F] =	sst s0;
	s0 =	simm.s32 @!p1 $0x0  }
0x14: {  	s2 =	sld [smem:$0x3F83];
	s0 =	simm.s32 @p1 $0x1  }
0x15: {  	[smem:$0x3FA0] =	sst s0;
	s0 =	simm.s32 @!p2 $0x0  }
0x16: {  	s3 =	sld [smem:$0x3FDB];
	s0 =	simm.s32 @p2 $0x1  }
0x17: {  	s4 =	simm.s32 $0x1BF5;
	[smem:$0x3FA2] =	sst s0  }
0x18: {  	s0 =	sld [smem:$0x3F85];
	_ =	swait.ge [sflag:s4], $0x0  }
0x19: {  	s7 =	sld [smem:$0x3F86]  }
0x1a: {  	s8 =	sadd.s32 $0xFFFFE003, lr  }
0x1b: {  	s9 =	sadd.s32 $0xFFFFFEF7, lr;
	s5 =	simm.s32 $0xFFFFFFFF;
	p2 =	slt.u32 s8, $0xFFFFF086  }
0x1c: {  	p1 =	slt.u32 s9, $0xF7A;
	s5 =	simm.s32 @!p2 $0x0  }
0x1d: {  	s5 =	simm.s32 @p1 $0x1;
	p0 =	seq.s32 s7, s2  }
0x1e: {  	s7 =	smul.u32 @!p0 $0xF7A, s2;
	p2 =	seq.s32 @!p0 s5, $0x0  }
0x1f: {  	s9 =	smul.u32 $0xF7A, s1;
	s8 =	simm.s32 @!p0 $0x1BF5;
	p2 =	por !p2, p0  }
0x20: {  	[sflag:s8] =	ssyncset.s32 @!p0 $0xFFFFF086;
	s6 =	sadd.s32 @!p0 s3, s7;
	s7 =	simm.s32 @!p0 $0x108  }
0x21: {  	s3 =	sadd.s32 s3, s9;
	s6 =	sadd.s32 @!p0 $0x88, s6;
	s7 =	simm.s32 @p2 $0x1082  }
0x22: {  	[simem:s7], [sflag:s8] =	dma.local @!p0 [hbm:s6], $0xF7A  }
0x23: {  	s9 =	sor.u32 $0xD0000000, s2;
	s6 =	simm.s32 $0x108;
	_ =	swait.ge @!p0 [sflag:s8], $0x0  }
0x24: {  	s3 =	sadd.s32 $0x88, s3;
	s6 =	simm.s32 @!p1 $0x1082;
	[sflag:s4] =	ssyncset.s32 $0xFFFFF086  }
0x25: {  	[simem:s6], [sflag:s4] =	dma.local [hbm:s3], $0xF7A  }
0x26: {  	[smem:$0x3F86] =	sst s1;
	(tag) =	ssettag s2;
	_ =	strace s9  }
0x27: {  	s1 =	sld [smem:$0x3F96]  }
0x28: {  	s2 =	sld [smem:$0x3F97]  }
0x29: {  	s4 =	sld [smem:$0x3F99]  }
0x2a: {  	p0 =	seq.s32 s5, $0x0;
	s5 =	sld [smem:$0x3F9A]  }
0x2b: {  	s6 =	sld [smem:$0x3F9B]  }
0x2c: {  	s7 =	sld [smem:$0x3F9C]  }
0x2d: {  	s3 =	simm.s32 $0x108;
	s8 =	sld [smem:$0x3F9D]  }
0x2e: {  	s3 =	simm.s32 @!p0 $0x1082;
	s9 =	sld [smem:$0x3F9E]  }
0x2f: {  	lr =	sadd.s32 s0, s3;
	s0 =	sld [smem:$0x3F95]  }
0x30: {  	s3 =	sld [smem:$0x3F98]  }
0x31: {  	[smem:$0x3FA1] =	sst s10  }
0x32: {  	s10 =	sld [smem:$0x3F9F];
	_ =	sdelay $0x3  }
0x33: {  	p0 =	seq.s32 s10, $0x1;
	s10 =	sld [smem:$0x3FA1];
	_ =	sdelay $0x3  }
0x34: {  	[smem:$0x3FA1] =	sst s10  }
0x35: {  	s10 =	sld [smem:$0x3FA0];
	_ =	sdelay $0x3  }
0x36: {  	p1 =	seq.s32 s10, $0x1;
	s10 =	sld [smem:$0x3FA1];
	_ =	sdelay $0x3  }
0x37: {  	[smem:$0x3FA1] =	sst s10  }
0x38: {  	s10 =	sld [smem:$0x3FA2]  }
0x39: {  	_ = 	snop;
	(pc) =	sbr.ind lr, $3  }
0x3a: {  	_ = 	snop  }
0x3b: {  	_ = 	snop  }
0x3c: {  	p2 =	seq.s32 s10, $0x1;
	s10 =	sld [smem:$0x3FA1]  }
0x3d: {  	_ =	shalt  }
0x3e: {  	_ =	shalt  }
0x3f: {  	_ =	shalt  }
0x40: {  	_ =	shalt  }
0x41: {  	_ =	shalt  }
0x42: {  	_ =	shalt  }
0x43: {  	_ =	shalt  }
0x44: {  	_ =	shalt  }
0x45: {  	_ =	shalt  }
0x46: {  	_ =	shalt  }
0x47: {  	_ =	shalt  }
0x48: {  	_ =	shalt  }
0x49: {  	_ =	shalt  }
0x4a: {  	_ =	shalt  }
0x4b: {  	_ =	shalt  }
0x4c: {  	_ =	shalt  }
0x4d: {  	_ =	shalt  }
0x4e: {  	_ =	shalt  }
0x4f: {  	_ =	shalt  }
0x50: {  	_ =	shalt  }
0x51: {  	_ =	shalt  }
0x52: {  	_ =	shalt  }
0x53: {  	_ =	shalt  }
0x54: {  	_ =	shalt  }
0x55: {  	_ =	shalt  }
0x56: {  	_ =	shalt  }
0x57: {  	_ =	shalt  }
0x58: {  	_ =	shalt  }
0x59: {  	_ =	shalt  }
0x5a: {  	_ =	shalt  }
0x5b: {  	_ =	shalt  }
0x5c: {  	_ =	shalt  }
0x5d: {  	_ =	shalt  }
0x5e: {  	_ =	shalt  }
0x5f: {  	_ =	shalt  }
0x60: {  	_ =	shalt  }
0x61: {  	_ =	shalt  }
0x62: {  	_ =	shalt  }
0x63: {  	_ =	shalt  }
0x64: {  	_ =	shalt  }
0x65: {  	_ =	shalt  }
0x66: {  	_ =	shalt  }
0x67: {  	_ =	shalt  }
0x68: {  	_ =	shalt  }
0x69: {  	_ =	shalt  }
0x6a: {  	_ =	shalt  }
0x6b: {  	_ =	shalt  }
0x6c: {  	_ =	shalt  }
0x6d: {  	_ =	shalt  }
0x6e: {  	_ =	shalt  }
0x6f: {  	_ =	shalt  }
0x70: {  	_ =	shalt  }
0x71: {  	_ =	shalt  }
0x72: {  	_ =	shalt  }
0x73: {  	_ =	shalt  }
0x74: {  	_ =	shalt  }
0x75: {  	_ =	shalt  }
0x76: {  	_ =	shalt  }
0x77: {  	_ =	shalt  }
0x78: {  	_ =	shalt  }
0x79: {  	_ =	shalt  }
0x7a: {  	_ =	shalt  }
0x7b: {  	_ =	shalt  }
0x7c: {  	_ =	shalt  }
0x7d: {  	_ =	shalt  }
0x7e: {  	_ =	shalt  }
0x7f: {  	_ =	shalt  }
0x80: {  	_ =	shalt  }
0x81: {  	_ =	shalt  }
0x82: {  	_ =	shalt  }
0x83: {  	_ =	shalt  }
0x84: {  	_ =	shalt  }
0x85: {  	_ =	shalt  }
0x86: {  	_ =	shalt  }
0x87: {  	_ =	shalt  }
.Lfunc_end0:
.L_simem_size_0:
called_computation.2_lowered:
.L_overlay_start_0:
0x88: {  	s2 =	sld [smem:$0x3FD9]  }
0x89: {  	s3 =	sld [smem:$0x3FFE];
	_ =	sdelay $0x1  }
0x8a: {  	s1 =	srdreg.scid  }
0x8b: {  	s0 =	sand.u32 $0x1, s1  }
0x8c: {  	s15 =	sshll.u32 s0, $0xA;
	s2 =	sadd.s32 s3, s2  }
0x8d: {  	s2 =	sadd.s32 s2, s15  }
0x8e: {  	[smem:$0x3FAD] =	sst s2  }
0x8f: {  	_ = 	snop  }
0x90: {  	(tm) =	ssettm $0x1  }
0x91: {  	s16 =	sld [smem:$0x3FFB];
	_ =	sdelay $0x3  }
0x92: {  	_ =	strace s16  }
0x93: {  	s2 =	sld [smem:$0x3FFC];
	_ =	sdelay $0x3  }
0x94: {  	_ =	strace s2  }
0x95: {  	s2 =	sld [smem:$0x3FFD];
	_ =	sdelay $0x3  }
0x96: {  	_ =	strace s2  }
0x97: {  	_ =	strace $0x8FFFFFFF  }
0x98: {  	s17 =	sld [smem:$0x3FDB];
	_ =	sdelay $0x1  }
0x99: {  	s18 =	simm.s32 $_scs_section_size  }
0x9a: {  	s4 =	simm.s32 $_size__tile_overlayer_lowered;
	s5 =	simm.s32 $_tile_overlayer_lowered  }
0x9b: {  	s21 =	simm.s32 $0x1BFF;
	s20 =	sshll.u32 s5, $0x1;
	s2 =	sadd.s32 s18, s17  }
0x9c: {  	s6 =	simm.s32 $0x0;
	s19 =	sshll.u32 s4, $0x1;
	s4 =	sadd.s32 s20, s2  }
0x9d: {  	[timem:s6], [sflag:s21] =	dma.local [hbm:s4], s19  }
0x9e: {  	_ =	swait.ge [sflag:s21], s19  }
0x9f: {  	s3 =	ssub.s32 $0x0, s19;
	[sflag:s21] =	ssyncset.done $0x0  }
0xa0: {  	[sflag:s21] =	ssyncadd.s32 s3;
	_ =	sdelay $0x1  }
0xa1: {  	s22 =	simm.s32 $0x1B8B  }
0xa2: {  	_ =	swait.ge [sflag:s22], $0x1  }
0xa3: {  	[sflag:s22] =	ssyncset.done $0x0  }
0xa4: {  	s23 =	sld [smem:$0x3FFE];
	[sflag:s22] =	ssyncadd.s32 $0xFFFFFFFF  }
0xa5: {  	s25 =	simm.s32 $0x1B8E;
	s24 =	sld [smem:$0x0]  }
0xa6: {  	s26 =	simm.s32 $execute0_lowered;
	[smem:$0x3FD2] =	sst s25  }
0xa7: {  	s5 =	sshll.u32 s26, $0x1;
	_ =	strace $0x8000004F;
	[dreg:$0x1] =	wrdreg $0xFFFFFFFF  }
0xa8: {  	s28 =	simm.s32 $_size_execute0_lowered;
	s2 =	sadd.s32 s2, s5;
	[dreg:$0x0] =	wrdreg $0x0  }
0xa9: {  	s5 =	sshll.u32 s28, $0x1;
	[dreg:$0x2] =	wrdreg s2  }
0xaa: {  	[dreg:$0x3] =	wrdreg s5  }
0xab: {  	[dreg:$0x4] =	wrdreg $0xC0  }
0xac: {  	_ =	task [dreg:s6], $0x5FFFF  }
0xad: {  	[dreg:$0x1] =	wrdreg $0xFFFFFFFF  }
0xae: {  	[dreg:$0x0] =	wrdreg $0x60  }
0xaf: {  	[dreg:$0x2] =	wrdreg s23  }
0xb0: {  	[dreg:$0x3] =	wrdreg s1  }
0xb1: {  	[dreg:$0x4] =	wrdreg s24  }
0xb2: {  	[dreg:$0x5] =	wrdreg $0x9  }
0xb3: {  	_ =	task.clear_ibuf [dreg:s6], $0x6FFFF;
	_ =	strace $0x9000004F  }
0xb4: {  	s29 =	simm.s32 $0x9;
	_ =	strace $0x80000051  }
0xb5: {  	_ =	swait.ge [sflag:s29], $0x1  }
0xb6: {  	[sflag:s29] =	ssyncadd.s32 $0xFFFFFFFF  }
0xb7: {  	_ =	strace $0x90000051  }
0xb8: {  	_ =	sfence  }
0xb9: {  	s30 =	sld [smem:$0x0];
	_ =	sdelay $0x2  }
0xba: {  	s31 =	sshll.u32 s1, $0xD;
	s1 =	sshrl.u32 s1, $0x2  }
0xbb: {  	s3 =	sand.u32 $0x4000, s31;
	s1 =	sadd.s32 s1, s30  }
0xbc: {  	s0 =	sor.u32 s3, s0;
	s1 =	sshll.u32 s1, $0x11  }
0xbd: {  	s0 =	sor.u32 s1, s0  }
0xbe: {  	s0 =	sadd.s32 $0x8F2B, s0  }
0xbf: {  	[sflag:s0] =	ssyncadd.remote.s32 $0x1  }
0xc0: {  	_ =	sfence.sel $0xFFFF  }
0xc1: {  	[dreg:$0x0] =	wrdreg $0xFFFFFFFF;
	(pc) =	sbr.abs _section_cstart, $3  }
0xc2: {  	[dreg:$0x1] =	wrdreg $0xFFFFFFFF  }
0xc3: {  	_ =	task.clear_ibuf [dreg:s6], $0x2FFFF;
	_ =	strace $0x9FFFFFFF  }
0xc4: {  	(tm) =	ssettm $0x7FFFFFFF  }
0xc5: {  	_ =	shalt  }
tec
execute0_lowered:
.L_overlay_start_1:
0x0: {  	(tag) =	ssettag $0x1  }
0x1: {  	s2 =	rddreg [dreg:$0x0]  }
0x2: {  	s3 =	rddreg [dreg:$0x1];
	_ =	strace $0x80000050;
	s0 =	simm.s32 $0x1  }
0x3: {  	v0 =	vimm.s32 $0x0;
	[sflag:s0] =	ssyncpa.u1 $0x0;
	s0 =	simm.s32 $0x108  }
0x4: {  	[tilespmem:s0+$0x70] =	vst v0  }
0x5: {  	[tilespmem:s0+$0x60] =	vst v0  }
0x6: {  	[tilespmem:s0+$0x50] =	vst v0  }
0x7: {  	[tilespmem:s0+$0x40] =	vst v0  }
0x8: {  	s1 =	sadd.s32 $0x813E00, s2;
	[tilespmem:s0+$0x30] =	vst v0  }
0x9: {  	s15 =	sadd.s32 $0x2E200, s2;
	s6 =	sadd.s32 $0x889200, s2;
	[tilespmem:s0+$0x20] =	vst v0  }
0xa: {  	s14 =	sadd.s32 $0x3CE00, s2;
	s5 =	sand.u32 $0x1, s3;
	s3 =	simm.s32 $0x40;
	[tilespmem:s0+$0x10] =	vst v0  }
.LBB2_1:
0xb: {  	s3 =	sadd.s32 $0x40, s3;
	[tilespmem:s0+$0x0] =	vst v0;
	s0 =	sadd.s32 $0x80, s0  }
0xc: {  	p0 =	slt.u32 s3, $0x3C40;
	[tilespmem:s0+$0x70] =	vst v0  }
0xd: {  	[tilespmem:s0+$0x60] =	vst v0  }
.Ltmp0:
0xe: {  	[tilespmem:s0+$0x50] =	vst v0;
	(pc) =	sbr.rel @p0 .LBB2_1-.Ltmp0, $4  }
0xf: {  	[tilespmem:s0+$0x40] =	vst v0  }
0x10: {  	[tilespmem:s0+$0x30] =	vst v0  }
0x11: {  	[tilespmem:s0+$0x20] =	vst v0  }
0x12: {  	[tilespmem:s0+$0x10] =	vst v0  }
0x13: {  	s9 =	stileid.u32  }
0x14: {  	s2 =	smul.u32 $0x3E, s9  }
0x15: {  	s3 =	smin.u32 s9, $0x8  }
0x16: {  	s2 =	sadd.s32 s3, s2  }
0x17: {  	p0 =	slt.u32 s9, $0x8;
	s7 =	smul.u32 $0xF0, s2;
	s2 =	simm.s32 $0x3B10  }
0x18: {  	s2 =	simm.s32 @!p0 $0x3A20  }
0x19: {  	s2 =	sadd.s32 s2, s7  }
0x1a: {  	s8 =	smin.u32 s2, $0x3A980  }
0x1b: {  	s2 =	ssub.s32 s8, s7  }
0x1c: {  	p0 =	sgt.s32 s2, $0x0  }
0x1d: {  	s29 =	simm.s32 $0x2;
	s10 =	simm.s32 $0x9;
	s2 =	simm.s32 @!p0 $0x0  }
0x1e: {  	s4 =	simm.s32 $0xA;
	s11 =	simm.s32 $0xB;
	s28 =	smulhi.u32 $0x88888889, s2  }
0x1f: {  	[dreg:$0x4] =	wrdreg s5;
	s31 =	smul.u32 $0x7530, s5;
	s12 =	simm.s32 $0x1  }
0x20: {  	s22 =	simm.s32 $0x0;
	s18 =	simm.s32 $0xC;
	s30 =	sshrl.u32 s28, $0x7  }
0x21: {  	s20 =	simm.s32 $0x0;
	s21 =	simm.s32 $0x0;
	s3 =	smul.u32 $0xF0, s30  }
.Ltmp1:
0x22: {  	[tilespmem:s0+$0x0] =	vst v0;
	v0 =	vimm.s32 $0xFFFFFFFF;
	[sflag:s29] =	ssyncpa.u1 $0x0;
	s16 =	sshll.u32 s9, $0x8;
	(pc) =	sbr.rel .LBB2_3-.Ltmp1, $4  }
0x23: {  	[tilespmem:$0xF208] =	vst v0;
	[sflag:s10] =	ssyncpa.u1 $0x0;
	p0 =	sne.s32 s2, s3;
	s2 =	simm.s32 $0x1  }
0x24: {  	s14 =	sadd.s32 s31, s14;
	[sflag:s4] =	ssyncpa.u1 $0x0;
	s2 =	simm.s32 @!p0 $0x0  }
0x25: {  	s15 =	sadd.s32 s31, s15;
	[sflag:s11] =	ssyncpa.u1 $0x0;
	s13 =	sadd.s32 s2, s30  }
0x26: {  	v0 =	vlaneseq.u32;
	s19 =	smov.u32 s7;
	p0 =	por $0x0, $0x0;
	s17 =	sadd.s32 $0x1, s13  }
.LBB2_18:
0x27: {  	s0 =	sshrl.u32 s31, $0x2  }
.LBB2_20:
0x28: {  	_ =	swait.ge [sflag:s18], s0  }
0x29: {  	s31 =	ssub.s32 $0x0, s0;
	v1 =	vmov s24;
	vm0 =	veq.s32 v0, $0x0;
	[sflag:s18] =	ssyncset.done $0x0  }
0x2a: {  	vm15 =	veq.s32 v0, $0x2;
	v1 =	vsel vm0, s30, v1;
	[sflag:s18] =	ssyncadd.s32 s31  }
0x2b: {  	v1 =	vsel vm15, s22, v1;
	[sflag:s18] =	ssyncpa.u1 $0x1  }
0x2c: {  	[tilespmem:$0xF208] =	vst v1  }
.LBB2_21:
0x2d: {  	s0 =	sadd.s32 $0xF0, s19  }
0x2e: {  	s2 =	smov.u32 s7;
	p1 =	slt.s32 s0, s8  }
0x2f: {  	s2 =	smov.u32 @p1 s0;
	p1 =	sne.s32 s21, s17  }
.Ltmp2:
0x30: {  	_ = 	snop;
	(pc) =	sbr.rel @!p1 .LBB2_22-.Ltmp2, $3  }
0x31: {  	_ =	sdelay $0x1  }
0x32: {  	s22 =	smov.u32 s20;
	s31 =	sadd.s32 $0x1, s21;
	s20 =	smov.u32 s19  }
0x33: {  	p0 =	por !p0, !p0;
	s21 =	smov.u32 s31;
	s19 =	smov.u32 s2  }
.LBB2_3:
0x34: {  	p1 =	sge.u32 s21, s13  }
0x35: {  	s0 =	smulhi.u32 @!p1 $0xAAAAAAAB, s21  }
0x36: {  	s2 =	smov.u32 s19;
	p2 =	sgt.s32 @!p1 s19, $0x3A890  }
0x37: {  	s3 =	sshra.s32 @!p1 s19, $0x1F;
	p2 =	por !p2, p1;
	s0 =	sshrl.u32 @!p1 s0, $0x1  }
0x38: {  	s3 =	sand.u32 @!p1 s3, s19;
	s2 =	simm.s32 @p2 $0x3A890;
	s0 =	smul.u32 @!p1 $0x3, s0  }
0x39: {  	s2 =	ssub.s32 @!p1 s2, s3  }
0x3a: {  	s2 =	sadd.s32 @!p1 $0xFFFC5770, s2;
	s0 =	ssub.s32 @!p1 s21, s0  }
0x3b: {  	s3 =	sshll.u32 @!p1 s2, $0x2;
	p2 =	sgt.s32 @!p1 s2, $0xEF;
	s0 =	smul.u32 @!p1 $0x3C0, s0  }
0x3c: {  	s4 =	sand.u32 @!p1 $0x7, s19;
	s2 =	ssub.s32 @!p1 $0x3C0, s3;
	p2 =	por !p2, p1  }
0x3d: {  	s3 =	sshrl.u32 @!p1 s19, $0x3;
	s2 =	sshrl.u32 @!p1 s2, $0x2;
	s0 =	sshrl.u32 @!p1 s0, $0x2  }
0x3e: {  	s3 =	sadd.s32 @!p1 s3, s14;
	s2 =	simm.s32 @!p2 $0x0;
	s0 =	sadd.s32 @!p1 $0x10248, s0  }
0x3f: {  	[tilespmem:s0], [sflag:$0xA] =	stream.linear.gather @!p1 [hbm4b:s3+s4], s2, $0x38;
	[tilespmem:$0x1F6F8] =	vst v63  }
0x40: {  	s0 =	sadd.s32 $0xFFFFFFFF, s21  }
0x41: {  	p1 =	sge.u32 s0, s13  }
0x42: {  	p2 =	sgt.s32 @!p1 s20, $0x3A890  }
0x43: {  	s2 =	smov.u32 s20;
	s3 =	sshra.s32 @!p1 s20, $0x1F;
	p2 =	por !p2, p1  }
0x44: {  	s3 =	sand.u32 @!p1 s3, s20;
	s2 =	simm.s32 @p2 $0x3A890  }
0x45: {  	s2 =	ssub.s32 @!p1 s2, s3  }
0x46: {  	s2 =	sadd.s32 @!p1 $0xFFFC5770, s2  }
0x47: {  	s4 =	smulhi.u32 @!p1 $0xAAAAAAAB, s0;
	s5 =	sand.u32 @!p1 $0x1, s0;
	s3 =	sshll.u32 @!p1 s2, $0x2  }
0x48: {  	s24 =	smul.u32 @!p1 $0x3C0, s5;
	p2 =	sgt.s32 @!p1 s2, $0xEF;
	s2 =	ssub.s32 @!p1 $0x3C0, s3  }
0x49: {  	p2 =	por !p2, p1;
	s3 =	sshrl.u32 @!p1 s4, $0x1;
	s2 =	sshrl.u32 @!p1 s2, $0x2  }
0x4a: {  	s4 =	simm.s32 @!p1 $0xA;
	s3 =	smul.u32 @!p1 $0x3, s3;
	s2 =	simm.s32 @!p2 $0x0  }
0x4b: {  	s5 =	smul.u32 @!p1 $0x1E000, s5;
	_ =	swait.ge @!p1 [sflag:s4], s2;
	s23 =	ssub.s32 @!p1 $0x0, s2  }
0x4c: {  	s0 =	ssub.s32 @!p1 s0, s3;
	s3 =	sshrl.u32 @!p1 s20, $0x3;
	[sflag:s4] =	ssyncset.done @!p1 $0x0  }
0x4d: {  	s3 =	sadd.s32 @!p1 s3, s15;
	[sflag:s4] =	ssyncadd.s32 @!p1 s23;
	s4 =	sshrl.u32 @!p1 s24, $0x2  }
0x4e: {  	s0 =	smul.u32 @!p1 $0x3C0, s0;
	s23 =	sand.u32 @!p1 $0x7, s20;
	s4 =	sadd.s32 @!p1 $0x10518, s4  }
0x4f: {  	[tilespmem:s4], [sflag:$0xB] =	stream.linear.gather @!p1 [hbm4b:s3+s23], s2, $0x38;
	[tilespmem:$0x1F6F8] =	vst v63  }
0x50: {  	s0 =	sshrl.u32 @!p1 s0, $0x2;
	s2 =	sshrl.u32 @!p1 s5, $0x2  }
0x51: {  	s0 =	sadd.s32 @!p1 $0x10248, s0;
	s3 =	simm.s32 @!p1 $0xF0;
	s2 =	sor.u32 @!p1 $0x106F8, s2  }
0x52: {  	[tilespmem:s2], [sflag:$0x9] =	stream.indirect.gather @!p1 [hbm4b:s6+s3], $0x80, s0, s3, $0xb8;
	[tilespmem:$0x1F6F8] =	vst v63  }
0x53: {  	p1 =	slt.u32 s21, $0x2  }
.Ltmp3:
0x54: {  	_ = 	snop;
	(pc) =	sbr.rel @p1 .LBB2_21-.Ltmp3, $1  }
0x55: {  	_ =	sdelay $0x3  }
0x56: {  	p1 =	sgt.s32 s22, $0x3A890;
	s0 =	smov.u32 s22;
	s2 =	sshra.s32 s22, $0x1F  }
0x57: {  	s0 =	simm.s32 @!p1 $0x3A890;
	s2 =	sand.u32 s2, s22  }
0x58: {  	s0 =	ssub.s32 s0, s2  }
0x59: {  	s0 =	sadd.s32 $0xFFFC5770, s0  }
0x5a: {  	s29 =	sshll.u32 s0, $0x2  }
0x5b: {  	_ =	swait.ge [sflag:s10], $0x7800;
	s2 =	ssub.s32 $0x3C0, s29  }
0x5c: {  	[sflag:s10] =	ssyncset.done $0x0;
	p1 =	sgt.s32 s0, $0xEF;
	s0 =	sshrl.u32 s2, $0x2  }
0x5d: {  	[sflag:s10] =	ssyncadd.s32 $0xFFFF8800;
	s0 =	simm.s32 @p1 $0x0  }
0x5e: {  	_ =	swait.ge [sflag:s11], s0  }
0x5f: {  	s0 =	ssub.s32 $0x0, s0;
	[sflag:s11] =	ssyncset.done $0x0  }
0x60: {  	[sflag:s11] =	ssyncadd.s32 s0  }
0x61: {  	v1 =	vld [tilespmem:$0xF208];
	_ =	sdelay $0x4  }
0x62: {  	(v2sf) =	vpush v1, $0x0  }
0x63: {  	(v2sf) =	vpush v1, $0x1  }
0x64: {  	(v2sf) =	vpush v1, $0x2;
	_ =	sdelay $0x3  }
0x65: {  	s0 =	sadd.s32 $0xF0, s22  }
0x66: {  	s2 =	ssub.s32 $0x75300, s22;
	p1 =	slt.s32 s8, s0  }
0x67: {  	s0 =	smov.u32 @p1 s8;
	p1 =	sgt.s32 s2, $0x0  }
0x68: {  	s26 =	ssub.s32 s0, s22;
	s2 =	simm.s32 @!p1 $0x0  }
0x69: {  	p1 =	slt.s32 s2, s26  }
0x6a: {  	s26 =	smov.u32 @p1 s2  }
0x6b: {  	s25 =	simm.s32 $0x1;
	p1 =	slt.s32 s26, $0x1  }
.Ltmp4:
0x6c: {  	s25 =	simm.s32 @!p0 $0x0;
	(pc) =	sbr.rel @p1 .LBB2_8-.Ltmp4, $4  }
0x6d: {  	s31 =	smul.u32 $0x3C0, s25  }
0x6e: {  	s28 =	spop (v2sf)  }
0x6f: {  	s0 =	sshrl.u32 s31, $0x2;
	s30 =	spop (v2sf)  }
0x70: {  	s23 =	sadd.s32 $0x10518, s0;
	s22 =	spop (v2sf)  }
0x71: {  	s0 =	smin.u32 s26, $0x10  }
0x72: {  	v1 =	vmov s0  }
0x73: {  	p2 =	sgt.s32 s26, $0x10;
	vm1 =	vgt.u32 v1, v0  }
.Ltmp5:
0x74: {  	_ = 	snop;
	(pc) =	sbr.rel @!p2 .LBB2_7-.Ltmp5, $2  }
0x75: {  	_ =	sdelay $0x2  }
0x76: {  	s4 =	simm.s32 $0x10;
	s24 =	sadd.s32 $0xFFFFFFF0, s26;
	s0 =	smov.u32 s23;
	vm0 =	vmmov vm1  }
.LBB2_6:
0x77: {  	s2 =	smin.u32 s24, $0x10;
	s4 =	sadd.s32 $0x10, s4;
	v1 =	vld.msk [tilespmem:s0+$0x0 ss:$0x1], vm1  }
0x78: {  	v2 =	vmov s2;
	p2 =	slt.s32 s4, s26  }
0x79: {  	vm1 =	vgt.u32 v2, v0  }
.Ltmp6:
0x7a: {  	(pc) =	sbr.rel @p2 .LBB2_6-.Ltmp6, $3  }
0x7b: {  	_ =	sdelay $0x1  }
0x7c: {  	v1 =	vshll.u32 v1, $0x4  }
0x7d: {  	s24 =	sadd.s32 $0xFFFFFFF0, s24;
	[tilespmem:s0+$0x0] =	vst.msk vm0, v1;
	s0 =	sadd.s32 $0x10, s0;
	vm0 =	vmmov vm1  }
.LBB2_7:
0x7e: {  	_ =	sdelay $0x4  }
0x7f: {  	v1 =	vld.msk [tilespmem:s0+$0x0 ss:$0x1], vm1;
	_ =	sdelay $0x4  }
0x80: {  	v1 =	vshll.u32 v1, $0x4  }
0x81: {  	[tilespmem:s0+$0x0] =	vst.msk vm0, v1  }
.LBB2_8:
0x82: {  	s0 =	sand.u32 $0x1, s21  }
0x83: {  	s0 =	smul.u32 $0xF0, s0  }
0x84: {  	p2 =	sne.s32 s30, $0xFFFFFFFF  }
0x85: {  	v1 =	vld.msk @!p2 [tilespmem:s0+$0x10518], $0x1;
	_ =	sdelay $0x4  }
0x86: {  	(v2sf) =	vpush @!p2 v1, $0x0;
	_ =	sdelay $0xc  }
.Ltmp7:
0x87: {  	_ = 	snop;
	(pc) =	sbr.rel @p1 .LBB2_19-.Ltmp7, $4  }
0x88: {  	_ = 	snop  }
0x89: {  	s29 =	spop @!p2 (v2sf)  }
0x8a: {  	s22 =	simm.s32 @!p2 $0x0;
	s24 =	smov.u32 s29  }
0x8b: {  	[sflag:s18] =	ssyncpa.u1 $0x0;
	s29 =	smov.u32 @p2 s28;
	s24 =	smov.u32 @p2 s30  }
0x8c: {  	v1 =	vld.msk [tilespmem:s23+$0x0], $0x1;
	_ =	sdelay $0x4  }
0x8d: {  	(v2sf) =	vpush v1, $0x0;
	_ =	sdelay $0xe  }
0x8e: {  	s2 =	smul.u32 $0x1E000, s25;
	s0 =	spop (v2sf)  }
0x8f: {  	s26 =	ssub.s32 $0x0, s26;
	p1 =	seq.s32 s29, s0  }
0x90: {  	s30 =	sadd.s32 $0x1, s26;
	s2 =	sshrl.u32 s2, $0x2;
	p2 =	sgt.s32 @!p1 s29, $0x0  }
0x91: {  	s25 =	sor.u32 $0x10738, s2;
	s2 =	smov.u32 s29;
	p2 =	por !p2, p1  }
0x92: {  	s2 =	simm.s32 @p2 $0x0;
	p2 =	seq.s32 s30, $0x0  }
.Ltmp8:
0x93: {  	_ = 	snop;
	(pc) =	sbr.rel @p2 .LBB2_11-.Ltmp8, $4  }
0x94: {  	_ = 	snop  }
0x95: {  	s28 =	simm.s32 $0x0;
	s31 =	sadd.s32 $0x1, s23;
	s2 =	smin.u32 @!p1 s2, $0x752F0  }
0x96: {  	s4 =	simm.s32 @!p1 $0x1;
	s5 =	simm.s32 @!p1 $0x7988;
	s3 =	sand.u32 @!p1 $0x7FFF8, s2  }
0x97: {  	s4 =	smov.u32 @p1 s28;
	s2 =	sand.u32 @!p1 $0x7, s2;
	s3 =	sadd.s32 @!p1 s1, s3  }
.LBB2_10:
0x98: {  	s9 =	smov.u32 s4  }
0x99: {  	[tilespmem:s5], [sflag:$0x2] =	stream.linear.gather @!p1 [hbm4b:s3+s2], $0x80, $0x38;
	[tilespmem:$0x1F6F8] =	vst v63  }
0x9a: {  	s30 =	sadd.s32 $0x1, s30;
	s2 =	smov.u32 s0;
	v1 =	vld.msk [tilespmem:s31+$0x0], $0x1  }
0x9b: {  	p2 =	seq.s32 s30, $0x0;
	_ =	sdelay $0x3  }
0x9c: {  	(v2sf) =	vpush v1, $0x0;
	_ =	sdelay $0xe  }
0x9d: {  	s0 =	spop (v2sf)  }
0x9e: {  	p1 =	seq.s32 s2, s0  }
0x9f: {  	p3 =	sgt.s32 @!p1 s2, $0x0;
	s3 =	sshll.u32 @!p1 s4, $0x9;
	s4 =	sadd.s32 @!p1 $0x1, s4  }
.Ltmp9:
0xa0: {  	p3 =	por !p3, p1;
	s3 =	sshra.s32 @!p1 s3, $0x2;
	(pc) =	sbr.rel @!p2 .LBB2_10-.Ltmp9, $4  }
0xa1: {  	s4 =	smov.u32 @p1 s9;
	s2 =	simm.s32 @p3 $0x0;
	s5 =	sadd.s32 @!p1 $0x7988, s3  }
0xa2: {  	s2 =	smin.u32 @!p1 s2, $0x752F0  }
0xa3: {  	s3 =	sand.u32 @!p1 $0x7FFF8, s2;
	s2 =	sand.u32 @!p1 $0x7, s2  }
0xa4: {  	s31 =	sadd.s32 $0x1, s31;
	s3 =	sadd.s32 @!p1 s1, s3  }
.LBB2_11:
0xa5: {  	[tilespmem:s5], [sflag:$0x2] =	stream.linear.gather @!p1 [hbm4b:s3+s2], $0x80, $0x38;
	[tilespmem:$0x1F6F8] =	vst v63  }
.Ltmp10:
0xa6: {  	s0 =	sshll.u32 s4, $0x7;
	(pc) =	sbr.rel .LBB2_12-.Ltmp10, $4  }
0xa7: {  	s30 =	simm.s32 $0x2;
	s0 =	sand.u32 $0x3FFFFF80, s0  }
0xa8: {  	_ =	swait.ge [sflag:s30], s0  }
0xa9: {  	s0 =	ssub.s32 $0x0, s0;
	[sflag:s30] =	ssyncset.done $0x0  }
0xaa: {  	s31 =	simm.s32 $0x0;
	[sflag:s30] =	ssyncadd.s32 s0  }
.LBB2_13:
0xab: {  	v1 =	vld [tilespmem:s25+$0xFFFFFFC0];
	_ =	sdelay $0x3  }
0xac: {  	s0 =	sshra.s32 s0, $0x2  }
0xad: {  	[tilespmem:s0+$0x108] =	vst.add.f32.msk $0xffff, v1  }
0xae: {  	v1 =	vld [tilespmem:s25+$0xFFFFFFD0];
	_ =	sdelay $0x4  }
0xaf: {  	[tilespmem:s0+$0x118] =	vst.add.f32.msk $0xffff, v1  }
0xb0: {  	v1 =	vld [tilespmem:s25+$0xFFFFFFE0];
	_ =	sdelay $0x4  }
0xb1: {  	[tilespmem:s0+$0x128] =	vst.add.f32.msk $0xffff, v1  }
0xb2: {  	v1 =	vld [tilespmem:s25+$0xFFFFFFF0];
	_ =	sdelay $0x4  }
0xb3: {  	[tilespmem:s0+$0x138] =	vst.add.f32.msk $0xffff, v1  }
0xb4: {  	v1 =	vld [tilespmem:s25+$0x0];
	_ =	sdelay $0x4  }
0xb5: {  	[tilespmem:s0+$0x148] =	vst.add.f32.msk $0xffff, v1  }
0xb6: {  	v1 =	vld [tilespmem:s25+$0x10];
	_ =	sdelay $0x4  }
0xb7: {  	[tilespmem:s0+$0x158] =	vst.add.f32.msk $0xffff, v1  }
0xb8: {  	v1 =	vld [tilespmem:s25+$0x20];
	_ =	sdelay $0x4  }
0xb9: {  	[tilespmem:s0+$0x168] =	vst.add.f32.msk $0xffff, v1  }
0xba: {  	v1 =	vld [tilespmem:s25+$0x30];
	_ =	sdelay $0x4  }
0xbb: {  	[tilespmem:s0+$0x178] =	vst.add.f32.msk $0xffff, v1  }
.LBB2_17:
0xbc: {  	s26 =	sadd.s32 $0x1, s26  }
0xbd: {  	p1 =	seq.s32 s26, $0x0  }
.Ltmp11:
0xbe: {  	_ = 	snop;
	(pc) =	sbr.rel @p1 .LBB2_18-.Ltmp11, $2  }
0xbf: {  	_ =	sdelay $0x2  }
0xc0: {  	s23 =	sadd.s32 $0x1, s23;
	s25 =	sadd.s32 $0x80, s25;
	s29 =	smov.u32 s30  }
.LBB2_12:
0xc1: {  	v1 =	vld.msk [tilespmem:s23+$0x0], $0x1;
	_ =	sdelay $0x4  }
0xc2: {  	(v2sf) =	vpush v1, $0x0;
	_ =	sdelay $0xe  }
0xc3: {  	s30 =	spop (v2sf)  }
0xc4: {  	p1 =	sne.s32 s29, s30  }
.Ltmp12:
0xc5: {  	_ = 	snop;
	(pc) =	sbr.rel @!p1 .LBB2_13-.Ltmp12, $2  }
0xc6: {  	_ =	sdelay $0x2  }
0xc7: {  	s0 =	sshll.u32 s22, $0x9  }
0xc8: {  	p1 =	seq.s32 s29, s24  }
.Ltmp13:
0xc9: {  	_ = 	snop;
	(pc) =	sbr.rel @!p1 .LBB2_15-.Ltmp13, $1  }
0xca: {  	_ =	sdelay $0x3  }
0xcb: {  	s0 =	sshra.s32 s0, $0x2  }
.Ltmp14:
0xcc: {  	s0 =	sadd.s32 $0x108, s0;
	(pc) =	sbr.rel .LBB2_16-.Ltmp14, $4  }
0xcd: {  	[spmem:s16] =	stream.linear.scatter [tilespmem:s0], [sflag:$0x1], $0x80, $0x38;
	[tilespmem:$0x1F6F8] =	vst v63  }
0xce: {  	_ =	swait.ge [sflag:s12], $0x80  }
0xcf: {  	[sflag:s12] =	ssyncset.done $0x0  }
0xd0: {  	[sflag:s12] =	ssyncadd.s32 $0xFFFFFF80  }
.LBB2_15:
0xd1: {  	s2 =	sshll.u32 s28, $0x9  }
0xd2: {  	s2 =	sshra.s32 s2, $0x2  }
0xd3: {  	v1 =	vld [tilespmem:s2+$0x7988];
	_ =	sdelay $0x3  }
0xd4: {  	s0 =	sshra.s32 s0, $0x2  }
0xd5: {  	[tilespmem:s0+$0x108] =	vst.add.f32.msk $0xffff, v1  }
0xd6: {  	v1 =	vld [tilespmem:s2+$0x7998];
	_ =	sdelay $0x4  }
0xd7: {  	[tilespmem:s0+$0x118] =	vst.add.f32.msk $0xffff, v1  }
0xd8: {  	v1 =	vld [tilespmem:s2+$0x79A8];
	_ =	sdelay $0x4  }
0xd9: {  	[tilespmem:s0+$0x128] =	vst.add.f32.msk $0xffff, v1  }
0xda: {  	v1 =	vld [tilespmem:s2+$0x79B8];
	_ =	sdelay $0x4  }
0xdb: {  	[tilespmem:s0+$0x138] =	vst.add.f32.msk $0xffff, v1  }
0xdc: {  	v1 =	vld [tilespmem:s2+$0x79C8];
	_ =	sdelay $0x4  }
0xdd: {  	[tilespmem:s0+$0x148] =	vst.add.f32.msk $0xffff, v1  }
0xde: {  	v1 =	vld [tilespmem:s2+$0x79D8];
	_ =	sdelay $0x4  }
0xdf: {  	[tilespmem:s0+$0x158] =	vst.add.f32.msk $0xffff, v1  }
0xe0: {  	v1 =	vld [tilespmem:s2+$0x79E8];
	_ =	sdelay $0x4  }
0xe1: {  	[tilespmem:s0+$0x168] =	vst.add.f32.msk $0xffff, v1  }
0xe2: {  	v1 =	vld [tilespmem:s2+$0x79F8];
	_ =	sdelay $0x2  }
0xe3: {  	p1 =	sgt.u32 s29, $0x752F0  }
0xe4: {  	s2 =	sand.u32 @!p1 $0x7FFF8, s29  }
0xe5: {  	s3 =	sadd.s32 $0x108, s0;
	[tilespmem:s0+$0x178] =	vst.add.f32.msk $0xffff, v1;
	s0 =	sadd.s32 @!p1 s1, s2;
	s2 =	sand.u32 @!p1 $0x7, s29  }
0xe6: {  	[hbm4b:s0+s2] =	stream.linear.scatter @!p1 [tilespmem:s3], [sflag:$0xC], $0x80, $0x38;
	[tilespmem:$0x1F6F8] =	vst v63  }
0xe7: {  	s0 =	simm.s32 $0x0  }
0xe8: {  	s0 =	simm.s32 @!p1 $0x200  }
0xe9: {  	s31 =	sadd.s32 s0, s31  }
.LBB2_16:
0xea: {  	s0 =	sadd.s32 $0x1, s22  }
0xeb: {  	s2 =	smulhi.u32 $0x88888889, s0;
	_ =	sdelay $0x1  }
0xec: {  	v1 =	vld [tilespmem:s25+$0xFFFFFFC0];
	s2 =	sshrl.u32 s2, $0x7  }
0xed: {  	s2 =	smul.u32 $0xF0, s2;
	_ =	sdelay $0x1  }
0xee: {  	s22 =	ssub.s32 s0, s2  }
0xef: {  	s0 =	sshll.u32 s22, $0x7  }
0xf0: {  	[tilespmem:s0+$0x108] =	vst v1  }
0xf1: {  	v1 =	vld [tilespmem:s25+$0xFFFFFFD0];
	_ =	sdelay $0x4  }
0xf2: {  	[tilespmem:s0+$0x118] =	vst v1  }
0xf3: {  	v1 =	vld [tilespmem:s25+$0xFFFFFFE0];
	_ =	sdelay $0x4  }
0xf4: {  	[tilespmem:s0+$0x128] =	vst v1  }
0xf5: {  	v1 =	vld [tilespmem:s25+$0xFFFFFFF0];
	_ =	sdelay $0x4  }
0xf6: {  	[tilespmem:s0+$0x138] =	vst v1  }
0xf7: {  	v1 =	vld [tilespmem:s25+$0x0];
	_ =	sdelay $0x4  }
0xf8: {  	[tilespmem:s0+$0x148] =	vst v1  }
0xf9: {  	v1 =	vld [tilespmem:s25+$0x10];
	_ =	sdelay $0x4  }
0xfa: {  	[tilespmem:s0+$0x158] =	vst v1  }
0xfb: {  	v1 =	vld [tilespmem:s25+$0x20];
	_ =	sdelay $0x4  }
0xfc: {  	[tilespmem:s0+$0x168] =	vst v1  }
0xfd: {  	v1 =	vld [tilespmem:s25+$0x30]  }
.Ltmp15:
0xfe: {  	_ = 	snop;
	(pc) =	sbr.rel .LBB2_17-.Ltmp15, $2  }
0xff: {  	_ =	sdelay $0x2  }
0x100: {  	s28 =	sadd.s32 $0x1, s28;
	[tilespmem:s0+$0x178] =	vst v1  }
.LBB2_19:
.Ltmp16:
0x101: {  	(pc) =	sbr.rel .LBB2_20-.Ltmp16, $4  }
0x102: {  	_ = 	snop  }
0x103: {  	s0 =	simm.s32 $0x2  }
0x104: {  	_ =	swait.ge [sflag:s0], $0x0  }
0x105: {  	s30 =	smov.u32 s29;
	[sflag:s0] =	ssyncset.done $0x0;
	s0 =	simm.s32 $0x0  }
.LBB2_22:
0x106: {  	_ =	sfence.sel $0x180000  }
0x107: {  	s0 =	simm.s32 $0x9;
	[bflag:$0x0] =	sbarrier.arrive $0xFFFF  }
0x108: {  	s24 =	simm.s32 $0xA;
	[sflag:s0] =	ssyncpa.u1 $0x1  }
0x109: {  	s25 =	simm.s32 $0xB;
	[sflag:s24] =	ssyncpa.u1 $0x1  }
0x10a: {  	s26 =	simm.s32 $0x2;
	[sflag:s25] =	ssyncpa.u1 $0x1  }
0x10b: {  	[sflag:s26] =	ssyncpa.u1 $0x1  }
0x10c: {  	v0 =	vld [tilespmem:$0xF208];
	_ =	sdelay $0x4  }
0x10d: {  	(v2sf) =	vpush v0, $0x0  }
0x10e: {  	(v2sf) =	vpush v0, $0x1;
	_ =	sdelay $0x1  }
0x10f: {  	(v2sf) =	vpush v0, $0x2;
	_ =	sdelay $0xb  }
0x110: {  	s0 =	spop (v2sf)  }
0x111: {  	s2 =	spop (v2sf)  }
0x112: {  	s3 =	smov.u32 s0;
	p0 =	sne.s32 s0, s2  }
0x113: {  	s4 =	spop (v2sf);
	s3 =	simm.s32 @!p0 $0xFFFFFFFF  }
0x114: {  	v2 =	vimm.s32 $0x1;
	v3 =	vlaneseq.u32;
	p0 =	seq.s32 s4, $0xFFFFFFFF;
	v1 =	vmov s3  }
0x115: {  	s16 =	stileid.u32;
	v0 =	vperm.xlane v0, v2;
	p1 =	sne.s32 @!p0 s0, s2;
	v1 =	vperm.xlane v1, v3  }
0x116: {  	vm0 =	vcmask $0x3F04;
	s6 =	simm.s32 $0xF208;
	s0 =	simm.s32 @!p0 $0x1;
	p1 =	por !p1, p0  }
0x117: {  	s3 =	sshll.u32 s16, $0x1;
	s2 =	sshll.u32 @!p0 s4, $0x9;
	s0 =	simm.s32 @p1 $0x0;
	v0 =	vsel vm0, v1, v0  }
0x118: {  	s5 =	sor.u32 $0x1000, s3;
	s2 =	sshra.s32 @!p0 s2, $0x2;
	s0 =	sor.u32 @!p0 s0, s3;
	[tilespmem:$0xF208] =	vst v0  }
0x119: {  	[spmem:s5] =	stream.linear.scatter [tilespmem:s6], [sflag:$0x1], $0x2, $0x38;
	[tilespmem:$0x1F6F8] =	vst v63  }
0x11a: {  	s2 =	sadd.s32 @!p0 $0x108, s2;
	s0 =	sshll.u32 @!p0 s0, $0x7  }
0x11b: {  	[spmem:s0] =	stream.linear.scatter @!p0 [tilespmem:s2], [sflag:$0x1], $0x80, $0x38;
	[tilespmem:$0x1F6F8] =	vst v63  }
0x11c: {  	s0 =	simm.s32 @!p0 $0x82  }
0x11d: {  	s28 =	simm.s32 $0x1;
	s0 =	simm.s32 @p0 $0x2  }
0x11e: {  	_ =	swait.ge [sflag:s28], s0  }
0x11f: {  	s0 =	ssub.s32 $0x0, s0;
	[sflag:s28] =	ssyncset.done $0x0  }
0x120: {  	p0 =	sne.s32 s16, $0x0;
	[sflag:s28] =	ssyncadd.s32 s0  }
.Ltmp17:
0x121: {  	_ =	sfence.stream.spmem;
	(pc) =	sbr.rel @p0 .LBB2_39-.Ltmp17, $4  }
0x122: {  	s29 =	simm.s32 $0x3;
	[bflag:$0x0] =	sbarrier.arrive $0xFFFF  }
0x123: {  	s30 =	simm.s32 $0x4;
	[sflag:s29] =	ssyncpa.u1 $0x1  }
0x124: {  	s31 =	simm.s32 $0x3C;
	[sflag:s30] =	ssyncpa.u1 $0x1  }
0x125: {  	s15 =	rddreg [dreg:$0x4];
	[sflag:s31] =	ssyncpa.u1 $0x1  }
0x126: {  	_ =	sfence.stream.spmem;
	s0 =	simm.s32 $0x5  }
0x127: {  	s2 =	simm.s32 $0x1000;
	s3 =	simm.s32 $0xF218;
	[sflag:s0] =	ssyncpa.u1 $0x0  }
0x128: {  	[tilespmem:s3], [sflag:$0x5] =	stream.linear.gather [spmem:s2], $0x20, $0x38;
	[tilespmem:$0x1F6F8] =	vst v63  }
0x129: {  	s26 =	simm.s32 $0x0;
	s28 =	simm.s32 $0xF238  }
0x12a: {  	[tilespmem:s28], [sflag:$0x5] =	stream.linear.gather [spmem:s26], $0x1000, $0x38;
	[tilespmem:$0x1F6F8] =	vst v63  }
0x12b: {  	_ =	swait.ge [sflag:s0], $0x1020  }
0x12c: {  	[sflag:s0] =	ssyncset.done $0x0  }
0x12d: {  	s29 =	simm.s32 $0x0;
	[sflag:s0] =	ssyncadd.s32 $0xFFFFEFE0  }
0x12e: {  	v0 =	vld.msk [tilespmem:s29+$0xF218], $0x1;
	_ =	sdelay $0x1  }
0x12f: {  	s30 =	simm.s32 $0x1  }
0x130: {  	v1 =	vld.msk [tilespmem:s30+$0xF218], $0x1;
	_ =	sdelay $0x1  }
0x131: {  	(v2sf) =	vpush v0, $0x0;
	_ =	sdelay $0x2  }
0x132: {  	(v2sf) =	vpush v1, $0x0;
	_ =	sdelay $0x2  }
0x133: {  	s31 =	simm.s32 $0x2  }
0x134: {  	v0 =	vld.msk [tilespmem:s31+$0xF218], $0x1;
	_ =	sdelay $0x2  }
0x135: {  	s4 =	simm.s32 $0xFFFFFFFF;
	s5 =	simm.s32 $0xFFFFFFFF;
	s0 =	simm.s32 $0xC  }
.LBB2_24:
0x136: {  	s2 =	smov.u32 s5;
	s3 =	smov.u32 s4  }
0x137: {  	s4 =	sshra.s32 s0, $0x2;
	p1 =	sne.s32 s0, $0x7C;
	s0 =	sadd.s32 $0x4, s0;
	(v2sf) =	vpush v0, $0x0  }
0x138: {  	v0 =	vld.msk [tilespmem:s4+$0xF218], $0x1  }
.Ltmp18:
0x139: {  	(pc) =	sbr.rel @p1 .LBB2_24-.Ltmp18, $4  }
0x13a: {  	s5 =	spop (v2sf)  }
0x13b: {  	p2 =	sne.s32 s3, $0xFFFFFFFF;
	s4 =	smov.u32 s5  }
0x13c: {  	p3 =	seq.s32 s5, $0xFFFFFFFF;
	s4 =	smov.u32 @p2 s3  }
0x13d: {  	s5 =	smov.u32 @p3 s2;
	s4 =	smov.u32 @p3 s3  }
0x13e: {  	(v2sf) =	vpush v0, $0x0;
	_ =	sdelay $0x8  }
0x13f: {  	s0 =	spop (v2sf)  }
0x140: {  	p1 =	sne.s32 s4, $0xFFFFFFFF;
	s2 =	smov.u32 s0  }
0x141: {  	s9 =	simm.s32 $0x6;
	p2 =	seq.s32 s0, $0xFFFFFFFF;
	s2 =	smov.u32 @p1 s4  }
0x142: {  	s6 =	simm.s32 $0x0;
	s2 =	smov.u32 @p2 s4;
	s3 =	spop (v2sf)  }
0x143: {  	s0 =	smov.u32 @p2 s5;
	p1 =	sne.s32 s2, $0xFFFFFFFF;
	s4 =	smov.u32 s3  }
.Ltmp19:
0x144: {  	p2 =	seq.s32 s3, $0xFFFFFFFF;
	s4 =	smov.u32 @p1 s2;
	(pc) =	sbr.rel .LBB2_26-.Ltmp19, $4  }
0x145: {  	s10 =	simm.s32 $0xF188;
	s4 =	smov.u32 @p2 s2;
	s7 =	spop (v2sf)  }
0x146: {  	s11 =	simm.s32 $0x0;
	p1 =	sne.s32 s4, $0xFFFFFFFF;
	s8 =	smov.u32 s7  }
0x147: {  	s3 =	smov.u32 @p2 s0;
	p2 =	seq.s32 s7, $0xFFFFFFFF;
	s8 =	smov.u32 @p1 s4  }
0x148: {  	[sflag:s9] =	ssyncpa.u1 $0x0;
	s7 =	smov.u32 @p2 s3;
	s8 =	smov.u32 @p2 s4  }
.LBB2_32:
0x149: {  	p1 =	sgt.u32 s12, $0x752F0  }
0x14a: {  	p2 =	seq.s32 @!p1 s12, s8  }
0x14b: {  	p1 =	por p1, p2  }
0x14c: {  	p2 =	sne.s32 @!p1 s12, s7  }
0x14d: {  	p1 =	por p1, !p2  }
0x14e: {  	s0 =	sshll.u32 @p1 s11, $0x9  }
0x14f: {  	s0 =	sand.u32 @!p1 $0x7FFF8, s12  }
0x150: {  	s2 =	sand.u32 @!p1 $0x7, s12;
	s0 =	sadd.s32 @!p1 s1, s0  }
0x151: {  	[tilespmem:s10], [sflag:$0x6] =	stream.linear.gather @!p1 [hbm4b:s0+s2], $0x80, $0x38;
	[tilespmem:$0x1F6F8] =	vst v63  }
0x152: {  	_ =	swait.ge @!p1 [sflag:s9], $0x80  }
0x153: {  	[sflag:s9] =	ssyncset.done @!p1 $0x0  }
0x154: {  	[sflag:s9] =	ssyncadd.s32 @!p1 $0xFFFFFF80  }
0x155: {  	v1 =	vld @!p1 [tilespmem:$0xF188];
	_ =	sdelay $0x2  }
0x156: {  	s0 =	sshll.u32 @!p1 s11, $0x9  }
0x157: {  	s2 =	sshrl.u32 @!p1 s0, $0x2  }
0x158: {  	[tilespmem:s2+$0xF238] =	vst.add.f32.msk @!p1 $0xffff, v1  }
0x159: {  	v1 =	vld @!p1 [tilespmem:$0xF198];
	_ =	sdelay $0x4  }
0x15a: {  	[tilespmem:s2+$0xF248] =	vst.add.f32.msk @!p1 $0xffff, v1  }
0x15b: {  	v1 =	vld @!p1 [tilespmem:$0xF1A8];
	_ =	sdelay $0x4  }
0x15c: {  	[tilespmem:s2+$0xF258] =	vst.add.f32.msk @!p1 $0xffff, v1  }
0x15d: {  	v1 =	vld @!p1 [tilespmem:$0xF1B8];
	_ =	sdelay $0x4  }
0x15e: {  	[tilespmem:s2+$0xF268] =	vst.add.f32.msk @!p1 $0xffff, v1  }
0x15f: {  	v1 =	vld @!p1 [tilespmem:$0xF1C8];
	_ =	sdelay $0x4  }
0x160: {  	[tilespmem:s2+$0xF278] =	vst.add.f32.msk @!p1 $0xffff, v1  }
0x161: {  	v1 =	vld @!p1 [tilespmem:$0xF1D8];
	_ =	sdelay $0x4  }
0x162: {  	[tilespmem:s2+$0xF288] =	vst.add.f32.msk @!p1 $0xffff, v1  }
0x163: {  	v1 =	vld @!p1 [tilespmem:$0xF1E8];
	_ =	sdelay $0x4  }
0x164: {  	[tilespmem:s2+$0xF298] =	vst.add.f32.msk @!p1 $0xffff, v1  }
0x165: {  	v1 =	vld @!p1 [tilespmem:$0xF1F8];
	_ =	sdelay $0x4  }
0x166: {  	[tilespmem:s2+$0xF2A8] =	vst.add.f32.msk @!p1 $0xffff, v1  }
0x167: {  	s0 =	sshrl.u32 s0, $0x2;
	[tilespmem:s6+$0xF218] =	vst.msk $0x1, v0  }
0x168: {  	v0 =	vld [tilespmem:s0+$0xF238];
	_ =	sdelay $0x2  }
0x169: {  	s31 =	sshll.u32 s6, $0x9  }
0x16a: {  	s2 =	sshra.s32 s31, $0x2  }
0x16b: {  	[tilespmem:s2+$0xF238] =	vst v0  }
0x16c: {  	v0 =	vld [tilespmem:s0+$0xF248];
	_ =	sdelay $0x4  }
0x16d: {  	[tilespmem:s2+$0xF248] =	vst v0  }
0x16e: {  	v0 =	vld [tilespmem:s0+$0xF258];
	_ =	sdelay $0x4  }
0x16f: {  	[tilespmem:s2+$0xF258] =	vst v0  }
0x170: {  	v0 =	vld [tilespmem:s0+$0xF268];
	_ =	sdelay $0x4  }
0x171: {  	[tilespmem:s2+$0xF268] =	vst v0  }
0x172: {  	v0 =	vld [tilespmem:s0+$0xF278];
	_ =	sdelay $0x4  }
0x173: {  	[tilespmem:s2+$0xF278] =	vst v0  }
0x174: {  	v0 =	vld [tilespmem:s0+$0xF288];
	_ =	sdelay $0x4  }
0x175: {  	[tilespmem:s2+$0xF288] =	vst v0  }
0x176: {  	v0 =	vld [tilespmem:s0+$0xF298];
	_ =	sdelay $0x4  }
0x177: {  	[tilespmem:s2+$0xF298] =	vst v0  }
0x178: {  	v0 =	vld [tilespmem:s0+$0xF2A8];
	_ =	sdelay $0x4  }
0x179: {  	s6 =	sadd.s32 $0x1, s6;
	[tilespmem:s2+$0xF2A8] =	vst v0  }
.LBB2_33:
0x17a: {  	s11 =	sadd.s32 $0x1, s11  }
0x17b: {  	p1 =	sne.s32 s11, $0x20  }
.Ltmp20:
0x17c: {  	_ = 	snop;
	(pc) =	sbr.rel @!p1 .LBB2_34-.Ltmp20, $1  }
0x17d: {  	_ =	sdelay $0x3  }
.LBB2_26:
0x17e: {  	v0 =	vld.msk [tilespmem:s11+$0xF218], $0x1;
	_ =	sdelay $0x4  }
0x17f: {  	(v2sf) =	vpush v0, $0x0;
	_ =	sdelay $0xe  }
0x180: {  	s12 =	spop (v2sf)  }
0x181: {  	p1 =	seq.s32 s12, $0xFFFFFFFF  }
.Ltmp21:
0x182: {  	_ = 	snop;
	(pc) =	sbr.rel @p1 .LBB2_33-.Ltmp21, $1  }
0x183: {  	_ =	sdelay $0x3  }
0x184: {  	p1 =	slt.s32 s6, $0x1  }
.Ltmp22:
0x185: {  	_ = 	snop;
	(pc) =	sbr.rel @p1 .LBB2_32-.Ltmp22, $1  }
0x186: {  	_ =	sdelay $0x3  }
0x187: {  	s13 =	simm.s32 $0xF218;
	p1 =	por $0x0, $0x0  }
0x188: {  	v1 =	vld.msk @!p1 [tilespmem:s13+$0x0], $0x1;
	_ =	sdelay $0x4  }
0x189: {  	(v2sf) =	vpush @!p1 v1, $0x0;
	_ =	sdelay $0xd  }
0x18a: {  	p3 =	sne.s32 s6, $0x1  }
.Ltmp23:
0x18b: {  	s0 =	spop @!p1 (v2sf);
	(pc) =	sbr.rel @!p3 .LBB2_30-.Ltmp23, $4  }
0x18c: {  	p2 =	seq.s32 @!p1 s12, s0  }
0x18d: {  	s14 =	simm.s32 $0x0;
	p2 =	por !p2, p1  }
0x18e: {  	s2 =	simm.s32 $0xFFFFFFFF;
	s14 =	simm.s32 @p2 $0xFFFFFFFF  }
0x18f: {  	s0 =	simm.s32 $0x1;
	s14 =	smov.u32 @p1 s2  }
.LBB2_29:
0x190: {  	s2 =	smov.u32 s14;
	p1 =	sne.s32 s14, $0xFFFFFFFF  }
0x191: {  	s13 =	sadd.s32 $0x1, s13;
	s14 =	smov.u32 s0;
	s0 =	sadd.s32 $0x1, s0  }
0x192: {  	p2 =	sne.s32 s6, s0;
	v1 =	vld.msk @!p1 [tilespmem:s13+$0x0], $0x1;
	_ =	sdelay $0x4  }
0x193: {  	(v2sf) =	vpush @!p1 v1, $0x0;
	_ =	sdelay $0xe  }
.Ltmp24:
0x194: {  	s3 =	spop @!p1 (v2sf);
	(pc) =	sbr.rel @p2 .LBB2_29-.Ltmp24, $4  }
0x195: {  	p3 =	seq.s32 @!p1 s12, s3  }
0x196: {  	p3 =	por !p3, p1  }
0x197: {  	s14 =	simm.s32 @p3 $0xFFFFFFFF  }
0x198: {  	s14 =	smov.u32 @p1 s2  }
.LBB2_30:
0x199: {  	p1 =	seq.s32 s14, $0xFFFFFFFF  }
.Ltmp25:
0x19a: {  	_ = 	snop;
	(pc) =	sbr.rel @p1 .LBB2_32-.Ltmp25, $1  }
0x19b: {  	_ =	sdelay $0x3  }
0x19c: {  	s0 =	sshll.u32 s11, $0x7  }
0x19d: {  	s0 =	sand.u32 $0x3FFFFF80, s0  }
0x19e: {  	v0 =	vld [tilespmem:s0+$0xF238];
	_ =	sdelay $0x2  }
0x19f: {  	s2 =	sshll.u32 s14, $0x9  }
0x1a0: {  	s2 =	sshra.s32 s2, $0x2  }
0x1a1: {  	[tilespmem:s2+$0xF238] =	vst.add.f32.msk $0xffff, v0  }
0x1a2: {  	v0 =	vld [tilespmem:s0+$0xF248];
	_ =	sdelay $0x4  }
0x1a3: {  	[tilespmem:s2+$0xF248] =	vst.add.f32.msk $0xffff, v0  }
0x1a4: {  	v0 =	vld [tilespmem:s0+$0xF258];
	_ =	sdelay $0x4  }
0x1a5: {  	[tilespmem:s2+$0xF258] =	vst.add.f32.msk $0xffff, v0  }
0x1a6: {  	v0 =	vld [tilespmem:s0+$0xF268];
	_ =	sdelay $0x4  }
0x1a7: {  	[tilespmem:s2+$0xF268] =	vst.add.f32.msk $0xffff, v0  }
0x1a8: {  	v0 =	vld [tilespmem:s0+$0xF278];
	_ =	sdelay $0x4  }
0x1a9: {  	[tilespmem:s2+$0xF278] =	vst.add.f32.msk $0xffff, v0  }
0x1aa: {  	v0 =	vld [tilespmem:s0+$0xF288];
	_ =	sdelay $0x4  }
0x1ab: {  	[tilespmem:s2+$0xF288] =	vst.add.f32.msk $0xffff, v0  }
0x1ac: {  	v0 =	vld [tilespmem:s0+$0xF298];
	_ =	sdelay $0x4  }
0x1ad: {  	[tilespmem:s2+$0xF298] =	vst.add.f32.msk $0xffff, v0  }
0x1ae: {  	v0 =	vld [tilespmem:s0+$0xF2A8]  }
.Ltmp26:
0x1af: {  	_ = 	snop;
	(pc) =	sbr.rel .LBB2_33-.Ltmp26, $2  }
0x1b0: {  	_ =	sdelay $0x2  }
0x1b1: {  	[tilespmem:s2+$0xF2A8] =	vst.add.f32.msk $0xffff, v0  }
.LBB2_34:
0x1b2: {  	s0 =	simm.s32 $0x6;
	p1 =	seq.s32 s6, $0x0  }
0x1b3: {  	[sflag:s0] =	ssyncpa.u1 $0x1;
	v0 =	vimm.s32 @p1 $0xFFFFFFFF  }
0x1b4: {  	s9 =	sadd.s32 $0xFFFFFFFF, s6;
	[tilespmem:$0x10238] =	vst @p1 v0  }
0x1b5: {  	v0 =	vld.msk @!p1 [tilespmem:s9+$0xF218], $0x1;
	_ =	sdelay $0x1  }
0x1b6: {  	v1 =	vld.msk @!p1 [tilespmem:$0xF218], $0x1;
	_ =	sdelay $0x2  }
0x1b7: {  	p2 =	seq.s32 @!p1 s9, $0x0;
	v0 =	vbroadcast @!p1 v0, $0x0  }
0x1b8: {  	vm0 =	vmmov @!p1 $0x1;
	p2 =	por !p2, p1  }
0x1b9: {  	v1 =	vnsel @!p1 vm0, $0xFFFFFFFF, v1;
	vm0 =	vcmask @!p1 $0x308;
	v0 =	vpsel !p2, $0xFFFFFFFF, v0  }
0x1ba: {  	p2 =	sne.s32 @!p1 s8, s7;
	v0 =	vsel @!p1 vm0, v1, v0  }
0x1bb: {  	s0 =	simm.s32 @!p1 $0xF238;
	s2 =	simm.s32 @!p1 $0x0;
	p3 =	por !p2, p1;
	[tilespmem:$0x10238] =	vst @!p1 v0  }
0x1bc: {  	[spmem:s2] =	stream.linear.scatter @!p1 [tilespmem:s0], [sflag:$0x1], $0x80, $0x38;
	[tilespmem:$0x1F6F8] =	vst v63  }
0x1bd: {  	s0 =	sshll.u32 @!p3 s9, $0x9  }
0x1be: {  	s0 =	sshra.s32 @!p3 s0, $0x2  }
0x1bf: {  	s2 =	simm.s32 @!p3 $0x80;
	s0 =	sadd.s32 @!p3 $0xF238, s0  }
0x1c0: {  	[spmem:s2] =	stream.linear.scatter @!p3 [tilespmem:s0], [sflag:$0x1], $0x80, $0x38;
	[tilespmem:$0x1F6F8] =	vst v63  }
0x1c1: {  	s0 =	simm.s32 @!p3 $0x1  }
0x1c2: {  	_ =	swait.ge @!p3 [sflag:s0], $0x100  }
0x1c3: {  	p1 =	por p2, p1;
	[sflag:s0] =	ssyncset.done @!p3 $0x0  }
0x1c4: {  	[sflag:s0] =	ssyncadd.s32 @!p3 $0xFFFFFF00;
	s0 =	simm.s32 @!p1 $0x1  }
0x1c5: {  	_ =	swait.ge @!p1 [sflag:s0], $0x80  }
0x1c6: {  	s29 =	simm.s32 $0x10238;
	[sflag:s0] =	ssyncset.done @!p1 $0x0  }
0x1c7: {  	s30 =	simm.s32 $0x1000;
	s31 =	simm.s32 $0x1;
	[sflag:s0] =	ssyncadd.s32 @!p1 $0xFFFFFF80  }
0x1c8: {  	[spmem:s30] =	stream.linear.scatter [tilespmem:s29], [sflag:$0x1], $0x10, $0x38;
	[tilespmem:$0x1F6F8] =	vst v63  }
0x1c9: {  	_ =	swait.ge [sflag:s31], $0x10  }
0x1ca: {  	[sflag:s31] =	ssyncset.done $0x0  }
0x1cb: {  	p1 =	seq.s32 s15, $0x0;
	s8 =	rddreg [dreg:$0x1];
	[sflag:s31] =	ssyncadd.s32 $0xFFFFFFF0  }
0x1cc: {  	s2 =	sshll.u32 @p1 s8, $0xE;
	s7 =	rddreg [dreg:$0x2]  }
0x1cd: {  	s0 =	sadd.s32 @p1 $0x15C3C, s2;
	s2 =	sshll.u32 @p1 s7, $0x11  }
0x1ce: {  	_ =	sfence.stream.spmem;
	s0 =	sor.u32 @p1 s2, s0  }
0x1cf: {  	[sflag:s0] =	ssyncadd.remote.s32 @p1 $0x1;
	s0 =	simm.s32 @p1 $0x4  }
0x1d0: {  	s3 =	simm.s32 @!p1 $0x3C;
	s2 =	sand.u32 $0xFFFFFFFE, s8;
	_ =	swait.ge @p1 [sflag:s0], $0x22  }
0x1d1: {  	s4 =	simm.s32 @!p1 $0x0;
	s2 =	sadd.s32 @!p1 $0x4, s2;
	[sflag:s0] =	ssyncset.done @p1 $0x0  }
0x1d2: {  	s5 =	simm.s32 @!p1 $0x100;
	[sflag:s0] =	ssyncadd.s32 @p1 $0xFFFFFFDE;
	s0 =	sshll.u32 @!p1 s2, $0x1A  }
0x1d3: {  	s2 =	sshll.u32 @!p1 s2, $0xD;
	s0 =	sor.u32 @!p1 s0, s7;
	_ =	swait.eq @!p1 [sflag:s3], $0x1  }
0x1d4: {  	s2 =	sor.u32 @!p1 $0x1C04, s2;
	s3 =	simm.s32 @!p1 $0x1C03;
	s0 =	sor.u32 @!p1 $0x80004000, s0  }
0x1d5: {  	[spmem:s5], [sflag:s2] =	dma.general @!p1 [spmem:s4], [sflag:s3], length:$0x20, [dreg:$0x0], stride_count:$0x0, ici_dest:s0, dma_misc:DstOpCode:WRITE  }
0x1d6: {  	p2 =	slt.s32 s9, $0x2;
	s4 =	simm.s32 @!p1 $0x200;
	s5 =	simm.s32 @!p1 $0x202  }
0x1d7: {  	[spmem:s5], [sflag:s2] =	dma.general @!p1 [spmem:s4], [sflag:s3], length:$0x2, [dreg:$0x0], stride_count:$0x0, ici_dest:s0, dma_misc:DstOpCode:WRITE  }
.Ltmp27:
0x1d8: {  	s0 =	simm.s32 @!p1 $0x3;
	(pc) =	sbr.rel @p2 .LBB2_38-.Ltmp27, $4  }
0x1d9: {  	s2 =	sshll.u32 @!p1 s8, $0xE;
	_ =	swait.ge @!p1 [sflag:s0], $0x22  }
0x1da: {  	s3 =	sshll.u32 @!p1 s7, $0x11;
	s2 =	sadd.s32 @!p1 $0x11C3C, s2;
	[sflag:s0] =	ssyncset.done @!p1 $0x0  }
0x1db: {  	[sflag:s0] =	ssyncadd.s32 @!p1 $0xFFFFFFDE;
	s0 =	sor.u32 @!p1 s3, s2  }
0x1dc: {  	[sflag:s0] =	ssyncadd.remote.s32 @!p1 $0xFFFFFFFF;
	s0 =	simm.s32 $0x0  }
0x1dd: {  	s0 =	simm.s32 $0xF219  }
0x1de: {  	v0 =	vld.msk [tilespmem:s0+$0x0], $0x1;
	_ =	sdelay $0x4  }
0x1df: {  	(v2sf) =	vpush v0, $0x0;
	_ =	sdelay $0xb  }
0x1e0: {  	s31 =	sadd.s32 $0xFFFFFFFE, s6  }
0x1e1: {  	s0 =	sadd.s32 $0xFFFFFFFF, s31  }
0x1e2: {  	p2 =	sne.s32 s0, $0x0  }
.Ltmp28:
0x1e3: {  	s2 =	spop (v2sf);
	(pc) =	sbr.rel @!p2 .LBB2_37-.Ltmp28, $4  }
0x1e4: {  	s4 =	simm.s32 $0xF2B8;
	s7 =	simm.s32 $0x0;
	p1 =	sgt.u32 s2, $0x752F0  }
0x1e5: {  	s5 =	simm.s32 $0x0;
	s6 =	simm.s32 $0xF21A;
	s3 =	sand.u32 @!p1 $0x7FFF8, s2  }
0x1e6: {  	s2 =	sand.u32 @!p1 $0x7, s2;
	s7 =	simm.s32 @!p1 $0x200;
	s3 =	sadd.s32 @!p1 s1, s3  }
0x1e7: {  	[hbm4b:s3+s2] =	stream.linear.scatter @!p1 [tilespmem:s4], [sflag:$0x5], $0x80, $0x38;
	[tilespmem:$0x1F6F8] =	vst v63  }
.LBB2_36:
0x1e8: {  	v0 =	vld.msk [tilespmem:s6+$0x0], $0x1;
	s0 =	sadd.s32 $0xFFFFFFFF, s0;
	s5 =	sadd.s32 s5, s7  }
0x1e9: {  	p1 =	sne.s32 s0, $0x0;
	_ =	sdelay $0x3  }
0x1ea: {  	(v2sf) =	vpush v0, $0x0;
	_ =	sdelay $0xe  }
.Ltmp29:
0x1eb: {  	s2 =	spop (v2sf);
	(pc) =	sbr.rel @p1 .LBB2_36-.Ltmp29, $4  }
0x1ec: {  	s7 =	simm.s32 $0x0;
	p2 =	sgt.u32 s2, $0x752F0  }
0x1ed: {  	s4 =	sadd.s32 $0x80, s4;
	s7 =	simm.s32 @!p2 $0x200;
	s3 =	sand.u32 @!p2 $0x7FFF8, s2  }
0x1ee: {  	s6 =	sadd.s32 $0x1, s6;
	s2 =	sand.u32 @!p2 $0x7, s2;
	s3 =	sadd.s32 @!p2 s1, s3  }
0x1ef: {  	[hbm4b:s3+s2] =	stream.linear.scatter @!p2 [tilespmem:s4], [sflag:$0x5], $0x80, $0x38;
	[tilespmem:$0x1F6F8] =	vst v63  }
.LBB2_37:
0x1f0: {  	s0 =	sadd.s32 s5, s7  }
0x1f1: {  	s0 =	sshrl.u32 s0, $0x2  }
.LBB2_38:
0x1f2: {  	s2 =	simm.s32 $0x5  }
0x1f3: {  	_ =	swait.ge [sflag:s2], s0  }
0x1f4: {  	s31 =	ssub.s32 $0x0, s0;
	[sflag:s2] =	ssyncset.done $0x0  }
0x1f5: {  	[sflag:s2] =	ssyncadd.s32 s31  }
0x1f6: {  	[sflag:s2] =	ssyncpa.u1 $0x1  }
.LBB2_39:
0x1f7: {  	s0 =	sor.u32 s15, s16  }
0x1f8: {  	p1 =	sne.s32 s0, $0x0  }
.Ltmp30:
0x1f9: {  	_ = 	snop;
	(pc) =	sbr.rel @p1 .LBB2_54-.Ltmp30, $3  }
0x1fa: {  	_ =	sdelay $0x1  }
0x1fb: {  	[bflag:$0x0] =	sbarrier.arrive $0xFFFF  }
0x1fc: {  	_ =	sfence  }
0x1fd: {  	s0 =	simm.s32 $0x7  }
0x1fe: {  	s2 =	simm.s32 $0x1000;
	s3 =	simm.s32 $0xF218;
	[sflag:s0] =	ssyncpa.u1 $0x0  }
0x1ff: {  	[tilespmem:s3], [sflag:$0x7] =	stream.linear.gather [spmem:s2], $0x20, $0x38;
	[tilespmem:$0x1F6F8] =	vst v63  }
0x200: {  	s30 =	simm.s32 $0xF238;
	s2 =	simm.s32 $0x0  }
0x201: {  	[tilespmem:s30], [sflag:$0x7] =	stream.linear.gather [spmem:s2], $0x1000, $0x38;
	[tilespmem:$0x1F6F8] =	vst v63  }
.Ltmp31:
0x202: {  	_ = 	snop;
	(pc) =	sbr.rel .LBB2_41-.Ltmp31, $4  }
0x203: {  	_ =	swait.ge [sflag:s0], $0x1020  }
0x204: {  	[sflag:s0] =	ssyncset.done $0x0  }
0x205: {  	s31 =	simm.s32 $0x8;
	[sflag:s0] =	ssyncadd.s32 $0xFFFFEFE0  }
0x206: {  	s3 =	simm.s32 $0x0;
	[sflag:s31] =	ssyncpa.u1 $0x0  }
.LBB2_47:
0x207: {  	p1 =	slt.u32 s4, $0x752F1  }
0x208: {  	s0 =	sand.u32 @p1 $0x7FFF8, s4  }
0x209: {  	s4 =	sand.u32 @p1 $0x7, s4;
	s5 =	simm.s32 @p1 $0xF188;
	s0 =	sadd.s32 @p1 s1, s0  }
0x20a: {  	[tilespmem:s5], [sflag:$0x8] =	stream.linear.gather @p1 [hbm4b:s0+s4], $0x80, $0x38;
	[tilespmem:$0x1F6F8] =	vst v63  }
0x20b: {  	s0 =	simm.s32 @p1 $0x8  }
0x20c: {  	_ =	swait.ge @p1 [sflag:s0], $0x80  }
0x20d: {  	[sflag:s0] =	ssyncset.done @p1 $0x0  }
0x20e: {  	[sflag:s0] =	ssyncadd.s32 @p1 $0xFFFFFF80  }
0x20f: {  	v1 =	vld @p1 [tilespmem:$0xF188];
	_ =	sdelay $0x2  }
0x210: {  	s0 =	sshll.u32 @p1 s3, $0x9  }
0x211: {  	s4 =	sshrl.u32 @p1 s0, $0x2  }
0x212: {  	[tilespmem:s4+$0xF238] =	vst.add.f32.msk @p1 $0xffff, v1  }
0x213: {  	v1 =	vld @p1 [tilespmem:$0xF198];
	_ =	sdelay $0x4  }
0x214: {  	[tilespmem:s4+$0xF248] =	vst.add.f32.msk @p1 $0xffff, v1  }
0x215: {  	v1 =	vld @p1 [tilespmem:$0xF1A8];
	_ =	sdelay $0x4  }
0x216: {  	[tilespmem:s4+$0xF258] =	vst.add.f32.msk @p1 $0xffff, v1  }
0x217: {  	v1 =	vld @p1 [tilespmem:$0xF1B8];
	_ =	sdelay $0x4  }
0x218: {  	[tilespmem:s4+$0xF268] =	vst.add.f32.msk @p1 $0xffff, v1  }
0x219: {  	v1 =	vld @p1 [tilespmem:$0xF1C8];
	_ =	sdelay $0x4  }
0x21a: {  	[tilespmem:s4+$0xF278] =	vst.add.f32.msk @p1 $0xffff, v1  }
0x21b: {  	v1 =	vld @p1 [tilespmem:$0xF1D8];
	_ =	sdelay $0x4  }
0x21c: {  	[tilespmem:s4+$0xF288] =	vst.add.f32.msk @p1 $0xffff, v1  }
0x21d: {  	v1 =	vld @p1 [tilespmem:$0xF1E8];
	_ =	sdelay $0x4  }
0x21e: {  	[tilespmem:s4+$0xF298] =	vst.add.f32.msk @p1 $0xffff, v1  }
0x21f: {  	v1 =	vld @p1 [tilespmem:$0xF1F8];
	_ =	sdelay $0x3  }
0x220: {  	s5 =	sshll.u32 @!p1 s3, $0x9  }
0x221: {  	s5 =	smov.u32 @p1 s0;
	[tilespmem:s4+$0xF2A8] =	vst.add.f32.msk @p1 $0xffff, v1  }
0x222: {  	s0 =	sshrl.u32 s5, $0x2;
	[tilespmem:s2+$0xF218] =	vst.msk $0x1, v0  }
0x223: {  	v0 =	vld [tilespmem:s0+$0xF238];
	_ =	sdelay $0x2  }
0x224: {  	s31 =	sshll.u32 s2, $0x9  }
0x225: {  	s4 =	sshra.s32 s31, $0x2  }
0x226: {  	[tilespmem:s4+$0xF238] =	vst v0  }
0x227: {  	v0 =	vld [tilespmem:s0+$0xF248];
	_ =	sdelay $0x4  }
0x228: {  	[tilespmem:s4+$0xF248] =	vst v0  }
0x229: {  	v0 =	vld [tilespmem:s0+$0xF258];
	_ =	sdelay $0x4  }
0x22a: {  	[tilespmem:s4+$0xF258] =	vst v0  }
0x22b: {  	v0 =	vld [tilespmem:s0+$0xF268];
	_ =	sdelay $0x4  }
0x22c: {  	[tilespmem:s4+$0xF268] =	vst v0  }
0x22d: {  	v0 =	vld [tilespmem:s0+$0xF278];
	_ =	sdelay $0x4  }
0x22e: {  	[tilespmem:s4+$0xF278] =	vst v0  }
0x22f: {  	v0 =	vld [tilespmem:s0+$0xF288];
	_ =	sdelay $0x4  }
0x230: {  	[tilespmem:s4+$0xF288] =	vst v0  }
0x231: {  	v0 =	vld [tilespmem:s0+$0xF298];
	_ =	sdelay $0x4  }
0x232: {  	[tilespmem:s4+$0xF298] =	vst v0  }
0x233: {  	v0 =	vld [tilespmem:s0+$0xF2A8];
	_ =	sdelay $0x4  }
0x234: {  	s2 =	sadd.s32 $0x1, s2;
	[tilespmem:s4+$0xF2A8] =	vst v0  }
.LBB2_48:
0x235: {  	s3 =	sadd.s32 $0x1, s3  }
0x236: {  	p1 =	sne.s32 s3, $0x20  }
.Ltmp32:
0x237: {  	_ = 	snop;
	(pc) =	sbr.rel @!p1 .LBB2_49-.Ltmp32, $1  }
0x238: {  	_ =	sdelay $0x3  }
.LBB2_41:
0x239: {  	v0 =	vld.msk [tilespmem:s3+$0xF218], $0x1;
	_ =	sdelay $0x4  }
0x23a: {  	(v2sf) =	vpush v0, $0x0;
	_ =	sdelay $0xe  }
0x23b: {  	s4 =	spop (v2sf)  }
0x23c: {  	p1 =	seq.s32 s4, $0xFFFFFFFF  }
.Ltmp33:
0x23d: {  	_ = 	snop;
	(pc) =	sbr.rel @p1 .LBB2_48-.Ltmp33, $1  }
0x23e: {  	_ =	sdelay $0x3  }
0x23f: {  	p1 =	slt.s32 s2, $0x1  }
.Ltmp34:
0x240: {  	_ = 	snop;
	(pc) =	sbr.rel @p1 .LBB2_47-.Ltmp34, $1  }
0x241: {  	_ =	sdelay $0x3  }
0x242: {  	s5 =	simm.s32 $0xF218;
	p1 =	por $0x0, $0x0  }
0x243: {  	v1 =	vld.msk @!p1 [tilespmem:s5+$0x0], $0x1;
	_ =	sdelay $0x4  }
0x244: {  	(v2sf) =	vpush @!p1 v1, $0x0;
	_ =	sdelay $0xd  }
0x245: {  	p3 =	sne.s32 s2, $0x1  }
.Ltmp35:
0x246: {  	s0 =	spop @!p1 (v2sf);
	(pc) =	sbr.rel @!p3 .LBB2_45-.Ltmp35, $4  }
0x247: {  	p2 =	seq.s32 @!p1 s4, s0  }
0x248: {  	s6 =	simm.s32 $0x0;
	p2 =	por !p2, p1  }
0x249: {  	s7 =	simm.s32 $0xFFFFFFFF;
	s6 =	simm.s32 @p2 $0xFFFFFFFF  }
0x24a: {  	s0 =	simm.s32 $0x1;
	s6 =	smov.u32 @p1 s7  }
.LBB2_44:
0x24b: {  	s7 =	smov.u32 s6;
	p1 =	sne.s32 s6, $0xFFFFFFFF  }
0x24c: {  	s5 =	sadd.s32 $0x1, s5;
	s6 =	smov.u32 s0;
	s0 =	sadd.s32 $0x1, s0  }
0x24d: {  	p2 =	sne.s32 s2, s0;
	v1 =	vld.msk @!p1 [tilespmem:s5+$0x0], $0x1;
	_ =	sdelay $0x4  }
0x24e: {  	(v2sf) =	vpush @!p1 v1, $0x0;
	_ =	sdelay $0xe  }
.Ltmp36:
0x24f: {  	s8 =	spop @!p1 (v2sf);
	(pc) =	sbr.rel @p2 .LBB2_44-.Ltmp36, $4  }
0x250: {  	p3 =	seq.s32 @!p1 s4, s8  }
0x251: {  	p3 =	por !p3, p1  }
0x252: {  	s6 =	simm.s32 @p3 $0xFFFFFFFF  }
0x253: {  	s6 =	smov.u32 @p1 s7  }
.LBB2_45:
0x254: {  	p1 =	seq.s32 s6, $0xFFFFFFFF  }
.Ltmp37:
0x255: {  	_ = 	snop;
	(pc) =	sbr.rel @p1 .LBB2_47-.Ltmp37, $1  }
0x256: {  	_ =	sdelay $0x3  }
0x257: {  	s0 =	sshll.u32 s3, $0x7  }
0x258: {  	s0 =	sand.u32 $0x3FFFFF80, s0  }
0x259: {  	v0 =	vld [tilespmem:s0+$0xF238];
	_ =	sdelay $0x2  }
0x25a: {  	s4 =	sshll.u32 s6, $0x9  }
0x25b: {  	s4 =	sshra.s32 s4, $0x2  }
0x25c: {  	[tilespmem:s4+$0xF238] =	vst.add.f32.msk $0xffff, v0  }
0x25d: {  	v0 =	vld [tilespmem:s0+$0xF248];
	_ =	sdelay $0x4  }
0x25e: {  	[tilespmem:s4+$0xF248] =	vst.add.f32.msk $0xffff, v0  }
0x25f: {  	v0 =	vld [tilespmem:s0+$0xF258];
	_ =	sdelay $0x4  }
0x260: {  	[tilespmem:s4+$0xF258] =	vst.add.f32.msk $0xffff, v0  }
0x261: {  	v0 =	vld [tilespmem:s0+$0xF268];
	_ =	sdelay $0x4  }
0x262: {  	[tilespmem:s4+$0xF268] =	vst.add.f32.msk $0xffff, v0  }
0x263: {  	v0 =	vld [tilespmem:s0+$0xF278];
	_ =	sdelay $0x4  }
0x264: {  	[tilespmem:s4+$0xF278] =	vst.add.f32.msk $0xffff, v0  }
0x265: {  	v0 =	vld [tilespmem:s0+$0xF288];
	_ =	sdelay $0x4  }
0x266: {  	[tilespmem:s4+$0xF288] =	vst.add.f32.msk $0xffff, v0  }
0x267: {  	v0 =	vld [tilespmem:s0+$0xF298];
	_ =	sdelay $0x4  }
0x268: {  	[tilespmem:s4+$0xF298] =	vst.add.f32.msk $0xffff, v0  }
0x269: {  	v0 =	vld [tilespmem:s0+$0xF2A8]  }
.Ltmp38:
0x26a: {  	_ = 	snop;
	(pc) =	sbr.rel .LBB2_48-.Ltmp38, $2  }
0x26b: {  	_ =	sdelay $0x2  }
0x26c: {  	[tilespmem:s4+$0xF2A8] =	vst.add.f32.msk $0xffff, v0  }
.LBB2_49:
0x26d: {  	p1 =	slt.s32 s2, $0x1  }
.Ltmp39:
0x26e: {  	_ = 	snop;
	(pc) =	sbr.rel @p1 .LBB2_53-.Ltmp39, $3  }
0x26f: {  	_ =	sdelay $0x1  }
0x270: {  	s0 =	simm.s32 $0x8  }
0x271: {  	s3 =	simm.s32 $0x0;
	[sflag:s0] =	ssyncpa.u1 $0x1  }
0x272: {  	s0 =	simm.s32 $0xF218  }
0x273: {  	v0 =	vld.msk [tilespmem:s0+$0x0], $0x1;
	_ =	sdelay $0x4  }
0x274: {  	(v2sf) =	vpush v0, $0x0;
	_ =	sdelay $0xe  }
0x275: {  	s0 =	sadd.s32 $0xFFFFFFFF, s2;
	s5 =	spop (v2sf)  }
0x276: {  	p2 =	sne.s32 s0, $0x0;
	p1 =	sgt.u32 s5, $0x752F0  }
.Ltmp40:
0x277: {  	s6 =	sand.u32 @!p1 $0x7FFF8, s5;
	(pc) =	sbr.rel @!p2 .LBB2_52-.Ltmp40, $4  }
0x278: {  	s4 =	simm.s32 $0xF238;
	s5 =	sand.u32 @!p1 $0x7, s5;
	s2 =	sadd.s32 @!p1 s1, s6  }
0x279: {  	[hbm4b:s2+s5] =	stream.linear.scatter @!p1 [tilespmem:s4], [sflag:$0x7], $0x80, $0x38;
	[tilespmem:$0x1F6F8] =	vst v63  }
0x27a: {  	s5 =	simm.s32 $0x0  }
0x27b: {  	s2 =	simm.s32 $0xF219;
	s5 =	simm.s32 @!p1 $0x200  }
.LBB2_51:
0x27c: {  	v0 =	vld.msk [tilespmem:s2+$0x0], $0x1;
	s0 =	sadd.s32 $0xFFFFFFFF, s0;
	s3 =	sadd.s32 s3, s5  }
0x27d: {  	p1 =	sne.s32 s0, $0x0;
	_ =	sdelay $0x3  }
0x27e: {  	(v2sf) =	vpush v0, $0x0;
	_ =	sdelay $0xe  }
.Ltmp41:
0x27f: {  	s6 =	spop (v2sf);
	(pc) =	sbr.rel @p1 .LBB2_51-.Ltmp41, $4  }
0x280: {  	s5 =	simm.s32 $0x0;
	p2 =	sgt.u32 s6, $0x752F0  }
0x281: {  	s4 =	sadd.s32 $0x80, s4;
	s5 =	simm.s32 @!p2 $0x200;
	s7 =	sand.u32 @!p2 $0x7FFF8, s6  }
0x282: {  	s2 =	sadd.s32 $0x1, s2;
	s6 =	sand.u32 @!p2 $0x7, s6;
	s7 =	sadd.s32 @!p2 s1, s7  }
0x283: {  	[hbm4b:s7+s6] =	stream.linear.scatter @!p2 [tilespmem:s4], [sflag:$0x7], $0x80, $0x38;
	[tilespmem:$0x1F6F8] =	vst v63  }
.LBB2_52:
0x284: {  	s0 =	sadd.s32 s3, s5  }
0x285: {  	s3 =	sshrl.u32 s0, $0x2  }
.LBB2_53:
0x286: {  	s0 =	simm.s32 $0x7  }
0x287: {  	_ =	swait.ge [sflag:s0], s3  }
0x288: {  	s1 =	ssub.s32 $0x0, s3;
	[sflag:s0] =	ssyncset.done $0x0  }
0x289: {  	[sflag:s0] =	ssyncadd.s32 s1  }
0x28a: {  	[sflag:s0] =	ssyncpa.u1 $0x1  }
.LBB2_54:
0x28b: {  	_ =	sfence;
	s0 =	simm.s32 $0x1  }
0x28c: {  	[sflag:s0] =	ssyncpa.u1 $0x1  }
0x28d: {  	_ =	strace $0x90000050  }
0x28e: {  	[bflag:$0x2] =	sbarrier.arrive $0xFFFF  }
0x28f: {  	s0 =	rddreg [dreg:$0x3]  }
0x290: {  	s0 =	sadd.s32 @!p0 $0x100000, s0  }
0x291: {  	[sflag:s0] =	ssyncadd.tile.s32 @!p0 $0x1;
	_ =	shalt  }
.Lfunc_end2:
_tile_overlayer_lowered:
.L_overlay_start_2:
0x292: {  	(tag) =	ssettag $0x2  }
0x293: {  	s0 =	rddreg [dreg:$0x0];
	s2 =	stileid.u32  }
0x294: {  	s1 =	rddreg [dreg:$0x1];
	p0 =	sne.s32 s2, $0x0  }
0x295: {  	s3 =	rddreg [dreg:$0x2];
	[bflag:$0x3] =	sbarrier.arrive $0xFFFF;
	s2 =	simm.s32 @!p0 $0x1C01  }
0x296: {  	[timem:s3], [sflag:s2] =	dma.local @!p0 [hbm:s0], s1  }
0x297: {  	s0 =	simm.s32 @!p0 $0x1  }
0x298: {  	_ =	swait.ge @!p0 [sflag:s0], s1  }
0x299: {  	s1 =	ssub.s32 @!p0 $0x0, s1;
	[sflag:s0] =	ssyncset.done @!p0 $0x0  }
0x29a: {  	[sflag:s0] =	ssyncadd.s32 @!p0 s1  }
0x29b: {  	[bflag:$0x3] =	sbarrier.arrive $0xFFFF  }
0x29c: {  	_ =	shalt  }

// kernel: scatter_offload_async_start
scs
__scs_entry_jumppad:
0x0: {  	(pc) =	sbr.rel $0x88, $3  }
0x1: {  	(tag) =	ssettag $0x0;
	lr =	simm.s32 $0x1  }
0x2: {  	[smem:$0x3F86] =	sst lr;
	_ =	strace $0xD0000000  }
0x3: {  	_ = 	snop  }
0x4: {  	_ = 	snop  }
0x5: {  	_ = 	snop  }
0x6: {  	_ = 	snop  }
0x7: {  	_ = 	snop  }
__scs_overlays_trampoline_lowered:
0x8: {  	[smem:$0x3F95] =	sst s0  }
0x9: {  	[smem:$0x3F96] =	sst s1  }
0xa: {  	[smem:$0x3F97] =	sst s2  }
0xb: {  	[smem:$0x3F98] =	sst s3  }
0xc: {  	[smem:$0x3F99] =	sst s4  }
0xd: {  	[smem:$0x3F9A] =	sst s5  }
0xe: {  	[smem:$0x3F9B] =	sst s6  }
0xf: {  	[smem:$0x3F9C] =	sst s7  }
0x10: {  	[smem:$0x3F9D] =	sst s8  }
0x11: {  	[smem:$0x3F9E] =	sst s9;
	s0 =	simm.s32 @!p0 $0x0  }
0x12: {  	s1 =	sld [smem:$0x3F84];
	s0 =	simm.s32 @p0 $0x1  }
0x13: {  	[smem:$0x3F9F] =	sst s0;
	s0 =	simm.s32 @!p1 $0x0  }
0x14: {  	s2 =	sld [smem:$0x3F83];
	s0 =	simm.s32 @p1 $0x1  }
0x15: {  	[smem:$0x3FA0] =	sst s0;
	s0 =	simm.s32 @!p2 $0x0  }
0x16: {  	s3 =	sld [smem:$0x3FDB];
	s0 =	simm.s32 @p2 $0x1  }
0x17: {  	s4 =	simm.s32 $0x1BF5;
	[smem:$0x3FA2] =	sst s0  }
0x18: {  	s0 =	sld [smem:$0x3F85];
	_ =	swait.ge [sflag:s4], $0x0  }
0x19: {  	s7 =	sld [smem:$0x3F86]  }
0x1a: {  	s8 =	sadd.s32 $0xFFFFE003, lr  }
0x1b: {  	s9 =	sadd.s32 $0xFFFFFEF7, lr;
	s5 =	simm.s32 $0xFFFFFFFF;
	p2 =	slt.u32 s8, $0xFFFFF086  }
0x1c: {  	p1 =	slt.u32 s9, $0xF7A;
	s5 =	simm.s32 @!p2 $0x0  }
0x1d: {  	s5 =	simm.s32 @p1 $0x1;
	p0 =	seq.s32 s7, s2  }
0x1e: {  	s7 =	smul.u32 @!p0 $0xF7A, s2;
	p2 =	seq.s32 @!p0 s5, $0x0  }
0x1f: {  	s9 =	smul.u32 $0xF7A, s1;
	s8 =	simm.s32 @!p0 $0x1BF5;
	p2 =	por !p2, p0  }
0x20: {  	[sflag:s8] =	ssyncset.s32 @!p0 $0xFFFFF086;
	s6 =	sadd.s32 @!p0 s3, s7;
	s7 =	simm.s32 @!p0 $0x108  }
0x21: {  	s3 =	sadd.s32 s3, s9;
	s6 =	sadd.s32 @!p0 $0x88, s6;
	s7 =	simm.s32 @p2 $0x1082  }
0x22: {  	[simem:s7], [sflag:s8] =	dma.local @!p0 [hbm:s6], $0xF7A  }
0x23: {  	s9 =	sor.u32 $0xD0000000, s2;
	s6 =	simm.s32 $0x108;
	_ =	swait.ge @!p0 [sflag:s8], $0x0  }
0x24: {  	s3 =	sadd.s32 $0x88, s3;
	s6 =	simm.s32 @!p1 $0x1082;
	[sflag:s4] =	ssyncset.s32 $0xFFFFF086  }
0x25: {  	[simem:s6], [sflag:s4] =	dma.local [hbm:s3], $0xF7A  }
0x26: {  	[smem:$0x3F86] =	sst s1;
	(tag) =	ssettag s2;
	_ =	strace s9  }
0x27: {  	s1 =	sld [smem:$0x3F96]  }
0x28: {  	s2 =	sld [smem:$0x3F97]  }
0x29: {  	s4 =	sld [smem:$0x3F99]  }
0x2a: {  	p0 =	seq.s32 s5, $0x0;
	s5 =	sld [smem:$0x3F9A]  }
0x2b: {  	s6 =	sld [smem:$0x3F9B]  }
0x2c: {  	s7 =	sld [smem:$0x3F9C]  }
0x2d: {  	s3 =	simm.s32 $0x108;
	s8 =	sld [smem:$0x3F9D]  }
0x2e: {  	s3 =	simm.s32 @!p0 $0x1082;
	s9 =	sld [smem:$0x3F9E]  }
0x2f: {  	lr =	sadd.s32 s0, s3;
	s0 =	sld [smem:$0x3F95]  }
0x30: {  	s3 =	sld [smem:$0x3F98]  }
0x31: {  	[smem:$0x3FA1] =	sst s10  }
0x32: {  	s10 =	sld [smem:$0x3F9F];
	_ =	sdelay $0x3  }
0x33: {  	p0 =	seq.s32 s10, $0x1;
	s10 =	sld [smem:$0x3FA1];
	_ =	sdelay $0x3  }
0x34: {  	[smem:$0x3FA1] =	sst s10  }
0x35: {  	s10 =	sld [smem:$0x3FA0];
	_ =	sdelay $0x3  }
0x36: {  	p1 =	seq.s32 s10, $0x1;
	s10 =	sld [smem:$0x3FA1];
	_ =	sdelay $0x3  }
0x37: {  	[smem:$0x3FA1] =	sst s10  }
0x38: {  	s10 =	sld [smem:$0x3FA2]  }
0x39: {  	_ = 	snop;
	(pc) =	sbr.ind lr, $3  }
0x3a: {  	_ = 	snop  }
0x3b: {  	_ = 	snop  }
0x3c: {  	p2 =	seq.s32 s10, $0x1;
	s10 =	sld [smem:$0x3FA1]  }
0x3d: {  	_ =	shalt  }
0x3e: {  	_ =	shalt  }
0x3f: {  	_ =	shalt  }
0x40: {  	_ =	shalt  }
0x41: {  	_ =	shalt  }
0x42: {  	_ =	shalt  }
0x43: {  	_ =	shalt  }
0x44: {  	_ =	shalt  }
0x45: {  	_ =	shalt  }
0x46: {  	_ =	shalt  }
0x47: {  	_ =	shalt  }
0x48: {  	_ =	shalt  }
0x49: {  	_ =	shalt  }
0x4a: {  	_ =	shalt  }
0x4b: {  	_ =	shalt  }
0x4c: {  	_ =	shalt  }
0x4d: {  	_ =	shalt  }
0x4e: {  	_ =	shalt  }
0x4f: {  	_ =	shalt  }
0x50: {  	_ =	shalt  }
0x51: {  	_ =	shalt  }
0x52: {  	_ =	shalt  }
0x53: {  	_ =	shalt  }
0x54: {  	_ =	shalt  }
0x55: {  	_ =	shalt  }
0x56: {  	_ =	shalt  }
0x57: {  	_ =	shalt  }
0x58: {  	_ =	shalt  }
0x59: {  	_ =	shalt  }
0x5a: {  	_ =	shalt  }
0x5b: {  	_ =	shalt  }
0x5c: {  	_ =	shalt  }
0x5d: {  	_ =	shalt  }
0x5e: {  	_ =	shalt  }
0x5f: {  	_ =	shalt  }
0x60: {  	_ =	shalt  }
0x61: {  	_ =	shalt  }
0x62: {  	_ =	shalt  }
0x63: {  	_ =	shalt  }
0x64: {  	_ =	shalt  }
0x65: {  	_ =	shalt  }
0x66: {  	_ =	shalt  }
0x67: {  	_ =	shalt  }
0x68: {  	_ =	shalt  }
0x69: {  	_ =	shalt  }
0x6a: {  	_ =	shalt  }
0x6b: {  	_ =	shalt  }
0x6c: {  	_ =	shalt  }
0x6d: {  	_ =	shalt  }
0x6e: {  	_ =	shalt  }
0x6f: {  	_ =	shalt  }
0x70: {  	_ =	shalt  }
0x71: {  	_ =	shalt  }
0x72: {  	_ =	shalt  }
0x73: {  	_ =	shalt  }
0x74: {  	_ =	shalt  }
0x75: {  	_ =	shalt  }
0x76: {  	_ =	shalt  }
0x77: {  	_ =	shalt  }
0x78: {  	_ =	shalt  }
0x79: {  	_ =	shalt  }
0x7a: {  	_ =	shalt  }
0x7b: {  	_ =	shalt  }
0x7c: {  	_ =	shalt  }
0x7d: {  	_ =	shalt  }
0x7e: {  	_ =	shalt  }
0x7f: {  	_ =	shalt  }
0x80: {  	_ =	shalt  }
0x81: {  	_ =	shalt  }
0x82: {  	_ =	shalt  }
0x83: {  	_ =	shalt  }
0x84: {  	_ =	shalt  }
0x85: {  	_ =	shalt  }
0x86: {  	_ =	shalt  }
0x87: {  	_ =	shalt  }
.Lfunc_end0:
.L_simem_size_0:
called_computation_lowered:
.L_overlay_start_0:
0x88: {  	s0 =	sld [smem:$0x3FD9]  }
0x89: {  	s1 =	sld [smem:$0x3FFE];
	_ =	sdelay $0x3  }
0x8a: {  	s0 =	sadd.s32 s1, s0  }
0x8b: {  	[smem:$0x3FAD] =	sst s0  }
0x8c: {  	_ = 	snop  }
0x8d: {  	(tm) =	ssettm $0x1  }
0x8e: {  	s15 =	sld [smem:$0x3FFB];
	_ =	sdelay $0x3  }
0x8f: {  	_ =	strace s15  }
0x90: {  	s0 =	sld [smem:$0x3FFC];
	_ =	sdelay $0x3  }
0x91: {  	_ =	strace s0  }
0x92: {  	s0 =	sld [smem:$0x3FFD];
	_ =	sdelay $0x3  }
0x93: {  	_ =	strace s0  }
0x94: {  	_ =	strace $0x8FFFFFFF  }
0x95: {  	s16 =	sld [smem:$0x3FDB];
	_ =	sdelay $0x1  }
0x96: {  	s17 =	simm.s32 $_scs_section_size  }
0x97: {  	s2 =	simm.s32 $_size__tile_overlayer_lowered;
	s3 =	simm.s32 $_tile_overlayer_lowered  }
0x98: {  	s20 =	simm.s32 $0x1BFF;
	s19 =	sshll.u32 s3, $0x1;
	s0 =	sadd.s32 s17, s16  }
0x99: {  	s4 =	simm.s32 $0x0;
	s18 =	sshll.u32 s2, $0x1;
	s2 =	sadd.s32 s19, s0  }
0x9a: {  	[timem:s4], [sflag:s20] =	dma.local [hbm:s2], s18  }
0x9b: {  	_ =	swait.ge [sflag:s20], s18  }
0x9c: {  	s1 =	ssub.s32 $0x0, s18;
	[sflag:s20] =	ssyncset.done $0x0  }
0x9d: {  	[sflag:s20] =	ssyncadd.s32 s1;
	_ =	sdelay $0x1  }
0x9e: {  	s21 =	simm.s32 $0x1B8B  }
0x9f: {  	_ =	swait.ge [sflag:s21], $0x1  }
0xa0: {  	[sflag:s21] =	ssyncset.done $0x0  }
0xa1: {  	s23 =	simm.s32 $0x1B8E;
	s22 =	sld [smem:$0x3FFE];
	[sflag:s21] =	ssyncadd.s32 $0xFFFFFFFF  }
0xa2: {  	s24 =	simm.s32 $execute0_lowered;
	[smem:$0x3FD2] =	sst s23  }
0xa3: {  	s2 =	sshll.u32 s24, $0x1;
	_ =	strace $0x80000046;
	[dreg:$0x1] =	wrdreg $0xFFFFFFFF  }
0xa4: {  	s25 =	simm.s32 $_size_execute0_lowered;
	s0 =	sadd.s32 s0, s2;
	[dreg:$0x0] =	wrdreg $0x0  }
0xa5: {  	s2 =	sshll.u32 s25, $0x1;
	[dreg:$0x2] =	wrdreg s0  }
0xa6: {  	[dreg:$0x3] =	wrdreg s2  }
0xa7: {  	[dreg:$0x4] =	wrdreg $0xC0  }
0xa8: {  	_ =	task [dreg:s4], $0x5FFFF  }
0xa9: {  	[dreg:$0x1] =	wrdreg $0xFFFFFFFF  }
0xaa: {  	[dreg:$0x0] =	wrdreg $0x60  }
0xab: {  	[dreg:$0x2] =	wrdreg s22  }
0xac: {  	[dreg:$0x3] =	wrdreg $0x9  }
0xad: {  	_ =	task.clear_ibuf [dreg:s4], $0x4FFFF;
	_ =	strace $0x90000046  }
0xae: {  	s26 =	simm.s32 $0x9;
	_ =	strace $0x80000048  }
0xaf: {  	_ =	swait.ge [sflag:s26], $0x1  }
0xb0: {  	[sflag:s26] =	ssyncadd.s32 $0xFFFFFFFF  }
0xb1: {  	_ =	strace $0x90000048  }
0xb2: {  	_ =	sfence  }
0xb3: {  	s28 =	sld [smem:$0x0];
	_ =	sdelay $0x1  }
0xb4: {  	s29 =	srdreg.scid  }
0xb5: {  	s30 =	sshll.u32 s29, $0xD;
	s31 =	sshrl.u32 s29, $0x2  }
0xb6: {  	s1 =	sand.u32 $0x1, s29;
	s2 =	sand.u32 $0x4000, s30;
	s0 =	sadd.s32 s31, s28  }
0xb7: {  	s1 =	sor.u32 s2, s1;
	s0 =	sshll.u32 s0, $0x11  }
0xb8: {  	s0 =	sor.u32 s0, s1  }
0xb9: {  	s0 =	sadd.s32 $0x8F2B, s0  }
0xba: {  	[sflag:s0] =	ssyncadd.remote.s32 $0x1  }
0xbb: {  	_ =	sfence.sel $0xFFFF  }
0xbc: {  	[dreg:$0x0] =	wrdreg $0xFFFFFFFF;
	(pc) =	sbr.abs _section_cstart, $3  }
0xbd: {  	[dreg:$0x1] =	wrdreg $0xFFFFFFFF  }
0xbe: {  	_ =	task.clear_ibuf [dreg:s4], $0x2FFFF;
	_ =	strace $0x9FFFFFFF  }
0xbf: {  	(tm) =	ssettm $0x7FFFFFFF  }
tec
execute0_lowered:
.L_overlay_start_1:
0x0: {  	(tag) =	ssettag $0x1  }
0x1: {  	s0 =	rddreg [dreg:$0x0];
	s14 =	stileid.u32  }
0x2: {  	_ =	strace $0x80000047;
	s2 =	simm.s32 $0x1;
	s1 =	smul.u32 $0x3, s14  }
0x3: {  	v1 =	vimm.s32 $0xFFFFFFFF;
	s3 =	smin.u32 s14, $0xC;
	[sflag:s2] =	ssyncpa.u1 $0x0  }
0x4: {  	[tilespmem:$0x10] =	vst v1;
	s1 =	sadd.s32 s3, s1  }
0x5: {  	v0 =	vimm.f32 $0.0e+00;
	p0 =	slt.u32 s14, $0xC;
	[tilespmem:$0x20] =	vst v1;
	s3 =	smul.u32 $0x1F40, s1;
	s1 =	simm.s32 $0x7D00  }
0x6: {  	[tilespmem:$0x30] =	vst v0;
	s1 =	simm.s32 @!p0 $0x5DC0  }
0x7: {  	[tilespmem:$0x40] =	vst v0;
	s1 =	sadd.s32 s1, s3  }
0x8: {  	[tilespmem:$0x50] =	vst v0;
	s4 =	smin.u32 s1, $0x75300  }
0x9: {  	[tilespmem:$0x60] =	vst v1;
	s9 =	ssub.s32 s4, s3  }
0xa: {  	s7 =	simm.s32 $0x2;
	s8 =	simm.s32 $0x8;
	[tilespmem:$0x70] =	vst v1;
	p0 =	sgt.s32 s9, $0x0  }
0xb: {  	s31 =	simm.s32 $0x9;
	s16 =	simm.s32 $0x0;
	[tilespmem:$0x80] =	vst v1;
	s9 =	simm.s32 @!p0 $0x0  }
0xc: {  	s17 =	simm.s32 $0xF0;
	s18 =	simm.s32 $0xFFFFFFFF;
	v1 =	vimm.s32 $0x0;
	[tilespmem:$0xB0] =	vst v0;
	s5 =	smulhi.u32 $0x10624DD3, s9  }
0xd: {  	s19 =	simm.s32 $0xFFFFC280;
	s20 =	simm.s32 $0xFFFFFFFE;
	s21 =	simm.s32 $0xF;
	[tilespmem:$0x90] =	vst v1  }
0xe: {  	[tilespmem:$0xA0] =	vst v1;
	[sflag:s7] =	ssyncpa.u1 $0x0;
	s7 =	simm.s32 $0x7;
	s10 =	sshrl.u32 s5, $0x9  }
0xf: {  	s25 =	simm.s32 $0x0;
	[sflag:s7] =	ssyncpa.u1 $0x0;
	s11 =	smul.u32 $0x1F40, s10  }
0x10: {  	s24 =	simm.s32 $0x0;
	s6 =	sadd.s32 $0x1F600, s0;
	[sflag:s8] =	ssyncpa.u1 $0x0  }
.Ltmp0:
0x11: {  	[sflag:s31] =	ssyncpa.u1 $0x0;
	p0 =	sne.s32 s9, s11;
	(pc) =	sbr.rel .LBB2_1-.Ltmp0, $4  }
0x12: {  	s23 =	smov.u32 s3;
	s1 =	sadd.s32 $0x4BA00, s0;
	s2 =	simm.s32 @!p0 $0x0  }
0x13: {  	s5 =	sadd.s32 $0x10A00, s0;
	p0 =	por $0x0, $0x0;
	s9 =	sadd.s32 s2, s10  }
0x14: {  	vm0 =	vmmov $0xffff;
	v2 =	vlaneseq.u32;
	s10 =	sshll.u32 s14, $0x1;
	s14 =	sshllo.u32 s14, $0x1;
	s11 =	sadd.s32 $0x1, s9  }
0x15: {  	vm1 =	vmxor vm1, vm1;
	vm2 =	vmmov $0x1;
	vm3 =	vcmask $0x3F3C;
	s12 =	sadd.s32 $0x2, s9;
	s13 =	sor.u32 $0x81, s10;
	s15 =	sor.u32 $0x80, s10  }
.LBB2_9:
0x16: {  	p1 =	slt.u32 s24, $0x3  }
0x17: {  	s0 =	simm.s32 @!p1 $0x2  }
0x18: {  	_ =	swait.ge @!p1 [sflag:s0], $0x1F40  }
0x19: {  	[sflag:s0] =	ssyncset.done @!p1 $0x0  }
0x1a: {  	[sflag:s0] =	ssyncadd.s32 @!p1 $0xFFFFE0C0;
	s0 =	simm.s32 @!p1 $0x9  }
0x1b: {  	_ =	swait.ge @!p1 [sflag:s0], $0x10  }
0x1c: {  	[sflag:s0] =	ssyncset.done @!p1 $0x0  }
0x1d: {  	[sflag:s0] =	ssyncadd.s32 @!p1 $0xFFFFFFF0;
	p1 =	sne.s32 s24, s12  }
.Ltmp1:
0x1e: {  	s2 =	sadd.s32 $0x1F40, s23;
	(pc) =	sbr.rel @!p1 .LBB2_10-.Ltmp1, $4  }
0x1f: {  	s22 =	smov.u32 s3;
	s31 =	sadd.s32 $0x1, s24;
	s17 =	sadd.s32 $0x1F40, s17  }
0x20: {  	s18 =	sadd.s32 $0x1, s18;
	s25 =	smov.u32 s23;
	p2 =	slt.s32 s2, s4  }
0x21: {  	p0 =	por !p0, !p0;
	s19 =	sadd.s32 $0x1F40, s19;
	s22 =	smov.u32 @p2 s2  }
0x22: {  	s20 =	sadd.s32 $0x1, s20;
	s23 =	smov.u32 s22;
	s24 =	smov.u32 s31  }
.LBB2_1:
0x23: {  	p1 =	sge.u32 s24, s9  }
0x24: {  	s0 =	smulhi.u32 @!p1 $0xAAAAAAAB, s24;
	_ =	sdelay $0x1  }
0x25: {  	s0 =	sshrl.u32 @!p1 s0, $0x1  }
0x26: {  	s0 =	smul.u32 @!p1 $0x3, s0;
	_ =	sdelay $0x1  }
0x27: {  	s0 =	ssub.s32 @!p1 s24, s0  }
0x28: {  	s0 =	smul.u32 @!p1 $0x7D00, s0;
	_ =	sdelay $0x1  }
0x29: {  	s2 =	sshrl.u32 @!p1 s23, $0x3;
	s0 =	sshrl.u32 @!p1 s0, $0x2  }
0x2a: {  	s22 =	sand.u32 @!p1 $0x7, s23;
	s2 =	sadd.s32 @!p1 s5, s2;
	s0 =	sadd.s32 @!p1 $0x100, s0  }
0x2b: {  	[tilespmem:s0], [sflag:$0x7] =	stream.linear.gather @!p1 [hbm4b:s2+s22], $0x1F40, $0x38;
	[tilespmem:$0x11A60] =	vst v63  }
0x2c: {  	s0 =	sadd.s32 $0xFFFFFFFF, s24  }
0x2d: {  	p1 =	sge.u32 s0, s9  }
.Ltmp2:
0x2e: {  	_ = 	snop;
	(pc) =	sbr.rel @p1 .LBB2_5-.Ltmp2, $1  }
0x2f: {  	_ =	sdelay $0x3  }
0x30: {  	s2 =	smulhi.u32 $0xAAAAAAAB, s0;
	_ =	sdelay $0x1  }
0x31: {  	s2 =	sshrl.u32 s2, $0x1  }
0x32: {  	s2 =	smul.u32 $0x3, s2;
	_ =	sdelay $0x1  }
0x33: {  	s2 =	ssub.s32 s0, s2  }
0x34: {  	s2 =	smul.u32 $0x7D00, s2  }
0x35: {  	_ =	swait.ge [sflag:s7], $0x1F40  }
0x36: {  	[sflag:s7] =	ssyncset.done $0x0;
	s2 =	sshrl.u32 s2, $0x2  }
0x37: {  	[sflag:s7] =	ssyncadd.s32 $0xFFFFE0C0;
	(ifvalue) =	ssetifvalue $0xFFFFFFFF;
	v3 =	vld.msk [tilespmem:s2+$0x100 ss:$0x1], $0xffff;
	_ =	sdelay $0x2  }
0x38: {  	s30 =	smulhi.u32 $0xAAAAAAAB, s18;
	p1 =	sne.s32 s24, $0x1  }
0x39: {  	v4 =	vimm.s32 @!p1 $0x0  }
0x3a: {  	s2 =	sshrl.u32 s30, $0x1;
	v4 =	vperm.xlane @!p1 v3, v4  }
0x3b: {  	s22 =	sshll.u32 s24, $0x4;
	s2 =	smul.u32 $0xFFFE8900, s2;
	vm4 =	vlt.u32 v3, $0x7800  }
0x3c: {  	s22 =	sand.u32 $0x10, s22;
	v3 =	vnsel vm4, $0xFFFFFFFE, v3;
	vm4 =	vlt.u32 @!p1 v4, $0x7800  }
0x3d: {  	s2 =	sshra.s32 s2, $0x2;
	[tilespmem:s22+$0x60] =	vst v3;
	v3 =	vnsel @!p1 vm4, $0xFFFFFFFE, v4  }
0x3e: {  	s28 =	sadd.s32 s2, s17;
	[tilespmem:$0x80] =	vst @!p1 v3  }
0x3f: {  	v3 =	vld.msk [tilespmem:s28+$0x0 ss:$0x1], $0xffff;
	_ =	sdelay $0x4  }
0x40: {  	(xrf1) =	vunique.msk.u32 $0xffff, v3;
	_ =	sdelay $0xd  }
0x41: {  	v4 =	vimm.s32 $0xFFFFFFFF;
	v5, _, _ =	vpop (xrf1)  }
0x42: {  	vm5 =	vne.s32 v3, v4;
	vm4 =	veq.s32 v5, v2  }
0x43: {  	vm6 =	vlt.u32 v3, $0x7800;
	vm4 =	vmand vm5, vm4  }
0x44: {  	vm4 =	vmand vm6, vm4  }
0x45: {  	v4 =	vnsel vm4, $0xFFFFFFFF, v3  }
0x46: {  	s31 =	sand.u32 $0x1, s0  }
0x47: {  	s0 =	simm.s32 $0x1F40;
	p1 =	seq.s32 s31, $0x1  }
0x48: {  	s0 =	simm.s32 @!p1 $0x0  }
0x49: {  	s26 =	sadd.s32 $0x7DF0, s0;
	(ifvalue) =	ssetifvalue $0xFFFFFFFF  }
0x4a: {  	v3 =	vperm.xlane v3, v1;
	[tilespmem:s26], [sflag:$0x8] =	stream.indirect_vreg.gather [hbm4b:s1+s16], $0x1, v4, vm0, $0x4038;
	v4 =	vnsel vm6, $0xFFFFFFFE, v4;
	[tilespmem:$0x11A60] =	vst v63  }
0x4b: {  	s2 =	simm.s32 $0x0;
	s22 =	sadd.s32 $0xFFFFFFF0, s28;
	[tilespmem:s28+$0x0] =	vst v4  }
.LBB2_3:
0x4c: {  	v4 =	vld.msk [tilespmem:s22+$0x0 ss:$0x1], $0xffff;
	s2 =	sadd.s32 $0x10, s2;
	v5 =	vmov v3;
	s28 =	smov.u32 s22  }
0x4d: {  	p1 =	slt.u32 s2, $0x1F30;
	_ =	sdelay $0x4  }
0x4e: {  	v3 =	vperm.xlane v4, v1;
	(xrf1) =	vunique.msk.u32 $0xffff, v4;
	_ =	sdelay $0xd  }
0x4f: {  	v6, _, _ =	vpop (xrf1)  }
0x50: {  	vm5 =	vne.s32 v4, v5;
	vm4 =	veq.s32 v6, v2  }
0x51: {  	vm6 =	vlt.u32 v4, $0x7800;
	vm4 =	vmand vm5, vm4  }
0x52: {  	vm4 =	vmand vm6, vm4  }
0x53: {  	v4 =	vnsel vm4, $0xFFFFFFFF, v4  }
.Ltmp3:
0x54: {  	v5 =	vnsel vm6, $0xFFFFFFFE, v4;
	(pc) =	sbr.rel @p1 .LBB2_3-.Ltmp3, $3  }
0x55: {  	_ =	sdelay $0x1  }
0x56: {  	s22 =	sadd.s32 $0xFFFFFFF0, s22;
	s26 =	sadd.s32 $0xFFFFFFF0, s26;
	(ifvalue) =	ssetifvalue $0xFFFFFFFF  }
0x57: {  	[tilespmem:s26], [sflag:$0x8] =	stream.indirect_vreg.gather [hbm4b:s1+s16], $0x1, v4, vm0, $0x4038;
	[tilespmem:s28+$0x0] =	vst v5  }
0x58: {  	s2 =	sshrl.u32 s25, $0x3  }
0x59: {  	s0 =	sadd.s32 $0x9D40, s0;
	s2 =	sadd.s32 s6, s2  }
0x5a: {  	[tilespmem:s0], [sflag:$0x8] =	stream.linear.gather [hbm:s2], $0x1F40, $0x38;
	[tilespmem:$0x11A60] =	vst v63  }
.LBB2_5:
0x5b: {  	p1 =	slt.u32 s24, $0x2  }
0x5c: {  	p2 =	sge.u32 @!p1 s24, s12  }
0x5d: {  	p1 =	por p1, p2  }
.Ltmp4:
0x5e: {  	_ = 	snop;
	(pc) =	sbr.rel @p1 .LBB2_9-.Ltmp4, $1  }
0x5f: {  	_ =	sdelay $0x3  }
0x60: {  	s0 =	sadd.s32 $0xFFFFFFFE, s24  }
0x61: {  	s2 =	smulhi.u32 $0xAAAAAAAB, s0;
	_ =	sdelay $0x1  }
0x62: {  	s2 =	sshrl.u32 s2, $0x1  }
0x63: {  	s2 =	smul.u32 $0x3, s2;
	_ =	sdelay $0x1  }
0x64: {  	s0 =	ssub.s32 s0, s2  }
0x65: {  	_ =	swait.ge [sflag:s8], $0x3E80;
	s0 =	smul.u32 $0x1F40, s0  }
0x66: {  	p1 =	sne.s32 s24, s11;
	[sflag:s8] =	ssyncset.done $0x0  }
0x67: {  	[sflag:s8] =	ssyncadd.s32 $0xFFFFC180;
	s2 =	sadd.s32 @!p1 $0x203F, s0  }
0x68: {  	[spmem:s13] =	stream.linear.scatter @!p1 [tilespmem:s2], [sflag:$0x1], $0x1, $0x38;
	[tilespmem:$0x11A60] =	vst v63  }
0x69: {  	s2 =	simm.s32 @!p1 $0x1  }
0x6a: {  	_ =	swait.ge @!p1 [sflag:s2], $0x1  }
0x6b: {  	s22 =	sshll.u32 s24, $0x4;
	[sflag:s2] =	ssyncset.done @!p1 $0x0  }
0x6c: {  	s25 =	sand.u32 $0x10, s22;
	[sflag:s2] =	ssyncadd.s32 @!p1 $0xFFFFFFFF  }
0x6d: {  	s2 =	sxor.u32 $0x10, s25;
	v4 =	vld [tilespmem:s25+$0x10]  }
0x6e: {  	v5 =	vld [tilespmem:s2+$0x60]  }
0x6f: {  	v3 =	vld [tilespmem:$0x80];
	_ =	sdelay $0x2  }
0x70: {  	(v2sf) =	vpush v4, $0x0  }
0x71: {  	(v2sf) =	vpush v5, $0x0  }
0x72: {  	(v2sf) =	vpush v3, $0x0;
	_ =	sdelay $0xc  }
0x73: {  	s22 =	spop (v2sf)  }
0x74: {  	s26 =	spop (v2sf)  }
0x75: {  	s28 =	spop (v2sf)  }
0x76: {  	p2 =	seq.s32 s22, s26;
	p3 =	seq.s32 s28, s22  }
0x77: {  	p3 =	por p2, p3  }
0x78: {  	s26 =	sand.u32 $0x1, s24;
	v4 =	vpsel p3, $0xFFFFFFFF, v4  }
0x79: {  	s29 =	smul.u32 $0x1F40, s26;
	[tilespmem:s25+$0x10] =	vst.msk $0x1, v4  }
0x7a: {  	v4 =	vld [tilespmem:$0x30]  }
0x7b: {  	v5 =	vld [tilespmem:s29+$0x9D40]  }
0x7c: {  	v6 =	vld [tilespmem:s25+$0x40];
	_ =	sdelay $0x3  }
0x7d: {  	vm4 =	vmmov vm1;
	v5 =	vadd.f32 v5, v4  }
0x7e: {  	vm5 =	vmmov vm2;
	vm4 =	vmmov @p2 vm2;
	s22 =	sshll.u32 s26, $0x4;
	v4 =	vadd.f32 v6, v4  }
0x7f: {  	s26 =	sor.u32 $0x11A40, s22;
	vm5 =	vmmov @p3 vm1;
	[tilespmem:s29+$0x9D40] =	vst.msk vm4, v5  }
0x80: {  	[tilespmem:s26+$0x0] =	vst.msk vm5, v4  }
0x81: {  	v4 =	vld [tilespmem:s29+$0x7DF0];
	_ =	sdelay $0x3  }
0x82: {  	v5 =	vimm.f32 $0.0e+00  }
0x83: {  	v4 =	vshift.insert v4, v5, s21  }
0x84: {  	s22 =	sor.u32 $0x40, s2  }
0x85: {  	[tilespmem:s22+$0x0] =	vst.msk $0x1, v4  }
0x86: {  	[tilespmem:s29+$0x7DFF] =	vst.msk $0x1, v5  }
0x87: {  	v4 =	vld [tilespmem:s0+$0x2030];
	_ =	sdelay $0x1  }
0x88: {  	s22 =	smulhi.u32 $0xAAAAAAAB, s20;
	s0 =	simm.s32 $0x1  }
0x89: {  	s0 =	simm.s32 @!p0 $0x0  }
0x8a: {  	s22 =	sshrl.u32 s22, $0x1;
	s0 =	smul.u32 $0x7D00, s0  }
0x8b: {  	s22 =	smul.u32 $0xFFFE8900, s22;
	v4 =	vshift.insert v4, v1, s21  }
0x8c: {  	s0 =	sshrl.u32 s0, $0x2  }
0x8d: {  	s22 =	sshra.s32 s22, $0x2;
	s30 =	sadd.s32 $0x9D40, s0;
	[tilespmem:s2+$0x10] =	vst.msk $0x1, v4  }
0x8e: {  	s22 =	sadd.s32 s22, s19;
	v6 =	vld [tilespmem:s30+$0x0]  }
0x8f: {  	v7 =	vld [tilespmem:s22+$0x0];
	_ =	sdelay $0x3  }
0x90: {  	v5 =	vadd.f32 v6, v5  }
0x91: {  	vm4 =	vne.s32 v7, $0xFFFFFFFF  }
0x92: {  	(xrf2) =	vadd.seg.scan.f32 vm4, v5;
	_ =	sdelay $0x3  }
0x93: {  	s31 =	sadd.s32 $0x5EC0, s0;
	v5 =	vperm.xlane v4, v1  }
0x94: {  	v6 =	vld [tilespmem:s31+$0x0]  }
0x95: {  	vm5 =	veq.s32 v7, v3;
	vm6 =	veq.s32 v7, v5  }
0x96: {  	vm7 =	vgt.u32 v7, $0xFFFFFFFD;
	vm6 =	vmor vm6, vm5  }
0x97: {  	vm6 =	vmor vm6, vm7  }
0x98: {  	v9 =	vld [tilespmem:$0xA0];
	v7 =	vsel vm6, $0xFFFFFFFF, v7  }
0x99: {  	v10 =	vld [tilespmem:$0x90];
	v6 =	vsel vm5, $0x0, v6;
	v8, _, _ =	vpop (xrf2)  }
0x9a: {  	v6 =	vadd.f32 v8, v6  }
0x9b: {  	s0 =	sadd.s32 $0xDBC0, s0  }
0x9c: {  	vm4 =	vmand vm4, vm3;
	[tilespmem:s0+$0x0] =	vst v6;
	(ifvalue) =	ssetifvalue $0xFFFFFFFF  }
0x9d: {  	vm6 =	veq.s32 v9, $0x1;
	[hbm4b:s1+s16] =	stream.indirect_vreg.scatter [tilespmem:s0], [sflag:$0x2], $0x1, v7, vm0, $0x4038;
	v7 =	vsel vm4, $0x0, v8;
	[tilespmem:$0x11A60] =	vst v63  }
0x9e: {  	s2 =	simm.s32 $0x0;
	s22 =	sadd.s32 $0x10, s22;
	vm4 =	vmor vm6, vm5;
	v6 =	vsel vm5, v8, v10;
	v7 =	vshift.insert v7, v0, s21  }
.LBB2_7:
0x9f: {  	v8 =	vld [tilespmem:s22+$0x0];
	s30 =	sadd.s32 $0x10, s30  }
0xa0: {  	s31 =	sadd.s32 $0x10, s31;
	v9 =	vld [tilespmem:s30+$0x0]  }
0xa1: {  	s2 =	sadd.s32 $0x10, s2;
	v10 =	vld [tilespmem:s31+$0x0]  }
0xa2: {  	p2 =	slt.u32 s2, $0x1F30;
	_ =	sdelay $0x2  }
0xa3: {  	v7 =	vadd.f32 v9, v7  }
0xa4: {  	vm5 =	vne.s32 v8, $0xFFFFFFFF  }
0xa5: {  	vm6 =	vmand vm5, vm3;
	(xrf2) =	vadd.seg.scan.f32 vm5, v7;
	_ =	sdelay $0x5  }
0xa6: {  	vm7 =	veq.s32 v8, v5;
	vm5 =	veq.s32 v8, v3  }
0xa7: {  	vm8 =	vgt.u32 v8, $0xFFFFFFFD;
	vm4 =	vmor vm4, vm5;
	vm7 =	vmor vm7, vm5  }
0xa8: {  	vm7 =	vmor vm7, vm8  }
0xa9: {  	v8 =	vsel vm7, $0xFFFFFFFF, v8  }
.Ltmp5:
0xaa: {  	v7 =	vsel vm5, $0x0, v10;
	v9, _, _ =	vpop (xrf2);
	(pc) =	sbr.rel @p2 .LBB2_7-.Ltmp5, $4  }
0xab: {  	v6 =	vsel vm5, v9, v6;
	v10 =	vadd.f32 v9, v7;
	v7 =	vsel vm6, $0x0, v9  }
0xac: {  	s0 =	sadd.s32 $0x10, s0;
	v7 =	vshift.insert v7, v0, s21  }
0xad: {  	s22 =	sadd.s32 $0x10, s22;
	[tilespmem:s0+$0x0] =	vst v10;
	(ifvalue) =	ssetifvalue $0xFFFFFFFF  }
0xae: {  	[hbm4b:s1+s16] =	stream.indirect_vreg.scatter [tilespmem:s0], [sflag:$0x2], $0x1, v8, vm0, $0x4038;
	[tilespmem:$0x11A60] =	vst v63  }
0xaf: {  	v3 =	vld [tilespmem:s29+$0xFAF0];
	_ =	sdelay $0x4  }
0xb0: {  	v3 =	vshift.insert v3, v0, s21  }
0xb1: {  	s0 =	simm.s32 $0x30  }
0xb2: {  	[tilespmem:s0+$0x0] =	vst.msk $0x1, v3  }
0xb3: {  	v3 =	vsel vm4, $0x1, v1;
	[tilespmem:$0x90] =	vst v6  }
0xb4: {  	s0 =	sadd.s32 @!p1 $0xFAFF, s29;
	[tilespmem:$0xA0] =	vst v3  }
0xb5: {  	[spmem:s14] =	stream.linear.scatter @!p1 [tilespmem:s0], [sflag:$0x1], $0x1, $0x38;
	[tilespmem:$0x11A60] =	vst v63  }
0xb6: {  	s0 =	simm.s32 @!p1 $0x1  }
0xb7: {  	v3 =	vmctz.xlane @!p1 vm4;
	_ =	swait.ge @!p1 [sflag:s0], $0x1  }
0xb8: {  	(v2sf) =	vpush @!p1 v4, $0x0  }
0xb9: {  	(v2sf) =	vpush @!p1 v3, $0x0;
	_ =	sdelay $0xd  }
0xba: {  	s2 =	spop @!p1 (v2sf)  }
0xbb: {  	s22 =	spop @!p1 (v2sf)  }
0xbc: {  	p2 =	sne.s32 @!p1 s28, s2;
	p3 =	slt.s32 @!p1 s22, $0xF  }
0xbd: {  	[sflag:s0] =	ssyncset.done @!p1 $0x0;
	p2 =	por p2, p1;
	p3 =	por !p3, p1  }
0xbe: {  	[sflag:s0] =	ssyncadd.s32 @!p1 $0xFFFFFFFF;
	v3 =	vimm.s32 @!p2 $0xFFFFFFFF;
	s22 =	simm.s32 @p3 $0xF  }
0xbf: {  	[tilespmem:$0x80] =	vst @!p2 v3;
	s2 =	sadd.s32 @!p1 $0x90, s22  }
0xc0: {  	[spmem:s10] =	stream.linear.scatter @!p1 [tilespmem:s2], [sflag:$0x1], $0x1, $0x38;
	[tilespmem:$0x11A60] =	vst v63  }
0xc1: {  	_ =	swait.ge @!p1 [sflag:s0], $0x1  }
0xc2: {  	[sflag:s0] =	ssyncset.done @!p1 $0x0  }
0xc3: {  	s2 =	simm.s32 @!p1 $0x80;
	[sflag:s0] =	ssyncadd.s32 @!p1 $0xFFFFFFFF  }
0xc4: {  	[spmem:s15] =	stream.linear.scatter @!p1 [tilespmem:s2], [sflag:$0x1], $0x1, $0x38;
	[tilespmem:$0x11A60] =	vst v63  }
0xc5: {  	_ =	swait.ge @!p1 [sflag:s0], $0x1  }
0xc6: {  	[sflag:s0] =	ssyncset.done @!p1 $0x0  }
0xc7: {  	[sflag:s0] =	ssyncadd.s32 @!p1 $0xFFFFFFFF;
	(ifvalue) =	ssetifvalue $0xFFFFFFFF;
	v3 =	vld [tilespmem:s25+$0x10];
	_ =	sdelay $0x3  }
.Ltmp6:
0xc8: {  	_ = 	snop;
	(pc) =	sbr.rel .LBB2_9-.Ltmp6, $3  }
0xc9: {  	_ =	sdelay $0x1  }
0xca: {  	(ifvalue) =	ssetifvalue $0xFFFFFFFF  }
0xcb: {  	[hbm4b:s1+s16] =	stream.indirect_vreg.scatter [tilespmem:s26], [sflag:$0x9], $0x1, v3, vm0, $0x4038;
	[tilespmem:$0x11A60] =	vst v63  }
.LBB2_10:
0xcc: {  	_ =	sfence.sel $0x180000  }
0xcd: {  	s0 =	simm.s32 $0x7;
	[bflag:$0x0] =	sbarrier.arrive $0xFFFF  }
0xce: {  	s26 =	simm.s32 $0x8;
	[sflag:s0] =	ssyncpa.u1 $0x1  }
0xcf: {  	s28 =	simm.s32 $0x9;
	[sflag:s26] =	ssyncpa.u1 $0x1  }
0xd0: {  	[sflag:s28] =	ssyncpa.u1 $0x1  }
0xd1: {  	_ =	sfence.stream.spmem  }
0xd2: {  	s29 =	simm.s32 $0x3;
	[bflag:$0x0] =	sbarrier.arrive $0xFFFF  }
0xd3: {  	s30 =	simm.s32 $0x4;
	[sflag:s29] =	ssyncpa.u1 $0x1  }
0xd4: {  	s31 =	simm.s32 $0x3C;
	s2 =	stileid.u32;
	[sflag:s30] =	ssyncpa.u1 $0x1  }
0xd5: {  	p0 =	sne.s32 s2, $0x0;
	[sflag:s31] =	ssyncpa.u1 $0x1  }
0xd6: {  	s0 =	simm.s32 @p0 $0x1;
	_ =	sfence @p0  }
0xd7: {  	[sflag:s0] =	ssyncpa.u1 @p0 $0x1;
	s0 =	simm.s32 @p0 $0x2  }
0xd8: {  	[sflag:s0] =	ssyncpa.u1 @p0 $0x1  }
0xd9: {  	_ =	strace @p0 $0x90000047  }
0xda: {  	[bflag:$0x2] =	sbarrier.arrive @p0 $0xFFFF  }
0xdb: {  	_ =	shalt @p0  }
.LBB2_11:
0xdc: {  	_ =	sfence.stream.spmem;
	s0 =	simm.s32 $0x5  }
0xdd: {  	s2 =	simm.s32 $0x80;
	s3 =	simm.s32 $0xC0;
	[sflag:s0] =	ssyncpa.u1 $0x0  }
0xde: {  	[tilespmem:s3], [sflag:$0x5] =	stream.linear.gather [spmem:s2], $0x20, $0x38;
	[tilespmem:$0x11A60] =	vst v63  }
0xdf: {  	s2 =	simm.s32 $0x0;
	s3 =	simm.s32 $0xE0  }
0xe0: {  	[tilespmem:s3], [sflag:$0x5] =	stream.linear.gather [spmem:s2], $0x20, $0x38;
	[tilespmem:$0x11A60] =	vst v63  }
.Ltmp7:
0xe1: {  	_ = 	snop;
	(pc) =	sbr.rel .LBB2_12-.Ltmp7, $4  }
0xe2: {  	_ =	swait.ge [sflag:s0], $0x40  }
0xe3: {  	[sflag:s0] =	ssyncset.done $0x0  }
0xe4: {  	s31 =	simm.s32 $0x6;
	[sflag:s0] =	ssyncadd.s32 $0xFFFFFFC0  }
0xe5: {  	s4 =	simm.s32 $0x0;
	[sflag:s31] =	ssyncpa.u1 $0x0  }
.LBB2_17:
0xe6: {  	p0 =	sgt.u32 s5, $0x77FF  }
0xe7: {  	s0 =	sshrl.u32 @!p0 s5, $0x3  }
0xe8: {  	s5 =	sand.u32 @!p0 $0x7, s5;
	s6 =	simm.s32 @!p0 $0xB0;
	s0 =	sadd.s32 @!p0 s1, s0  }
0xe9: {  	[tilespmem:s6], [sflag:$0x6] =	stream.linear.gather @!p0 [hbm4b:s0+s5], $0x1, $0x38;
	[tilespmem:$0x11A60] =	vst v63  }
0xea: {  	s0 =	simm.s32 @!p0 $0x6  }
0xeb: {  	_ =	swait.ge @!p0 [sflag:s0], $0x1  }
0xec: {  	[sflag:s0] =	ssyncset.done @!p0 $0x0  }
0xed: {  	[sflag:s0] =	ssyncadd.s32 @!p0 $0xFFFFFFFF  }
0xee: {  	v2 =	vmov @!p0 s4;
	v1 =	vld.msk @!p0 [tilespmem:$0xB0], $0x1;
	_ =	sdelay $0x3  }
0xef: {  	s0 =	simm.s32 @!p0 $0xE0  }
0xf0: {  	[tilespmem:v2+s0+$0x0], v1 =	vst.idx.ret.add.f32.msk @!p0 $0x1, v1  }
0xf1: {  	[tilespmem:s2+$0xC0] =	vst.msk $0x1, v0  }
0xf2: {  	v0 =	vld.msk [tilespmem:s4+$0xE0], $0x1;
	_ =	sdelay $0x4  }
0xf3: {  	[tilespmem:s2+$0xE0] =	vst.msk $0x1, v0;
	s2 =	sadd.s32 $0x1, s2  }
.LBB2_19:
0xf4: {  	s4 =	sadd.s32 $0x1, s4  }
0xf5: {  	p0 =	sne.s32 s4, $0x20  }
.Ltmp8:
0xf6: {  	_ = 	snop;
	(pc) =	sbr.rel @!p0 .LBB2_20-.Ltmp8, $1  }
0xf7: {  	_ =	sdelay $0x3  }
.LBB2_12:
0xf8: {  	v0 =	vld.msk [tilespmem:s4+$0xC0], $0x1;
	_ =	sdelay $0x4  }
0xf9: {  	(v2sf) =	vpush v0, $0x0;
	_ =	sdelay $0xe  }
0xfa: {  	s5 =	spop (v2sf)  }
0xfb: {  	p0 =	seq.s32 s5, $0xFFFFFFFF  }
.Ltmp9:
0xfc: {  	_ = 	snop;
	(pc) =	sbr.rel @p0 .LBB2_19-.Ltmp9, $1  }
0xfd: {  	_ =	sdelay $0x3  }
0xfe: {  	p0 =	slt.s32 s2, $0x1  }
.Ltmp10:
0xff: {  	_ = 	snop;
	(pc) =	sbr.rel @p0 .LBB2_17-.Ltmp10, $1  }
0x100: {  	_ =	sdelay $0x3  }
0x101: {  	s0 =	simm.s32 $0xC0;
	p0 =	por $0x0, $0x0  }
0x102: {  	v1 =	vld.msk @!p0 [tilespmem:s0+$0x0], $0x1;
	_ =	sdelay $0x4  }
0x103: {  	(v2sf) =	vpush @!p0 v1, $0x0;
	_ =	sdelay $0xd  }
0x104: {  	p2 =	sne.s32 s2, $0x1  }
.Ltmp11:
0x105: {  	s6 =	spop @!p0 (v2sf);
	(pc) =	sbr.rel @!p2 .LBB2_16-.Ltmp11, $4  }
0x106: {  	p1 =	seq.s32 @!p0 s5, s6  }
0x107: {  	s6 =	simm.s32 $0x0;
	p1 =	por !p1, p0  }
0x108: {  	s8 =	simm.s32 $0xFFFFFFFF;
	s6 =	simm.s32 @p1 $0xFFFFFFFF  }
0x109: {  	s7 =	simm.s32 $0x1;
	s6 =	smov.u32 @p0 s8  }
.LBB2_15:
0x10a: {  	s8 =	smov.u32 s6;
	p0 =	sne.s32 s6, $0xFFFFFFFF  }
0x10b: {  	s0 =	sadd.s32 $0x1, s0;
	s6 =	smov.u32 s7;
	s7 =	sadd.s32 $0x1, s7  }
0x10c: {  	p1 =	sne.s32 s2, s7;
	v1 =	vld.msk @!p0 [tilespmem:s0+$0x0], $0x1;
	_ =	sdelay $0x4  }
0x10d: {  	(v2sf) =	vpush @!p0 v1, $0x0;
	_ =	sdelay $0xe  }
.Ltmp12:
0x10e: {  	s9 =	spop @!p0 (v2sf);
	(pc) =	sbr.rel @p1 .LBB2_15-.Ltmp12, $4  }
0x10f: {  	p2 =	seq.s32 @!p0 s5, s9  }
0x110: {  	p2 =	por !p2, p0  }
0x111: {  	s6 =	simm.s32 @p2 $0xFFFFFFFF  }
0x112: {  	s6 =	smov.u32 @p0 s8  }
.LBB2_16:
0x113: {  	p0 =	sne.s32 s6, $0xFFFFFFFF  }
.Ltmp13:
0x114: {  	_ = 	snop;
	(pc) =	sbr.rel @!p0 .LBB2_17-.Ltmp13, $1  }
0x115: {  	_ =	sdelay $0x3  }
0x116: {  	v0 =	vld.msk [tilespmem:s4+$0xE0], $0x1;
	v1 =	vmov s6  }
.Ltmp14:
0x117: {  	_ = 	snop;
	(pc) =	sbr.rel .LBB2_19-.Ltmp14, $2  }
0x118: {  	_ =	sdelay $0x2  }
0x119: {  	[tilespmem:v1+s3+$0x0], v0 =	vst.idx.ret.add.f32.msk $0x1, v0  }
.LBB2_20:
0x11a: {  	p0 =	slt.s32 s2, $0x1  }
.Ltmp15:
0x11b: {  	_ = 	snop;
	(pc) =	sbr.rel @p0 .LBB2_24-.Ltmp15, $3  }
0x11c: {  	_ =	sdelay $0x1  }
0x11d: {  	s0 =	simm.s32 $0x6  }
0x11e: {  	s3 =	simm.s32 $0x0;
	[sflag:s0] =	ssyncpa.u1 $0x1  }
0x11f: {  	s0 =	simm.s32 $0xC0  }
0x120: {  	v0 =	vld.msk [tilespmem:s0+$0x0], $0x1;
	_ =	sdelay $0x4  }
0x121: {  	(v2sf) =	vpush v0, $0x0;
	_ =	sdelay $0xe  }
0x122: {  	s2 =	sadd.s32 $0xFFFFFFFF, s2;
	s4 =	spop (v2sf)  }
0x123: {  	p1 =	sne.s32 s2, $0x0;
	p0 =	sgt.u32 s4, $0x77FF  }
.Ltmp16:
0x124: {  	s5 =	sshrl.u32 @!p0 s4, $0x3;
	(pc) =	sbr.rel @!p1 .LBB2_23-.Ltmp16, $4  }
0x125: {  	s0 =	simm.s32 $0xE0;
	s4 =	sand.u32 @!p0 $0x7, s4;
	s5 =	sadd.s32 @!p0 s1, s5  }
0x126: {  	[hbm4b:s5+s4] =	stream.linear.scatter @!p0 [tilespmem:s0], [sflag:$0x5], $0x1, $0x38;
	[tilespmem:$0x11A60] =	vst v63  }
0x127: {  	s5 =	simm.s32 $0x0  }
0x128: {  	s4 =	simm.s32 $0xC1;
	s5 =	simm.s32 @!p0 $0x4  }
.LBB2_22:
0x129: {  	v0 =	vld.msk [tilespmem:s4+$0x0], $0x1;
	s2 =	sadd.s32 $0xFFFFFFFF, s2;
	s3 =	sadd.s32 s3, s5  }
0x12a: {  	p0 =	sne.s32 s2, $0x0;
	_ =	sdelay $0x3  }
0x12b: {  	(v2sf) =	vpush v0, $0x0;
	_ =	sdelay $0xe  }
.Ltmp17:
0x12c: {  	s6 =	spop (v2sf);
	(pc) =	sbr.rel @p0 .LBB2_22-.Ltmp17, $4  }
0x12d: {  	s5 =	simm.s32 $0x0;
	p1 =	sgt.u32 s6, $0x77FF  }
0x12e: {  	s0 =	sadd.s32 $0x1, s0;
	s5 =	simm.s32 @!p1 $0x4;
	s7 =	sshrl.u32 @!p1 s6, $0x3  }
0x12f: {  	s4 =	sadd.s32 $0x1, s4;
	s6 =	sand.u32 @!p1 $0x7, s6;
	s7 =	sadd.s32 @!p1 s1, s7  }
0x130: {  	[hbm4b:s7+s6] =	stream.linear.scatter @!p1 [tilespmem:s0], [sflag:$0x5], $0x1, $0x38;
	[tilespmem:$0x11A60] =	vst v63  }
.LBB2_23:
0x131: {  	s0 =	sadd.s32 s3, s5  }
0x132: {  	s3 =	sshrl.u32 s0, $0x2  }
.LBB2_24:
0x133: {  	s0 =	simm.s32 $0x5  }
0x134: {  	_ =	swait.ge [sflag:s0], s3  }
0x135: {  	s1 =	ssub.s32 $0x0, s3;
	[sflag:s0] =	ssyncset.done $0x0  }
0x136: {  	[sflag:s0] =	ssyncadd.s32 s1  }
0x137: {  	[sflag:s0] =	ssyncpa.u1 $0x1  }
0x138: {  	s29 =	simm.s32 $0x1;
	_ =	sfence  }
0x139: {  	s30 =	simm.s32 $0x2;
	[sflag:s29] =	ssyncpa.u1 $0x1  }
0x13a: {  	[sflag:s30] =	ssyncpa.u1 $0x1  }
0x13b: {  	_ =	strace $0x90000047  }
0x13c: {  	[bflag:$0x2] =	sbarrier.arrive $0xFFFF  }
0x13d: {  	s31 =	rddreg [dreg:$0x1]  }
0x13e: {  	s0 =	sadd.s32 $0x100000, s31  }
0x13f: {  	[sflag:s0] =	ssyncadd.tile.s32 $0x1;
	_ =	shalt  }
.Lfunc_end2:
_tile_overlayer_lowered:
.L_overlay_start_2:
0x140: {  	(tag) =	ssettag $0x2  }
0x141: {  	s0 =	rddreg [dreg:$0x0];
	s2 =	stileid.u32  }
0x142: {  	s1 =	rddreg [dreg:$0x1];
	p0 =	sne.s32 s2, $0x0  }
0x143: {  	s3 =	rddreg [dreg:$0x2];
	[bflag:$0x3] =	sbarrier.arrive $0xFFFF;
	s2 =	simm.s32 @!p0 $0x1C01  }
0x144: {  	[timem:s3], [sflag:s2] =	dma.local @!p0 [hbm:s0], s1  }
0x145: {  	s0 =	simm.s32 @!p0 $0x1  }
0x146: {  	_ =	swait.ge @!p0 [sflag:s0], s1  }
0x147: {  	s1 =	ssub.s32 @!p0 $0x0, s1;
	[sflag:s0] =	ssyncset.done @!p0 $0x0  }
0x148: {  	[sflag:s0] =	ssyncadd.s32 @!p0 s1  }
0x149: {  	[bflag:$0x3] =	sbarrier.arrive $0xFFFF  }
0x14a: {  	_ =	shalt  }

</sc_bundles>
